<compile_context>
chip_gen: v7x
topology: tpu7x:2x2x1
jax: 0.10.2.dev20260603
libtpu: 0.0.44.dev20260713+nightly
codegen_flags: <defaults>
</compile_context>

<pallas_src>
import functools

import jax
import jax.numpy as jnp
from jax import lax
from jax.experimental import pallas as pl
from jax.experimental.pallas import tpu as pltpu
from jax.experimental.pallas import tpu_sc as plsc

NUM_EXPERTS = 8
TOP_K = 2
NUM_SHARED = 2
DIM = 768
HIDDEN = 1024
TOKENS = 2048

BT = 256
BTE = 768
NT = TOKENS * TOP_K // BTE + NUM_EXPERTS
ROWS = NT * BTE

NUM_WORKERS = 32
TPW = TOKENS // NUM_WORKERS
CHUNK = 32



def _gating_body(x_ref, wg_ref, pos0_ref, pos1_ref, w0_ref, w1_ref,
                 te_ref, aux_ref):
    x = x_ref[...]
    wg = wg_ref[...]
    logits = lax.dot_general(x, wg, (((1,), (1,)), ((), ())),
                             preferred_element_type=jnp.float32)
    m = jnp.max(logits, axis=-1, keepdims=True)
    ex = jnp.exp(logits - m)
    probs = ex / jnp.sum(ex, axis=-1, keepdims=True)

    eidx = lax.broadcasted_iota(jnp.int32, (TOKENS, NUM_EXPERTS), 1)
    v0 = jnp.max(probs, axis=-1, keepdims=True)
    i0 = jnp.min(jnp.where(probs == v0, eidx, NUM_EXPERTS), axis=-1,
                 keepdims=True)
    probs2 = jnp.where(eidx == i0, -jnp.inf, probs)
    v1 = jnp.max(probs2, axis=-1, keepdims=True)
    i1 = jnp.min(jnp.where(probs2 == v1, eidx, NUM_EXPERTS), axis=-1,
                 keepdims=True)
    wsum = v0 + v1
    w0_ref[...] = jnp.broadcast_to(v0 / wsum, (TOKENS, 16))
    w1_ref[...] = jnp.broadcast_to(v1 / wsum, (TOKENS, 16))

    density = jnp.mean(probs, axis=0)
    proxy = jnp.mean(logits, axis=0)
    aux_ref[...] = jnp.sum(density * proxy).reshape(1, 1) * NUM_EXPERTS

    h0 = (eidx == i0).astype(jnp.int32)
    h1 = (eidx == i1).astype(jnp.int32)
    nb = TOKENS // 128
    hr = (h0 + h1).astype(jnp.float32).reshape(nb, 128, NUM_EXPERTS)
    ri = lax.broadcasted_iota(jnp.int32, (128, 128), 0)
    ci = lax.broadcasted_iota(jnp.int32, (128, 128), 1)
    tri = jnp.broadcast_to((ri >= ci).astype(jnp.float32),
                           (nb, 128, 128))
    cw = lax.dot_general(tri, hr, (((2,), (1,)), ((0,), (0,))),
                         preferred_element_type=jnp.float32)
    s = cw[:, 127, :]
    sx = s
    shift = 1
    while shift < nb:
        sx = sx + jnp.concatenate(
            [jnp.zeros((shift, NUM_EXPERTS), jnp.float32), sx[:-shift]],
            axis=0)
        shift *= 2
    c = (cw + (sx - s)[:, None, :]).reshape(TOKENS, NUM_EXPERTS)
    c = c.astype(jnp.int32)
    counts = sx[nb - 1:nb, :].astype(jnp.int32)
    ntiles = (counts + (BTE - 1)) // BTE
    ct = ntiles
    shift = 1
    while shift < NUM_EXPERTS:
        ct = ct + jnp.concatenate(
            [jnp.zeros((1, shift), jnp.int32), ct[:, :-shift]], axis=1)
        shift *= 2
    cum = jnp.concatenate([jnp.zeros((1, 1), jnp.int32), ct], axis=1)
    row_off = cum[:, :NUM_EXPERTS] * BTE

    pos_of = lambda h: jnp.sum(h * (row_off + c - 1), axis=1)
    pos0_ref[...] = pos_of(h0)
    pos1_ref[...] = pos_of(h1)

    tidx = lax.broadcasted_iota(jnp.int32, (NT, NUM_EXPERTS), 0)
    te = jnp.sum((tidx >= cum[0, 1:][None, :]).astype(jnp.int32), axis=1)
    te_ref[...] = jnp.concatenate(
        [jnp.minimum(te, NUM_EXPERTS - 1), ct[0, -1:]], axis=0)


def _gating(x, wg):
    return pl.pallas_call(
        _gating_body,
        out_shape=(
            jax.ShapeDtypeStruct((TOKENS,), jnp.int32),
            jax.ShapeDtypeStruct((TOKENS,), jnp.int32),
            jax.ShapeDtypeStruct((TOKENS, 16), jnp.float32),
            jax.ShapeDtypeStruct((TOKENS, 16), jnp.float32),
            jax.ShapeDtypeStruct((NT + 1,), jnp.int32),
            jax.ShapeDtypeStruct((1, 1), jnp.float32),
        ),
    )(x, wg)



def _scatter_body(x_hbm, pos0_hbm, pos1_hbm, xs_hbm, x_v, i0_v, i1_v,
                  sem0, sem1):
    wid = lax.axis_index("s") * 2 + lax.axis_index("c")
    base = wid * TPW
    pltpu.sync_copy(x_hbm.at[pl.ds(base, TPW)], x_v)
    pltpu.sync_copy(pos0_hbm.at[pl.ds(base, TPW)], i0_v)
    pltpu.sync_copy(pos1_hbm.at[pl.ds(base, TPW)], i1_v)
    c0 = pltpu.async_copy(x_v, xs_hbm.at[i0_v], sem0)
    c1 = pltpu.async_copy(x_v, xs_hbm.at[i1_v], sem1)
    c0.wait()
    c1.wait()


@functools.cache
def _sc_scatter():
    return pl.kernel(
        _scatter_body,
        out_type=jax.ShapeDtypeStruct((ROWS, DIM), jnp.float32),
        mesh=plsc.VectorSubcoreMesh(core_axis_name="c",
                                    subcore_axis_name="s"),
        scratch_types=[
            pltpu.VMEM((TPW, DIM), jnp.float32),
            pltpu.VMEM((TPW,), jnp.int32),
            pltpu.VMEM((TPW,), jnp.int32),
            pltpu.SemaphoreType.DMA,
            pltpu.SemaphoreType.DMA,
        ],
    )



def _expert_body(te_ref, x_ref, w1_ref, w2_ref, y_ref):
    @pl.when(pl.program_id(0) < te_ref[NT])
    def _():
        xb = x_ref[...]
        h = lax.dot_general(xb, w1_ref[0], (((1,), (1,)), ((), ())),
                            preferred_element_type=jnp.float32)
        h = h * jax.nn.sigmoid(h)
        y_ref[...] = lax.dot_general(h, w2_ref[0], (((1,), (1,)), ((), ())),
                                     preferred_element_type=jnp.float32)


def _expert_gemm(te, xs, wr1, wr2):
    grid_spec = pltpu.PrefetchScalarGridSpec(
        num_scalar_prefetch=1,
        grid=(NT,),
        in_specs=[
            pl.BlockSpec((BTE, DIM), lambda i, te: (i, 0)),
            pl.BlockSpec((1, HIDDEN, DIM), lambda i, te: (te[i], 0, 0)),
            pl.BlockSpec((1, DIM, HIDDEN), lambda i, te: (te[i], 0, 0)),
        ],
        out_specs=pl.BlockSpec((BTE, DIM), lambda i, te: (i, 0)),
    )
    return pl.pallas_call(
        _expert_body,
        grid_spec=grid_spec,
        out_shape=jax.ShapeDtypeStruct((ROWS, DIM), jnp.float32),
    )(te, xs, wr1, wr2)



def _shared_body(x_ref, w1_ref, w2_ref, o_ref):
    xb = x_ref[...]
    acc = jnp.zeros((BT, DIM), jnp.float32)
    for s in range(NUM_SHARED):
        h = lax.dot_general(xb, w1_ref[s], (((1,), (1,)), ((), ())),
                            preferred_element_type=jnp.float32)
        h = h * jax.nn.sigmoid(h)
        acc = acc + lax.dot_general(h, w2_ref[s], (((1,), (1,)), ((), ())),
                                    preferred_element_type=jnp.float32)
    o_ref[...] = acc


def _shared(x, ws1, ws2):
    n = x.shape[0]
    return pl.pallas_call(
        _shared_body,
        grid=(n // BT,),
        in_specs=[
            pl.BlockSpec((BT, DIM), lambda i: (i, 0)),
            pl.BlockSpec((NUM_SHARED, HIDDEN, DIM), lambda i: (0, 0, 0)),
            pl.BlockSpec((NUM_SHARED, DIM, HIDDEN), lambda i: (0, 0, 0)),
        ],
        out_specs=pl.BlockSpec((BT, DIM), lambda i: (i, 0)),
        out_shape=jax.ShapeDtypeStruct((n, DIM), jnp.float32),
    )(x, ws1, ws2)



def _gather_body(y_hbm, pos0_hbm, pos1_hbm, w0_hbm, w1_hbm, o_hbm,
                 y0_v, y1_v, i0_v, i1_v, w0_v, w1_v, sem0, sem1):
    wid = lax.axis_index("s") * 2 + lax.axis_index("c")
    base = wid * TPW
    pltpu.sync_copy(pos0_hbm.at[pl.ds(base, TPW)], i0_v)
    pltpu.sync_copy(pos1_hbm.at[pl.ds(base, TPW)], i1_v)
    c0 = pltpu.async_copy(y_hbm.at[i0_v], y0_v, sem0)
    c1 = pltpu.async_copy(y_hbm.at[i1_v], y1_v, sem1)
    pltpu.sync_copy(w0_hbm.at[pl.ds(base, TPW)], w0_v)
    pltpu.sync_copy(w1_hbm.at[pl.ds(base, TPW)], w1_v)
    c0.wait()
    c1.wait()

    def token(i, _):
        a = w0_v[i, :]
        b = w1_v[i, :]
        for j in range(DIM // 16):
            sl = pl.ds(j * 16, 16)
            y0_v[i, sl] = a * y0_v[i, sl] + b * y1_v[i, sl]
        return 0

    lax.fori_loop(0, TPW, token, 0)
    pltpu.sync_copy(y0_v, o_hbm.at[pl.ds(base, TPW)])


@functools.cache
def _sc_gather():
    return pl.kernel(
        _gather_body,
        out_type=jax.ShapeDtypeStruct((TOKENS, DIM), jnp.float32),
        mesh=plsc.VectorSubcoreMesh(core_axis_name="c",
                                    subcore_axis_name="s"),
        scratch_types=[
            pltpu.VMEM((TPW, DIM), jnp.float32),
            pltpu.VMEM((TPW, DIM), jnp.float32),
            pltpu.VMEM((TPW,), jnp.int32),
            pltpu.VMEM((TPW,), jnp.int32),
            pltpu.VMEM((TPW, 16), jnp.float32),
            pltpu.VMEM((TPW, 16), jnp.float32),
            pltpu.SemaphoreType.DMA,
            pltpu.SemaphoreType.DMA,
        ],
    )



def _combine_body(sh_ref, yr_ref, o_ref):
    o_ref[...] = sh_ref[...] + yr_ref[...]


def _combine(sh, yr):
    return pl.pallas_call(
        _combine_body,
        grid=(TOKENS // BT,),
        in_specs=[
            pl.BlockSpec((BT, DIM), lambda i: (i, 0)),
            pl.BlockSpec((BT, DIM), lambda i: (i, 0)),
        ],
        out_specs=pl.BlockSpec((BT, DIM), lambda i: (i, 0)),
        out_shape=jax.ShapeDtypeStruct((TOKENS, DIM), jnp.float32),
    )(sh, yr)



@jax.jit
def kernel(x, Wg, Ws1, Ws2, Wr1, Wr2):
    shape = x.shape
    xf = x.reshape(TOKENS, DIM)
    pos0, pos1, w0, w1, te, aux = _gating(xf, Wg)
    sh = _shared(xf, Ws1, Ws2)
    xs = _sc_scatter()(xf, pos0, pos1)
    y = _expert_gemm(te, xs, Wr1, Wr2)
    yr = _sc_gather()(y, pos0, pos1, w0, w1)
    out = _combine(sh, yr)
    return out.reshape(shape), aux[0, 0]

# --- scband reference (transcript-rebuilt; emitter-appended) ---
"""Pipeline reference for scband-deep-seek-mo-e-41523743818317 (READ-ONLY COPY).

The authoritative reference and input builder live on the scoring server;
editing this copy changes nothing except your own understanding.
"""

import jax, jax.numpy as jnp
import numpy as np

NUM_EXPERTS = 8
TOP_K = 2
NUM_SHARED = 2
DIM = 768
HIDDEN = 1024
B, S = 1, 2048


def setup_inputs(seed: int = 0) -> dict:
    key = jax.random.key(seed)
    ks = jax.random.split(key, 6)
    x = jax.random.normal(ks[0], (B, S, DIM), dtype=jnp.float32)
    Wg = jax.random.normal(ks[1], (NUM_EXPERTS, DIM), dtype=jnp.float32) * 0.02
    Ws1 = jax.random.normal(ks[2], (NUM_SHARED, HIDDEN, DIM), dtype=jnp.float32) * 0.02
    Ws2 = jax.random.normal(ks[3], (NUM_SHARED, DIM, HIDDEN), dtype=jnp.float32) * 0.02
    Wr1 = jax.random.normal(ks[4], (NUM_EXPERTS, HIDDEN, DIM), dtype=jnp.float32) * 0.02
    Wr2 = jax.random.normal(ks[5], (NUM_EXPERTS, DIM, HIDDEN), dtype=jnp.float32) * 0.02
    return {"x": x, "Wg": Wg, "Ws1": Ws1, "Ws2": Ws2, "Wr1": Wr1, "Wr2": Wr2}


def reference(x, Wg, Ws1, Ws2, Wr1, Wr2):
    original_shape = x.shape
    x_flat = x.reshape(-1, original_shape[-1])
    # shared experts: sum of SwiGLU-style MLPs (Linear -> SiLU -> Linear, no bias)
    shared_out = jnp.zeros_like(x_flat)
    for s in range(NUM_SHARED):
        h = jax.nn.silu(x_flat @ Ws1[s].T)
        shared_out = shared_out + h @ Ws2[s].T
    # gating
    logits = x_flat @ Wg.T
    probs = jax.nn.softmax(logits, axis=-1)
    top_k_weights, top_k_indices = jax.lax.top_k(probs, TOP_K)
    top_k_weights = top_k_weights / jnp.sum(top_k_weights, axis=-1, keepdims=True)
    # aux loss
    density_1 = jnp.mean(probs, axis=0)
    density_1_proxy = jnp.mean(logits, axis=0)
    aux_loss = jnp.sum(density_1 * density_1_proxy) * NUM_EXPERTS
    # routed experts: per-token weight for expert i is sum over top-k slots matching i
    final_out = jnp.zeros_like(x_flat)
    for i in range(NUM_EXPERTS):
        expert_out = jax.nn.silu(x_flat @ Wr1[i].T) @ Wr2[i].T
        weight_i = jnp.sum(jnp.where(top_k_indices == i, top_k_weights, 0.0), axis=-1)
        final_out = final_out + expert_out * weight_i[:, None]
    total_out = shared_out + final_out
    return (total_out.reshape(original_shape), aux_loss)


if False:  # reference __main__ guard neutralized (emitter)
    inp = setup_inputs()
    out, aux = reference(**inp)
    print(out.shape, aux)

if __name__ == "__main__":
    import jax
    _d = setup_inputs()
    print(jax.jit(kernel)(*tuple(_d.values())))

</pallas_src>

<mosaic_0001>
#map = affine_map<(d0, d1) -> (0, 0)>
#map1 = affine_map<(d0, d1) -> (0)>
module attributes {stable_mosaic.version = 14 : i64} {
  func.func @_gather_body(%arg0: i32, %arg1: i32, %arg2: memref<9984x768xf32, #tpu.memory_space<hbm>>, %arg3: memref<2048xi32, #tpu.memory_space<hbm>>, %arg4: memref<2048xi32, #tpu.memory_space<hbm>>, %arg5: memref<2048x16xf32, #tpu.memory_space<hbm>>, %arg6: memref<2048x16xf32, #tpu.memory_space<hbm>>, %arg7: memref<2048x768xf32, #tpu.memory_space<hbm>>, %arg8: memref<64x768xf32, #tpu.memory_space<vmem>>, %arg9: memref<64x768xf32, #tpu.memory_space<vmem>>, %arg10: memref<64xi32, #tpu.memory_space<vmem>>, %arg11: memref<64xi32, #tpu.memory_space<vmem>>, %arg12: memref<64x16xf32, #tpu.memory_space<vmem>>, %arg13: memref<64x16xf32, #tpu.memory_space<vmem>>, %arg14: memref<!tpu.dma_semaphore, #tpu.memory_space<semaphore_mem>>, %arg15: memref<!tpu.dma_semaphore, #tpu.memory_space<semaphore_mem>>) attributes {dimension_semantics = [#tpu.dimension_semantics<core_parallel>, #tpu.dimension_semantics<subcore_parallel>], iteration_bounds = array<i64: 2, 16>, scalar_prefetch = 0 : i64, scratch_operands = 8 : i64, tpu.core_type = #tpu.core_type<sc_vector_subcore>, window_params = [{transform_indices = #map}, {transform_indices = #map1}, {transform_indices = #map1}, {transform_indices = #map}, {transform_indices = #map}, {transform_indices = #map}]} {
    %mul3A = arith.constant 2 : i32
    %mul3A_0 = arith.muli %arg1, %mul3A : i32
    %add3A = arith.addi %mul3A_0, %arg0 : i32
    %mul3A_1 = arith.constant 64 : i32
    %mul3A_2 = arith.muli %add3A, %mul3A_1 : i32
    "tpu.region"() ({
      %run_scoped3A = tpu.sem_alloc : memref<!tpu.dma_semaphore, #tpu.memory_space<semaphore_mem>>
      %dma_start3A_19 = tpu.memref_slice %arg3[%mul3A_2] : memref<2048xi32, #tpu.memory_space<hbm>> -> memref<64xi32, #tpu.memory_space<hbm>>
      %dma_start3A_20 = tpu.memref_slice %arg3[%mul3A_2] : memref<2048xi32, #tpu.memory_space<hbm>> -> memref<64xi32, #tpu.memory_space<hbm>>
      tpu.enqueue_dma source(%dma_start3A_20 : memref<64xi32, #tpu.memory_space<hbm>>) target(%arg10 : memref<64xi32, #tpu.memory_space<vmem>>) target_semaphore(%run_scoped3A : memref<!tpu.dma_semaphore, #tpu.memory_space<semaphore_mem>>)
      %dma_wait3A_21 = tpu.memref_slice %arg3[%mul3A_2] : memref<2048xi32, #tpu.memory_space<hbm>> -> memref<64xi32, #tpu.memory_space<hbm>>
      %dma_wait3A_22 = tpu.memref_slice %arg3[%mul3A_2] : memref<2048xi32, #tpu.memory_space<hbm>> -> memref<64xi32, #tpu.memory_space<hbm>>
      tpu.wait_dma2 semaphore(%run_scoped3A : memref<!tpu.dma_semaphore, #tpu.memory_space<semaphore_mem>>) src(%dma_wait3A_22 : memref<64xi32, #tpu.memory_space<hbm>>) dst(%arg10 : memref<64xi32, #tpu.memory_space<vmem>>)
      tpu.yield
    }) : () -> ()
    "tpu.region"() ({
      %run_scoped3A = tpu.sem_alloc : memref<!tpu.dma_semaphore, #tpu.memory_space<semaphore_mem>>
      %dma_start3A_19 = tpu.memref_slice %arg4[%mul3A_2] : memref<2048xi32, #tpu.memory_space<hbm>> -> memref<64xi32, #tpu.memory_space<hbm>>
      %dma_start3A_20 = tpu.memref_slice %arg4[%mul3A_2] : memref<2048xi32, #tpu.memory_space<hbm>> -> memref<64xi32, #tpu.memory_space<hbm>>
      tpu.enqueue_dma source(%dma_start3A_20 : memref<64xi32, #tpu.memory_space<hbm>>) target(%arg11 : memref<64xi32, #tpu.memory_space<vmem>>) target_semaphore(%run_scoped3A : memref<!tpu.dma_semaphore, #tpu.memory_space<semaphore_mem>>)
      %dma_wait3A_21 = tpu.memref_slice %arg4[%mul3A_2] : memref<2048xi32, #tpu.memory_space<hbm>> -> memref<64xi32, #tpu.memory_space<hbm>>
      %dma_wait3A_22 = tpu.memref_slice %arg4[%mul3A_2] : memref<2048xi32, #tpu.memory_space<hbm>> -> memref<64xi32, #tpu.memory_space<hbm>>
      tpu.wait_dma2 semaphore(%run_scoped3A : memref<!tpu.dma_semaphore, #tpu.memory_space<semaphore_mem>>) src(%dma_wait3A_22 : memref<64xi32, #tpu.memory_space<hbm>>) dst(%arg11 : memref<64xi32, #tpu.memory_space<vmem>>)
      tpu.yield
    }) : () -> ()
    %dma_start3A = arith.constant 0 : i32
    %dma_start3A_3 = arith.constant 0 : i32
    %dma_start3A_4 = tpu.memref_slice %arg2[%dma_start3A, %dma_start3A_3] : memref<9984x768xf32, #tpu.memory_space<hbm>> -> memref<9984x768xf32, #tpu.memory_space<hbm>>
    tpu.enqueue_indirect_dma source(%dma_start3A_4 : memref<9984x768xf32, #tpu.memory_space<hbm>>) target(%arg8 : memref<64x768xf32, #tpu.memory_space<vmem>>) offsets(%arg10 : memref<64xi32, #tpu.memory_space<vmem>>) semaphore(%arg14 : memref<!tpu.dma_semaphore, #tpu.memory_space<semaphore_mem>>)
    %dma_start3A_5 = arith.constant 0 : i32
    %dma_start3A_6 = arith.constant 0 : i32
    %dma_start3A_7 = tpu.memref_slice %arg2[%dma_start3A_5, %dma_start3A_6] : memref<9984x768xf32, #tpu.memory_space<hbm>> -> memref<9984x768xf32, #tpu.memory_space<hbm>>
    tpu.enqueue_indirect_dma source(%dma_start3A_7 : memref<9984x768xf32, #tpu.memory_space<hbm>>) target(%arg9 : memref<64x768xf32, #tpu.memory_space<vmem>>) offsets(%arg11 : memref<64xi32, #tpu.memory_space<vmem>>) semaphore(%arg15 : memref<!tpu.dma_semaphore, #tpu.memory_space<semaphore_mem>>)
    "tpu.region"() ({
      %run_scoped3A = tpu.sem_alloc : memref<!tpu.dma_semaphore, #tpu.memory_space<semaphore_mem>>
      %dma_start3A_19 = arith.constant 0 : i32
      %dma_start3A_20 = tpu.memref_slice %arg5[%mul3A_2, %dma_start3A_19] : memref<2048x16xf32, #tpu.memory_space<hbm>> -> memref<64x16xf32, #tpu.memory_space<hbm>>
      %dma_start3A_21 = arith.constant 0 : i32
      %dma_start3A_22 = tpu.memref_slice %arg5[%mul3A_2, %dma_start3A_21] : memref<2048x16xf32, #tpu.memory_space<hbm>> -> memref<64x16xf32, #tpu.memory_space<hbm>>
      tpu.enqueue_dma source(%dma_start3A_22 : memref<64x16xf32, #tpu.memory_space<hbm>>) target(%arg12 : memref<64x16xf32, #tpu.memory_space<vmem>>) target_semaphore(%run_scoped3A : memref<!tpu.dma_semaphore, #tpu.memory_space<semaphore_mem>>)
      %dma_wait3A_23 = arith.constant 0 : i32
      %dma_wait3A_24 = tpu.memref_slice %arg5[%mul3A_2, %dma_wait3A_23] : memref<2048x16xf32, #tpu.memory_space<hbm>> -> memref<64x16xf32, #tpu.memory_space<hbm>>
      %dma_wait3A_25 = arith.constant 0 : i32
      %dma_wait3A_26 = tpu.memref_slice %arg5[%mul3A_2, %dma_wait3A_25] : memref<2048x16xf32, #tpu.memory_space<hbm>> -> memref<64x16xf32, #tpu.memory_space<hbm>>
      tpu.wait_dma2 semaphore(%run_scoped3A : memref<!tpu.dma_semaphore, #tpu.memory_space<semaphore_mem>>) src(%dma_wait3A_26 : memref<64x16xf32, #tpu.memory_space<hbm>>) dst(%arg12 : memref<64x16xf32, #tpu.memory_space<vmem>>)
      tpu.yield
    }) : () -> ()
    "tpu.region"() ({
      %run_scoped3A = tpu.sem_alloc : memref<!tpu.dma_semaphore, #tpu.memory_space<semaphore_mem>>
      %dma_start3A_19 = arith.constant 0 : i32
      %dma_start3A_20 = tpu.memref_slice %arg6[%mul3A_2, %dma_start3A_19] : memref<2048x16xf32, #tpu.memory_space<hbm>> -> memref<64x16xf32, #tpu.memory_space<hbm>>
      %dma_start3A_21 = arith.constant 0 : i32
      %dma_start3A_22 = tpu.memref_slice %arg6[%mul3A_2, %dma_start3A_21] : memref<2048x16xf32, #tpu.memory_space<hbm>> -> memref<64x16xf32, #tpu.memory_space<hbm>>
      tpu.enqueue_dma source(%dma_start3A_22 : memref<64x16xf32, #tpu.memory_space<hbm>>) target(%arg13 : memref<64x16xf32, #tpu.memory_space<vmem>>) target_semaphore(%run_scoped3A : memref<!tpu.dma_semaphore, #tpu.memory_space<semaphore_mem>>)
      %dma_wait3A_23 = arith.constant 0 : i32
      %dma_wait3A_24 = tpu.memref_slice %arg6[%mul3A_2, %dma_wait3A_23] : memref<2048x16xf32, #tpu.memory_space<hbm>> -> memref<64x16xf32, #tpu.memory_space<hbm>>
      %dma_wait3A_25 = arith.constant 0 : i32
      %dma_wait3A_26 = tpu.memref_slice %arg6[%mul3A_2, %dma_wait3A_25] : memref<2048x16xf32, #tpu.memory_space<hbm>> -> memref<64x16xf32, #tpu.memory_space<hbm>>
      tpu.wait_dma2 semaphore(%run_scoped3A : memref<!tpu.dma_semaphore, #tpu.memory_space<semaphore_mem>>) src(%dma_wait3A_26 : memref<64x16xf32, #tpu.memory_space<hbm>>) dst(%arg13 : memref<64x16xf32, #tpu.memory_space<vmem>>)
      tpu.yield
    }) : () -> ()
    %dma_wait3A = arith.constant 0 : i32
    %dma_wait3A_8 = arith.constant 0 : i32
    %dma_wait3A_9 = tpu.memref_slice %arg2[%dma_wait3A, %dma_wait3A_8] : memref<9984x768xf32, #tpu.memory_space<hbm>> -> memref<9984x768xf32, #tpu.memory_space<hbm>>
    tpu.wait_indirect_dma semaphore(%arg14 : memref<!tpu.dma_semaphore, #tpu.memory_space<semaphore_mem>>) src(%dma_wait3A_9 : memref<9984x768xf32, #tpu.memory_space<hbm>>) dst(%arg8 : memref<64x768xf32, #tpu.memory_space<vmem>>)
    %dma_wait3A_10 = arith.constant 0 : i32
    %dma_wait3A_11 = arith.constant 0 : i32
    %dma_wait3A_12 = tpu.memref_slice %arg2[%dma_wait3A_10, %dma_wait3A_11] : memref<9984x768xf32, #tpu.memory_space<hbm>> -> memref<9984x768xf32, #tpu.memory_space<hbm>>
    tpu.wait_indirect_dma semaphore(%arg15 : memref<!tpu.dma_semaphore, #tpu.memory_space<semaphore_mem>>) src(%dma_wait3A_12 : memref<9984x768xf32, #tpu.memory_space<hbm>>) dst(%arg9 : memref<64x768xf32, #tpu.memory_space<vmem>>)
    %scan3A = arith.constant 0 : i32
    %scan3A_13 = arith.constant 0 : i32
    %scan3A_14 = arith.constant 64 : i32
    %scan3A_15 = arith.addi %scan3A_13, %scan3A_14 : i32
    %scan3A_16 = arith.constant 1 : i32
    %scan3A_17 = scf.for %scan3A_19 = %scan3A_13 to %scan3A_15 step %scan3A_16 iter_args(%scan3A_20 = %scan3A) -> (i32)  : i32 {
      %get3A = arith.index_cast %scan3A_19 : i32 to index
      %get3A_21 = arith.constant 0 : index
      %get3A_22 = tpu.vector_load %arg12[%get3A, %get3A_21] {strides = array<i32>} : memref<64x16xf32, #tpu.memory_space<vmem>>, vector<1x16xf32>,
      %get3A_23 = vector.shape_cast %get3A_22 : vector<1x16xf32> to vector<16xf32>
      %get3A_24 = arith.index_cast %scan3A_19 : i32 to index
      %get3A_25 = arith.constant 0 : index
      %get3A_26 = tpu.vector_load %arg13[%get3A_24, %get3A_25] {strides = array<i32>} : memref<64x16xf32, #tpu.memory_space<vmem>>, vector<1x16xf32>,
      %get3A_27 = vector.shape_cast %get3A_26 : vector<1x16xf32> to vector<16xf32>
      %get3A_28 = arith.index_cast %scan3A_19 : i32 to index
      %get3A_29 = arith.constant 0 : index
      %get3A_30 = tpu.vector_load %arg8[%get3A_28, %get3A_29] {strides = array<i32>} : memref<64x768xf32, #tpu.memory_space<vmem>>, vector<1x16xf32>,
      %get3A_31 = vector.shape_cast %get3A_30 : vector<1x16xf32> to vector<16xf32>
      %mul3A_32 = arith.mulf %get3A_23, %get3A_31 : vector<16xf32>
      %get3A_33 = arith.index_cast %scan3A_19 : i32 to index
      %get3A_34 = arith.constant 0 : index
      %get3A_35 = tpu.vector_load %arg9[%get3A_33, %get3A_34] {strides = array<i32>} : memref<64x768xf32, #tpu.memory_space<vmem>>, vector<1x16xf32>,
      %get3A_36 = vector.shape_cast %get3A_35 : vector<1x16xf32> to vector<16xf32>
      %mul3A_37 = arith.mulf %get3A_27, %get3A_36 : vector<16xf32>
      %add3A_38 = arith.addf %mul3A_32, %mul3A_37 : vector<16xf32>
      %swap3A = arith.index_cast %scan3A_19 : i32 to index
      %swap3A_39 = arith.constant 0 : index
      %swap3A_40 = tpu.vector_load %arg8[%swap3A, %swap3A_39] {strides = array<i32>} : memref<64x768xf32, #tpu.memory_space<vmem>>, vector<1x16xf32>,
      %swap3A_41 = vector.shape_cast %swap3A_40 : vector<1x16xf32> to vector<16xf32>
      %swap3A_42 = vector.shape_cast %add3A_38 : vector<16xf32> to vector<1x16xf32>
      tpu.vector_store %arg8[%swap3A, %swap3A_39], %swap3A_42 {strides = array<i32>} : memref<64x768xf32, #tpu.memory_space<vmem>>, vector<1x16xf32>,
      %get3A_43 = arith.index_cast %scan3A_19 : i32 to index
      %get3A_44 = arith.constant 16 : index
      %get3A_45 = tpu.vector_load %arg8[%get3A_43, %get3A_44] {strides = array<i32>} : memref<64x768xf32, #tpu.memory_space<vmem>>, vector<1x16xf32>,
      %get3A_46 = vector.shape_cast %get3A_45 : vector<1x16xf32> to vector<16xf32>
      %mul3A_47 = arith.mulf %get3A_23, %get3A_46 : vector<16xf32>
      %get3A_48 = arith.index_cast %scan3A_19 : i32 to index
      %get3A_49 = arith.constant 16 : index
      %get3A_50 = tpu.vector_load %arg9[%get3A_48, %get3A_49] {strides = array<i32>} : memref<64x768xf32, #tpu.memory_space<vmem>>, vector<1x16xf32>,
      %get3A_51 = vector.shape_cast %get3A_50 : vector<1x16xf32> to vector<16xf32>
      %mul3A_52 = arith.mulf %get3A_27, %get3A_51 : vector<16xf32>
      %add3A_53 = arith.addf %mul3A_47, %mul3A_52 : vector<16xf32>
      %swap3A_54 = arith.index_cast %scan3A_19 : i32 to index
      %swap3A_55 = arith.constant 16 : index
      %swap3A_56 = tpu.vector_load %arg8[%swap3A_54, %swap3A_55] {strides = array<i32>} : memref<64x768xf32, #tpu.memory_space<vmem>>, vector<1x16xf32>,
      %swap3A_57 = vector.shape_cast %swap3A_56 : vector<1x16xf32> to vector<16xf32>
      %swap3A_58 = vector.shape_cast %add3A_53 : vector<16xf32> to vector<1x16xf32>
      tpu.vector_store %arg8[%swap3A_54, %swap3A_55], %swap3A_58 {strides = array<i32>} : memref<64x768xf32, #tpu.memory_space<vmem>>, vector<1x16xf32>,
      %get3A_59 = arith.index_cast %scan3A_19 : i32 to index
      %get3A_60 = arith.constant 32 : index
      %get3A_61 = tpu.vector_load %arg8[%get3A_59, %get3A_60] {strides = array<i32>} : memref<64x768xf32, #tpu.memory_space<vmem>>, vector<1x16xf32>,
      %get3A_62 = vector.shape_cast %get3A_61 : vector<1x16xf32> to vector<16xf32>
      %mul3A_63 = arith.mulf %get3A_23, %get3A_62 : vector<16xf32>
      %get3A_64 = arith.index_cast %scan3A_19 : i32 to index
      %get3A_65 = arith.constant 32 : index
      %get3A_66 = tpu.vector_load %arg9[%get3A_64, %get3A_65] {strides = array<i32>} : memref<64x768xf32, #tpu.memory_space<vmem>>, vector<1x16xf32>,
      %get3A_67 = vector.shape_cast %get3A_66 : vector<1x16xf32> to vector<16xf32>
      %mul3A_68 = arith.mulf %get3A_27, %get3A_67 : vector<16xf32>
      %add3A_69 = arith.addf %mul3A_63, %mul3A_68 : vector<16xf32>
      %swap3A_70 = arith.index_cast %scan3A_19 : i32 to index
      %swap3A_71 = arith.constant 32 : index
      %swap3A_72 = tpu.vector_load %arg8[%swap3A_70, %swap3A_71] {strides = array<i32>} : memref<64x768xf32, #tpu.memory_space<vmem>>, vector<1x16xf32>,
      %swap3A_73 = vector.shape_cast %swap3A_72 : vector<1x16xf32> to vector<16xf32>
      %swap3A_74 = vector.shape_cast %add3A_69 : vector<16xf32> to vector<1x16xf32>
      tpu.vector_store %arg8[%swap3A_70, %swap3A_71], %swap3A_74 {strides = array<i32>} : memref<64x768xf32, #tpu.memory_space<vmem>>, vector<1x16xf32>,
      %get3A_75 = arith.index_cast %scan3A_19 : i32 to index
      %get3A_76 = arith.constant 48 : index
      %get3A_77 = tpu.vector_load %arg8[%get3A_75, %get3A_76] {strides = array<i32>} : memref<64x768xf32, #tpu.memory_space<vmem>>, vector<1x16xf32>,
      %get3A_78 = vector.shape_cast %get3A_77 : vector<1x16xf32> to vector<16xf32>
      %mul3A_79 = arith.mulf %get3A_23, %get3A_78 : vector<16xf32>
      %get3A_80 = arith.index_cast %scan3A_19 : i32 to index
      %get3A_81 = arith.constant 48 : index
      %get3A_82 = tpu.vector_load %arg9[%get3A_80, %get3A_81] {strides = array<i32>} : memref<64x768xf32, #tpu.memory_space<vmem>>, vector<1x16xf32>,
      %get3A_83 = vector.shape_cast %get3A_82 : vector<1x16xf32> to vector<16xf32>
      %mul3A_84 = arith.mulf %get3A_27, %get3A_83 : vector<16xf32>
      %add3A_85 = arith.addf %mul3A_79, %mul3A_84 : vector<16xf32>
      %swap3A_86 = arith.index_cast %scan3A_19 : i32 to index
      %swap3A_87 = arith.constant 48 : index
      %swap3A_88 = tpu.vector_load %arg8[%swap3A_86, %swap3A_87] {strides = array<i32>} : memref<64x768xf32, #tpu.memory_space<vmem>>, vector<1x16xf32>,
      %swap3A_89 = vector.shape_cast %swap3A_88 : vector<1x16xf32> to vector<16xf32>
      %swap3A_90 = vector.shape_cast %add3A_85 : vector<16xf32> to vector<1x16xf32>
      tpu.vector_store %arg8[%swap3A_86, %swap3A_87], %swap3A_90 {strides = array<i32>} : memref<64x768xf32, #tpu.memory_space<vmem>>, vector<1x16xf32>,
      %get3A_91 = arith.index_cast %scan3A_19 : i32 to index
      %get3A_92 = arith.constant 64 : index
      %get3A_93 = tpu.vector_load %arg8[%get3A_91, %get3A_92] {strides = array<i32>} : memref<64x768xf32, #tpu.memory_space<vmem>>, vector<1x16xf32>,
      %get3A_94 = vector.shape_cast %get3A_93 : vector<1x16xf32> to vector<16xf32>
      %mul3A_95 = arith.mulf %get3A_23, %get3A_94 : vector<16xf32>
      %get3A_96 = arith.index_cast %scan3A_19 : i32 to index
      %get3A_97 = arith.constant 64 : index
      %get3A_98 = tpu.vector_load %arg9[%get3A_96, %get3A_97] {strides = array<i32>} : memref<64x768xf32, #tpu.memory_space<vmem>>, vector<1x16xf32>,
      %get3A_99 = vector.shape_cast %get3A_98 : vector<1x16xf32> to vector<16xf32>
      %mul3A_100 = arith.mulf %get3A_27, %get3A_99 : vector<16xf32>
      %add3A_101 = arith.addf %mul3A_95, %mul3A_100 : vector<16xf32>
      %swap3A_102 = arith.index_cast %scan3A_19 : i32 to index
      %swap3A_103 = arith.constant 64 : index
      %swap3A_104 = tpu.vector_load %arg8[%swap3A_102, %swap3A_103] {strides = array<i32>} : memref<64x768xf32, #tpu.memory_space<vmem>>, vector<1x16xf32>,
      %swap3A_105 = vector.shape_cast %swap3A_104 : vector<1x16xf32> to vector<16xf32>
      %swap3A_106 = vector.shape_cast %add3A_101 : vector<16xf32> to vector<1x16xf32>
      tpu.vector_store %arg8[%swap3A_102, %swap3A_103], %swap3A_106 {strides = array<i32>} : memref<64x768xf32, #tpu.memory_space<vmem>>, vector<1x16xf32>,
      %get3A_107 = arith.index_cast %scan3A_19 : i32 to index
      %get3A_108 = arith.constant 80 : index
      %get3A_109 = tpu.vector_load %arg8[%get3A_107, %get3A_108] {strides = array<i32>} : memref<64x768xf32, #tpu.memory_space<vmem>>, vector<1x16xf32>,
      %get3A_110 = vector.shape_cast %get3A_109 : vector<1x16xf32> to vector<16xf32>
      %mul3A_111 = arith.mulf %get3A_23, %get3A_110 : vector<16xf32>
      %get3A_112 = arith.index_cast %scan3A_19 : i32 to index
      %get3A_113 = arith.constant 80 : index
      %get3A_114 = tpu.vector_load %arg9[%get3A_112, %get3A_113] {strides = array<i32>} : memref<64x768xf32, #tpu.memory_space<vmem>>, vector<1x16xf32>,
      %get3A_115 = vector.shape_cast %get3A_114 : vector<1x16xf32> to vector<16xf32>
      %mul3A_116 = arith.mulf %get3A_27, %get3A_115 : vector<16xf32>
      %add3A_117 = arith.addf %mul3A_111, %mul3A_116 : vector<16xf32>
      %swap3A_118 = arith.index_cast %scan3A_19 : i32 to index
      %swap3A_119 = arith.constant 80 : index
      %swap3A_120 = tpu.vector_load %arg8[%swap3A_118, %swap3A_119] {strides = array<i32>} : memref<64x768xf32, #tpu.memory_space<vmem>>, vector<1x16xf32>,
      %swap3A_121 = vector.shape_cast %swap3A_120 : vector<1x16xf32> to vector<16xf32>
      %swap3A_122 = vector.shape_cast %add3A_117 : vector<16xf32> to vector<1x16xf32>
      tpu.vector_store %arg8[%swap3A_118, %swap3A_119], %swap3A_122 {strides = array<i32>} : memref<64x768xf32, #tpu.memory_space<vmem>>, vector<1x16xf32>,
      %get3A_123 = arith.index_cast %scan3A_19 : i32 to index
      %get3A_124 = arith.constant 96 : index
      %get3A_125 = tpu.vector_load %arg8[%get3A_123, %get3A_124] {strides = array<i32>} : memref<64x768xf32, #tpu.memory_space<vmem>>, vector<1x16xf32>,
      %get3A_126 = vector.shape_cast %get3A_125 : vector<1x16xf32> to vector<16xf32>
      %mul3A_127 = arith.mulf %get3A_23, %get3A_126 : vector<16xf32>
      %get3A_128 = arith.index_cast %scan3A_19 : i32 to index
      %get3A_129 = arith.constant 96 : index
      %get3A_130 = tpu.vector_load %arg9[%get3A_128, %get3A_129] {strides = array<i32>} : memref<64x768xf32, #tpu.memory_space<vmem>>, vector<1x16xf32>,
      %get3A_131 = vector.shape_cast %get3A_130 : vector<1x16xf32> to vector<16xf32>
      %mul3A_132 = arith.mulf %get3A_27, %get3A_131 : vector<16xf32>
      %add3A_133 = arith.addf %mul3A_127, %mul3A_132 : vector<16xf32>
      %swap3A_134 = arith.index_cast %scan3A_19 : i32 to index
      %swap3A_135 = arith.constant 96 : index
      %swap3A_136 = tpu.vector_load %arg8[%swap3A_134, %swap3A_135] {strides = array<i32>} : memref<64x768xf32, #tpu.memory_space<vmem>>, vector<1x16xf32>,
      %swap3A_137 = vector.shape_cast %swap3A_136 : vector<1x16xf32> to vector<16xf32>
      %swap3A_138 = vector.shape_cast %add3A_133 : vector<16xf32> to vector<1x16xf32>
      tpu.vector_store %arg8[%swap3A_134, %swap3A_135], %swap3A_138 {strides = array<i32>} : memref<64x768xf32, #tpu.memory_space<vmem>>, vector<1x16xf32>,
      %get3A_139 = arith.index_cast %scan3A_19 : i32 to index
      %get3A_140 = arith.constant 112 : index
      %get3A_141 = tpu.vector_load %arg8[%get3A_139, %get3A_140] {strides = array<i32>} : memref<64x768xf32, #tpu.memory_space<vmem>>, vector<1x16xf32>,
      %get3A_142 = vector.shape_cast %get3A_141 : vector<1x16xf32> to vector<16xf32>
      %mul3A_143 = arith.mulf %get3A_23, %get3A_142 : vector<16xf32>
      %get3A_144 = arith.index_cast %scan3A_19 : i32 to index
      %get3A_145 = arith.constant 112 : index
      %get3A_146 = tpu.vector_load %arg9[%get3A_144, %get3A_145] {strides = array<i32>} : memref<64x768xf32, #tpu.memory_space<vmem>>, vector<1x16xf32>,
      %get3A_147 = vector.shape_cast %get3A_146 : vector<1x16xf32> to vector<16xf32>
      %mul3A_148 = arith.mulf %get3A_27, %get3A_147 : vector<16xf32>
      %add3A_149 = arith.addf %mul3A_143, %mul3A_148 : vector<16xf32>
      %swap3A_150 = arith.index_cast %scan3A_19 : i32 to index
      %swap3A_151 = arith.constant 112 : index
      %swap3A_152 = tpu.vector_load %arg8[%swap3A_150, %swap3A_151] {strides = array<i32>} : memref<64x768xf32, #tpu.memory_space<vmem>>, vector<1x16xf32>,
      %swap3A_153 = vector.shape_cast %swap3A_152 : vector<1x16xf32> to vector<16xf32>
      %swap3A_154 = vector.shape_cast %add3A_149 : vector<16xf32> to vector<1x16xf32>
      tpu.vector_store %arg8[%swap3A_150, %swap3A_151], %swap3A_154 {strides = array<i32>} : memref<64x768xf32, #tpu.memory_space<vmem>>, vector<1x16xf32>,
      %get3A_155 = arith.index_cast %scan3A_19 : i32 to index
      %get3A_156 = arith.constant 128 : index
      %get3A_157 = tpu.vector_load %arg8[%get3A_155, %get3A_156] {strides = array<i32>} : memref<64x768xf32, #tpu.memory_space<vmem>>, vector<1x16xf32>,
      %get3A_158 = vector.shape_cast %get3A_157 : vector<1x16xf32> to vector<16xf32>
      %mul3A_159 = arith.mulf %get3A_23, %get3A_158 : vector<16xf32>
      %get3A_160 = arith.index_cast %scan3A_19 : i32 to index
      %get3A_161 = arith.constant 128 : index
      %get3A_162 = tpu.vector_load %arg9[%get3A_160, %get3A_161] {strides = array<i32>} : memref<64x768xf32, #tpu.memory_space<vmem>>, vector<1x16xf32>,
      %get3A_163 = vector.shape_cast %get3A_162 : vector<1x16xf32> to vector<16xf32>
      %mul3A_164 = arith.mulf %get3A_27, %get3A_163 : vector<16xf32>
      %add3A_165 = arith.addf %mul3A_159, %mul3A_164 : vector<16xf32>
      %swap3A_166 = arith.index_cast %scan3A_19 : i32 to index
      %swap3A_167 = arith.constant 128 : index
      %swap3A_168 = tpu.vector_load %arg8[%swap3A_166, %swap3A_167] {strides = array<i32>} : memref<64x768xf32, #tpu.memory_space<vmem>>, vector<1x16xf32>,
      %swap3A_169 = vector.shape_cast %swap3A_168 : vector<1x16xf32> to vector<16xf32>
      %swap3A_170 = vector.shape_cast %add3A_165 : vector<16xf32> to vector<1x16xf32>
      tpu.vector_store %arg8[%swap3A_166, %swap3A_167], %swap3A_170 {strides = array<i32>} : memref<64x768xf32, #tpu.memory_space<vmem>>, vector<1x16xf32>,
      %get3A_171 = arith.index_cast %scan3A_19 : i32 to index
      %get3A_172 = arith.constant 144 : index
      %get3A_173 = tpu.vector_load %arg8[%get3A_171, %get3A_172] {strides = array<i32>} : memref<64x768xf32, #tpu.memory_space<vmem>>, vector<1x16xf32>,
      %get3A_174 = vector.shape_cast %get3A_173 : vector<1x16xf32> to vector<16xf32>
      %mul3A_175 = arith.mulf %get3A_23, %get3A_174 : vector<16xf32>
      %get3A_176 = arith.index_cast %scan3A_19 : i32 to index
      %get3A_177 = arith.constant 144 : index
      %get3A_178 = tpu.vector_load %arg9[%get3A_176, %get3A_177] {strides = array<i32>} : memref<64x768xf32, #tpu.memory_space<vmem>>, vector<1x16xf32>,
      %get3A_179 = vector.shape_cast %get3A_178 : vector<1x16xf32> to vector<16xf32>
      %mul3A_180 = arith.mulf %get3A_27, %get3A_179 : vector<16xf32>
      %add3A_181 = arith.addf %mul3A_175, %mul3A_180 : vector<16xf32>
      %swap3A_182 = arith.index_cast %scan3A_19 : i32 to index
      %swap3A_183 = arith.constant 144 : index
      %swap3A_184 = tpu.vector_load %arg8[%swap3A_182, %swap3A_183] {strides = array<i32>} : memref<64x768xf32, #tpu.memory_space<vmem>>, vector<1x16xf32>,
      %swap3A_185 = vector.shape_cast %swap3A_184 : vector<1x16xf32> to vector<16xf32>
      %swap3A_186 = vector.shape_cast %add3A_181 : vector<16xf32> to vector<1x16xf32>
      tpu.vector_store %arg8[%swap3A_182, %swap3A_183], %swap3A_186 {strides = array<i32>} : memref<64x768xf32, #tpu.memory_space<vmem>>, vector<1x16xf32>,
      %get3A_187 = arith.index_cast %scan3A_19 : i32 to index
      %get3A_188 = arith.constant 160 : index
      %get3A_189 = tpu.vector_load %arg8[%get3A_187, %get3A_188] {strides = array<i32>} : memref<64x768xf32, #tpu.memory_space<vmem>>, vector<1x16xf32>,
      %get3A_190 = vector.shape_cast %get3A_189 : vector<1x16xf32> to vector<16xf32>
      %mul3A_191 = arith.mulf %get3A_23, %get3A_190 : vector<16xf32>
      %get3A_192 = arith.index_cast %scan3A_19 : i32 to index
      %get3A_193 = arith.constant 160 : index
      %get3A_194 = tpu.vector_load %arg9[%get3A_192, %get3A_193] {strides = array<i32>} : memref<64x768xf32, #tpu.memory_space<vmem>>, vector<1x16xf32>,
      %get3A_195 = vector.shape_cast %get3A_194 : vector<1x16xf32> to vector<16xf32>
      %mul3A_196 = arith.mulf %get3A_27, %get3A_195 : vector<16xf32>
      %add3A_197 = arith.addf %mul3A_191, %mul3A_196 : vector<16xf32>
      %swap3A_198 = arith.index_cast %scan3A_19 : i32 to index
      %swap3A_199 = arith.constant 160 : index
      %swap3A_200 = tpu.vector_load %arg8[%swap3A_198, %swap3A_199] {strides = array<i32>} : memref<64x768xf32, #tpu.memory_space<vmem>>, vector<1x16xf32>,
      %swap3A_201 = vector.shape_cast %swap3A_200 : vector<1x16xf32> to vector<16xf32>
      %swap3A_202 = vector.shape_cast %add3A_197 : vector<16xf32> to vector<1x16xf32>
      tpu.vector_store %arg8[%swap3A_198, %swap3A_199], %swap3A_202 {strides = array<i32>} : memref<64x768xf32, #tpu.memory_space<vmem>>, vector<1x16xf32>,
      %get3A_203 = arith.index_cast %scan3A_19 : i32 to index
      %get3A_204 = arith.constant 176 : index
      %get3A_205 = tpu.vector_load %arg8[%get3A_203, %get3A_204] {strides = array<i32>} : memref<64x768xf32, #tpu.memory_space<vmem>>, vector<1x16xf32>,
      %get3A_206 = vector.shape_cast %get3A_205 : vector<1x16xf32> to vector<16xf32>
      %mul3A_207 = arith.mulf %get3A_23, %get3A_206 : vector<16xf32>
      %get3A_208 = arith.index_cast %scan3A_19 : i32 to index
      %get3A_209 = arith.constant 176 : index
      %get3A_210 = tpu.vector_load %arg9[%get3A_208, %get3A_209] {strides = array<i32>} : memref<64x768xf32, #tpu.memory_space<vmem>>, vector<1x16xf32>,
      %get3A_211 = vector.shape_cast %get3A_210 : vector<1x16xf32> to vector<16xf32>
      %mul3A_212 = arith.mulf %get3A_27, %get3A_211 : vector<16xf32>
      %add3A_213 = arith.addf %mul3A_207, %mul3A_212 : vector<16xf32>
      %swap3A_214 = arith.index_cast %scan3A_19 : i32 to index
      %swap3A_215 = arith.constant 176 : index
      %swap3A_216 = tpu.vector_load %arg8[%swap3A_214, %swap3A_215] {strides = array<i32>} : memref<64x768xf32, #tpu.memory_space<vmem>>, vector<1x16xf32>,
      %swap3A_217 = vector.shape_cast %swap3A_216 : vector<1x16xf32> to vector<16xf32>
      %swap3A_218 = vector.shape_cast %add3A_213 : vector<16xf32> to vector<1x16xf32>
      tpu.vector_store %arg8[%swap3A_214, %swap3A_215], %swap3A_218 {strides = array<i32>} : memref<64x768xf32, #tpu.memory_space<vmem>>, vector<1x16xf32>,
      %get3A_219 = arith.index_cast %scan3A_19 : i32 to index
      %get3A_220 = arith.constant 192 : index
      %get3A_221 = tpu.vector_load %arg8[%get3A_219, %get3A_220] {strides = array<i32>} : memref<64x768xf32, #tpu.memory_space<vmem>>, vector<1x16xf32>,
      %get3A_222 = vector.shape_cast %get3A_221 : vector<1x16xf32> to vector<16xf32>
      %mul3A_223 = arith.mulf %get3A_23, %get3A_222 : vector<16xf32>
      %get3A_224 = arith.index_cast %scan3A_19 : i32 to index
      %get3A_225 = arith.constant 192 : index
      %get3A_226 = tpu.vector_load %arg9[%get3A_224, %get3A_225] {strides = array<i32>} : memref<64x768xf32, #tpu.memory_space<vmem>>, vector<1x16xf32>,
      %get3A_227 = vector.shape_cast %get3A_226 : vector<1x16xf32> to vector<16xf32>
      %mul3A_228 = arith.mulf %get3A_27, %get3A_227 : vector<16xf32>
      %add3A_229 = arith.addf %mul3A_223, %mul3A_228 : vector<16xf32>
      %swap3A_230 = arith.index_cast %scan3A_19 : i32 to index
      %swap3A_231 = arith.constant 192 : index
      %swap3A_232 = tpu.vector_load %arg8[%swap3A_230, %swap3A_231] {strides = array<i32>} : memref<64x768xf32, #tpu.memory_space<vmem>>, vector<1x16xf32>,
      %swap3A_233 = vector.shape_cast %swap3A_232 : vector<1x16xf32> to vector<16xf32>
      %swap3A_234 = vector.shape_cast %add3A_229 : vector<16xf32> to vector<1x16xf32>
      tpu.vector_store %arg8[%swap3A_230, %swap3A_231], %swap3A_234 {strides = array<i32>} : memref<64x768xf32, #tpu.memory_space<vmem>>, vector<1x16xf32>,
      %get3A_235 = arith.index_cast %scan3A_19 : i32 to index
      %get3A_236 = arith.constant 208 : index
      %get3A_237 = tpu.vector_load %arg8[%get3A_235, %get3A_236] {strides = array<i32>} : memref<64x768xf32, #tpu.memory_space<vmem>>, vector<1x16xf32>,
      %get3A_238 = vector.shape_cast %get3A_237 : vector<1x16xf32> to vector<16xf32>
      %mul3A_239 = arith.mulf %get3A_23, %get3A_238 : vector<16xf32>
      %get3A_240 = arith.index_cast %scan3A_19 : i32 to index
      %get3A_241 = arith.constant 208 : index
      %get3A_242 = tpu.vector_load %arg9[%get3A_240, %get3A_241] {strides = array<i32>} : memref<64x768xf32, #tpu.memory_space<vmem>>, vector<1x16xf32>,
      %get3A_243 = vector.shape_cast %get3A_242 : vector<1x16xf32> to vector<16xf32>
      %mul3A_244 = arith.mulf %get3A_27, %get3A_243 : vector<16xf32>
      %add3A_245 = arith.addf %mul3A_239, %mul3A_244 : vector<16xf32>
      %swap3A_246 = arith.index_cast %scan3A_19 : i32 to index
      %swap3A_247 = arith.constant 208 : index
      %swap3A_248 = tpu.vector_load %arg8[%swap3A_246, %swap3A_247] {strides = array<i32>} : memref<64x768xf32, #tpu.memory_space<vmem>>, vector<1x16xf32>,
      %swap3A_249 = vector.shape_cast %swap3A_248 : vector<1x16xf32> to vector<16xf32>
      %swap3A_250 = vector.shape_cast %add3A_245 : vector<16xf32> to vector<1x16xf32>
      tpu.vector_store %arg8[%swap3A_246, %swap3A_247], %swap3A_250 {strides = array<i32>} : memref<64x768xf32, #tpu.memory_space<vmem>>, vector<1x16xf32>,
      %get3A_251 = arith.index_cast %scan3A_19 : i32 to index
      %get3A_252 = arith.constant 224 : index
      %get3A_253 = tpu.vector_load %arg8[%get3A_251, %get3A_252] {strides = array<i32>} : memref<64x768xf32, #tpu.memory_space<vmem>>, vector<1x16xf32>,
      %get3A_254 = vector.shape_cast %get3A_253 : vector<1x16xf32> to vector<16xf32>
      %mul3A_255 = arith.mulf %get3A_23, %get3A_254 : vector<16xf32>
      %get3A_256 = arith.index_cast %scan3A_19 : i32 to index
      %get3A_257 = arith.constant 224 : index
      %get3A_258 = tpu.vector_load %arg9[%get3A_256, %get3A_257] {strides = array<i32>} : memref<64x768xf32, #tpu.memory_space<vmem>>, vector<1x16xf32>,
      %get3A_259 = vector.shape_cast %get3A_258 : vector<1x16xf32> to vector<16xf32>
      %mul3A_260 = arith.mulf %get3A_27, %get3A_259 : vector<16xf32>
      %add3A_261 = arith.addf %mul3A_255, %mul3A_260 : vector<16xf32>
      %swap3A_262 = arith.index_cast %scan3A_19 : i32 to index
      %swap3A_263 = arith.constant 224 : index
      %swap3A_264 = tpu.vector_load %arg8[%swap3A_262, %swap3A_263] {strides = array<i32>} : memref<64x768xf32, #tpu.memory_space<vmem>>, vector<1x16xf32>,
      %swap3A_265 = vector.shape_cast %swap3A_264 : vector<1x16xf32> to vector<16xf32>
      %swap3A_266 = vector.shape_cast %add3A_261 : vector<16xf32> to vector<1x16xf32>
      tpu.vector_store %arg8[%swap3A_262, %swap3A_263], %swap3A_266 {strides = array<i32>} : memref<64x768xf32, #tpu.memory_space<vmem>>, vector<1x16xf32>,
      %get3A_267 = arith.index_cast %scan3A_19 : i32 to index
      %get3A_268 = arith.constant 240 : index
      %get3A_269 = tpu.vector_load %arg8[%get3A_267, %get3A_268] {strides = array<i32>} : memref<64x768xf32, #tpu.memory_space<vmem>>, vector<1x16xf32>,
      %get3A_270 = vector.shape_cast %get3A_269 : vector<1x16xf32> to vector<16xf32>
      %mul3A_271 = arith.mulf %get3A_23, %get3A_270 : vector<16xf32>
      %get3A_272 = arith.index_cast %scan3A_19 : i32 to index
      %get3A_273 = arith.constant 240 : index
      %get3A_274 = tpu.vector_load %arg9[%get3A_272, %get3A_273] {strides = array<i32>} : memref<64x768xf32, #tpu.memory_space<vmem>>, vector<1x16xf32>,
      %get3A_275 = vector.shape_cast %get3A_274 : vector<1x16xf32> to vector<16xf32>
      %mul3A_276 = arith.mulf %get3A_27, %get3A_275 : vector<16xf32>
      %add3A_277 = arith.addf %mul3A_271, %mul3A_276 : vector<16xf32>
      %swap3A_278 = arith.index_cast %scan3A_19 : i32 to index
      %swap3A_279 = arith.constant 240 : index
      %swap3A_280 = tpu.vector_load %arg8[%swap3A_278, %swap3A_279] {strides = array<i32>} : memref<64x768xf32, #tpu.memory_space<vmem>>, vector<1x16xf32>,
      %swap3A_281 = vector.shape_cast %swap3A_280 : vector<1x16xf32> to vector<16xf32>
      %swap3A_282 = vector.shape_cast %add3A_277 : vector<16xf32> to vector<1x16xf32>
      tpu.vector_store %arg8[%swap3A_278, %swap3A_279], %swap3A_282 {strides = array<i32>} : memref<64x768xf32, #tpu.memory_space<vmem>>, vector<1x16xf32>,
      %get3A_283 = arith.index_cast %scan3A_19 : i32 to index
      %get3A_284 = arith.constant 256 : index
      %get3A_285 = tpu.vector_load %arg8[%get3A_283, %get3A_284] {strides = array<i32>} : memref<64x768xf32, #tpu.memory_space<vmem>>, vector<1x16xf32>,
      %get3A_286 = vector.shape_cast %get3A_285 : vector<1x16xf32> to vector<16xf32>
      %mul3A_287 = arith.mulf %get3A_23, %get3A_286 : vector<16xf32>
      %get3A_288 = arith.index_cast %scan3A_19 : i32 to index
      %get3A_289 = arith.constant 256 : index
      %get3A_290 = tpu.vector_load %arg9[%get3A_288, %get3A_289] {strides = array<i32>} : memref<64x768xf32, #tpu.memory_space<vmem>>, vector<1x16xf32>,
      %get3A_291 = vector.shape_cast %get3A_290 : vector<1x16xf32> to vector<16xf32>
      %mul3A_292 = arith.mulf %get3A_27, %get3A_291 : vector<16xf32>
      %add3A_293 = arith.addf %mul3A_287, %mul3A_292 : vector<16xf32>
      %swap3A_294 = arith.index_cast %scan3A_19 : i32 to index
      %swap3A_295 = arith.constant 256 : index
      %swap3A_296 = tpu.vector_load %arg8[%swap3A_294, %swap3A_295] {strides = array<i32>} : memref<64x768xf32, #tpu.memory_space<vmem>>, vector<1x16xf32>,
      %swap3A_297 = vector.shape_cast %swap3A_296 : vector<1x16xf32> to vector<16xf32>
      %swap3A_298 = vector.shape_cast %add3A_293 : vector<16xf32> to vector<1x16xf32>
      tpu.vector_store %arg8[%swap3A_294, %swap3A_295], %swap3A_298 {strides = array<i32>} : memref<64x768xf32, #tpu.memory_space<vmem>>, vector<1x16xf32>,
      %get3A_299 = arith.index_cast %scan3A_19 : i32 to index
      %get3A_300 = arith.constant 272 : index
      %get3A_301 = tpu.vector_load %arg8[%get3A_299, %get3A_300] {strides = array<i32>} : memref<64x768xf32, #tpu.memory_space<vmem>>, vector<1x16xf32>,
      %get3A_302 = vector.shape_cast %get3A_301 : vector<1x16xf32> to vector<16xf32>
      %mul3A_303 = arith.mulf %get3A_23, %get3A_302 : vector<16xf32>
      %get3A_304 = arith.index_cast %scan3A_19 : i32 to index
      %get3A_305 = arith.constant 272 : index
      %get3A_306 = tpu.vector_load %arg9[%get3A_304, %get3A_305] {strides = array<i32>} : memref<64x768xf32, #tpu.memory_space<vmem>>, vector<1x16xf32>,
      %get3A_307 = vector.shape_cast %get3A_306 : vector<1x16xf32> to vector<16xf32>
      %mul3A_308 = arith.mulf %get3A_27, %get3A_307 : vector<16xf32>
      %add3A_309 = arith.addf %mul3A_303, %mul3A_308 : vector<16xf32>
      %swap3A_310 = arith.index_cast %scan3A_19 : i32 to index
      %swap3A_311 = arith.constant 272 : index
      %swap3A_312 = tpu.vector_load %arg8[%swap3A_310, %swap3A_311] {strides = array<i32>} : memref<64x768xf32, #tpu.memory_space<vmem>>, vector<1x16xf32>,
      %swap3A_313 = vector.shape_cast %swap3A_312 : vector<1x16xf32> to vector<16xf32>
      %swap3A_314 = vector.shape_cast %add3A_309 : vector<16xf32> to vector<1x16xf32>
      tpu.vector_store %arg8[%swap3A_310, %swap3A_311], %swap3A_314 {strides = array<i32>} : memref<64x768xf32, #tpu.memory_space<vmem>>, vector<1x16xf32>,
      %get3A_315 = arith.index_cast %scan3A_19 : i32 to index
      %get3A_316 = arith.constant 288 : index
      %get3A_317 = tpu.vector_load %arg8[%get3A_315, %get3A_316] {strides = array<i32>} : memref<64x768xf32, #tpu.memory_space<vmem>>, vector<1x16xf32>,
      %get3A_318 = vector.shape_cast %get3A_317 : vector<1x16xf32> to vector<16xf32>
      %mul3A_319 = arith.mulf %get3A_23, %get3A_318 : vector<16xf32>
      %get3A_320 = arith.index_cast %scan3A_19 : i32 to index
      %get3A_321 = arith.constant 288 : index
      %get3A_322 = tpu.vector_load %arg9[%get3A_320, %get3A_321] {strides = array<i32>} : memref<64x768xf32, #tpu.memory_space<vmem>>, vector<1x16xf32>,
      %get3A_323 = vector.shape_cast %get3A_322 : vector<1x16xf32> to vector<16xf32>
      %mul3A_324 = arith.mulf %get3A_27, %get3A_323 : vector<16xf32>
      %add3A_325 = arith.addf %mul3A_319, %mul3A_324 : vector<16xf32>
      %swap3A_326 = arith.index_cast %scan3A_19 : i32 to index
      %swap3A_327 = arith.constant 288 : index
      %swap3A_328 = tpu.vector_load %arg8[%swap3A_326, %swap3A_327] {strides = array<i32>} : memref<64x768xf32, #tpu.memory_space<vmem>>, vector<1x16xf32>,
      %swap3A_329 = vector.shape_cast %swap3A_328 : vector<1x16xf32> to vector<16xf32>
      %swap3A_330 = vector.shape_cast %add3A_325 : vector<16xf32> to vector<1x16xf32>
      tpu.vector_store %arg8[%swap3A_326, %swap3A_327], %swap3A_330 {strides = array<i32>} : memref<64x768xf32, #tpu.memory_space<vmem>>, vector<1x16xf32>,
      %get3A_331 = arith.index_cast %scan3A_19 : i32 to index
      %get3A_332 = arith.constant 304 : index
      %get3A_333 = tpu.vector_load %arg8[%get3A_331, %get3A_332] {strides = array<i32>} : memref<64x768xf32, #tpu.memory_space<vmem>>, vector<1x16xf32>,
      %get3A_334 = vector.shape_cast %get3A_333 : vector<1x16xf32> to vector<16xf32>
      %mul3A_335 = arith.mulf %get3A_23, %get3A_334 : vector<16xf32>
      %get3A_336 = arith.index_cast %scan3A_19 : i32 to index
      %get3A_337 = arith.constant 304 : index
      %get3A_338 = tpu.vector_load %arg9[%get3A_336, %get3A_337] {strides = array<i32>} : memref<64x768xf32, #tpu.memory_space<vmem>>, vector<1x16xf32>,
      %get3A_339 = vector.shape_cast %get3A_338 : vector<1x16xf32> to vector<16xf32>
      %mul3A_340 = arith.mulf %get3A_27, %get3A_339 : vector<16xf32>
      %add3A_341 = arith.addf %mul3A_335, %mul3A_340 : vector<16xf32>
      %swap3A_342 = arith.index_cast %scan3A_19 : i32 to index
      %swap3A_343 = arith.constant 304 : index
      %swap3A_344 = tpu.vector_load %arg8[%swap3A_342, %swap3A_343] {strides = array<i32>} : memref<64x768xf32, #tpu.memory_space<vmem>>, vector<1x16xf32>,
      %swap3A_345 = vector.shape_cast %swap3A_344 : vector<1x16xf32> to vector<16xf32>
      %swap3A_346 = vector.shape_cast %add3A_341 : vector<16xf32> to vector<1x16xf32>
      tpu.vector_store %arg8[%swap3A_342, %swap3A_343], %swap3A_346 {strides = array<i32>} : memref<64x768xf32, #tpu.memory_space<vmem>>, vector<1x16xf32>,
      %get3A_347 = arith.index_cast %scan3A_19 : i32 to index
      %get3A_348 = arith.constant 320 : index
      %get3A_349 = tpu.vector_load %arg8[%get3A_347, %get3A_348] {strides = array<i32>} : memref<64x768xf32, #tpu.memory_space<vmem>>, vector<1x16xf32>,
      %get3A_350 = vector.shape_cast %get3A_349 : vector<1x16xf32> to vector<16xf32>
      %mul3A_351 = arith.mulf %get3A_23, %get3A_350 : vector<16xf32>
      %get3A_352 = arith.index_cast %scan3A_19 : i32 to index
      %get3A_353 = arith.constant 320 : index
      %get3A_354 = tpu.vector_load %arg9[%get3A_352, %get3A_353] {strides = array<i32>} : memref<64x768xf32, #tpu.memory_space<vmem>>, vector<1x16xf32>,
      %get3A_355 = vector.shape_cast %get3A_354 : vector<1x16xf32> to vector<16xf32>
      %mul3A_356 = arith.mulf %get3A_27, %get3A_355 : vector<16xf32>
      %add3A_357 = arith.addf %mul3A_351, %mul3A_356 : vector<16xf32>
      %swap3A_358 = arith.index_cast %scan3A_19 : i32 to index
      %swap3A_359 = arith.constant 320 : index
      %swap3A_360 = tpu.vector_load %arg8[%swap3A_358, %swap3A_359] {strides = array<i32>} : memref<64x768xf32, #tpu.memory_space<vmem>>, vector<1x16xf32>,
      %swap3A_361 = vector.shape_cast %swap3A_360 : vector<1x16xf32> to vector<16xf32>
      %swap3A_362 = vector.shape_cast %add3A_357 : vector<16xf32> to vector<1x16xf32>
      tpu.vector_store %arg8[%swap3A_358, %swap3A_359], %swap3A_362 {strides = array<i32>} : memref<64x768xf32, #tpu.memory_space<vmem>>, vector<1x16xf32>,
      %get3A_363 = arith.index_cast %scan3A_19 : i32 to index
      %get3A_364 = arith.constant 336 : index
      %get3A_365 = tpu.vector_load %arg8[%get3A_363, %get3A_364] {strides = array<i32>} : memref<64x768xf32, #tpu.memory_space<vmem>>, vector<1x16xf32>,
      %get3A_366 = vector.shape_cast %get3A_365 : vector<1x16xf32> to vector<16xf32>
      %mul3A_367 = arith.mulf %get3A_23, %get3A_366 : vector<16xf32>
      %get3A_368 = arith.index_cast %scan3A_19 : i32 to index
      %get3A_369 = arith.constant 336 : index
      %get3A_370 = tpu.vector_load %arg9[%get3A_368, %get3A_369] {strides = array<i32>} : memref<64x768xf32, #tpu.memory_space<vmem>>, vector<1x16xf32>,
      %get3A_371 = vector.shape_cast %get3A_370 : vector<1x16xf32> to vector<16xf32>
      %mul3A_372 = arith.mulf %get3A_27, %get3A_371 : vector<16xf32>
      %add3A_373 = arith.addf %mul3A_367, %mul3A_372 : vector<16xf32>
      %swap3A_374 = arith.index_cast %scan3A_19 : i32 to index
      %swap3A_375 = arith.constant 336 : index
      %swap3A_376 = tpu.vector_load %arg8[%swap3A_374, %swap3A_375] {strides = array<i32>} : memref<64x768xf32, #tpu.memory_space<vmem>>, vector<1x16xf32>,
      %swap3A_377 = vector.shape_cast %swap3A_376 : vector<1x16xf32> to vector<16xf32>
      %swap3A_378 = vector.shape_cast %add3A_373 : vector<16xf32> to vector<1x16xf32>
      tpu.vector_store %arg8[%swap3A_374, %swap3A_375], %swap3A_378 {strides = array<i32>} : memref<64x768xf32, #tpu.memory_space<vmem>>, vector<1x16xf32>,
      %get3A_379 = arith.index_cast %scan3A_19 : i32 to index
      %get3A_380 = arith.constant 352 : index
      %get3A_381 = tpu.vector_load %arg8[%get3A_379, %get3A_380] {strides = array<i32>} : memref<64x768xf32, #tpu.memory_space<vmem>>, vector<1x16xf32>,
      %get3A_382 = vector.shape_cast %get3A_381 : vector<1x16xf32> to vector<16xf32>
      %mul3A_383 = arith.mulf %get3A_23, %get3A_382 : vector<16xf32>
      %get3A_384 = arith.index_cast %scan3A_19 : i32 to index
      %get3A_385 = arith.constant 352 : index
      %get3A_386 = tpu.vector_load %arg9[%get3A_384, %get3A_385] {strides = array<i32>} : memref<64x768xf32, #tpu.memory_space<vmem>>, vector<1x16xf32>,
      %get3A_387 = vector.shape_cast %get3A_386 : vector<1x16xf32> to vector<16xf32>
      %mul3A_388 = arith.mulf %get3A_27, %get3A_387 : vector<16xf32>
      %add3A_389 = arith.addf %mul3A_383, %mul3A_388 : vector<16xf32>
      %swap3A_390 = arith.index_cast %scan3A_19 : i32 to index
      %swap3A_391 = arith.constant 352 : index
      %swap3A_392 = tpu.vector_load %arg8[%swap3A_390, %swap3A_391] {strides = array<i32>} : memref<64x768xf32, #tpu.memory_space<vmem>>, vector<1x16xf32>,
      %swap3A_393 = vector.shape_cast %swap3A_392 : vector<1x16xf32> to vector<16xf32>
      %swap3A_394 = vector.shape_cast %add3A_389 : vector<16xf32> to vector<1x16xf32>
      tpu.vector_store %arg8[%swap3A_390, %swap3A_391], %swap3A_394 {strides = array<i32>} : memref<64x768xf32, #tpu.memory_space<vmem>>, vector<1x16xf32>,
      %get3A_395 = arith.index_cast %scan3A_19 : i32 to index
      %get3A_396 = arith.constant 368 : index
      %get3A_397 = tpu.vector_load %arg8[%get3A_395, %get3A_396] {strides = array<i32>} : memref<64x768xf32, #tpu.memory_space<vmem>>, vector<1x16xf32>,
      %get3A_398 = vector.shape_cast %get3A_397 : vector<1x16xf32> to vector<16xf32>
      %mul3A_399 = arith.mulf %get3A_23, %get3A_398 : vector<16xf32>
      %get3A_400 = arith.index_cast %scan3A_19 : i32 to index
      %get3A_401 = arith.constant 368 : index
      %get3A_402 = tpu.vector_load %arg9[%get3A_400, %get3A_401] {strides = array<i32>} : memref<64x768xf32, #tpu.memory_space<vmem>>, vector<1x16xf32>,
      %get3A_403 = vector.shape_cast %get3A_402 : vector<1x16xf32> to vector<16xf32>
      %mul3A_404 = arith.mulf %get3A_27, %get3A_403 : vector<16xf32>
      %add3A_405 = arith.addf %mul3A_399, %mul3A_404 : vector<16xf32>
      %swap3A_406 = arith.index_cast %scan3A_19 : i32 to index
      %swap3A_407 = arith.constant 368 : index
      %swap3A_408 = tpu.vector_load %arg8[%swap3A_406, %swap3A_407] {strides = array<i32>} : memref<64x768xf32, #tpu.memory_space<vmem>>, vector<1x16xf32>,
      %swap3A_409 = vector.shape_cast %swap3A_408 : vector<1x16xf32> to vector<16xf32>
      %swap3A_410 = vector.shape_cast %add3A_405 : vector<16xf32> to vector<1x16xf32>
      tpu.vector_store %arg8[%swap3A_406, %swap3A_407], %swap3A_410 {strides = array<i32>} : memref<64x768xf32, #tpu.memory_space<vmem>>, vector<1x16xf32>,
      %get3A_411 = arith.index_cast %scan3A_19 : i32 to index
      %get3A_412 = arith.constant 384 : index
      %get3A_413 = tpu.vector_load %arg8[%get3A_411, %get3A_412] {strides = array<i32>} : memref<64x768xf32, #tpu.memory_space<vmem>>, vector<1x16xf32>,
      %get3A_414 = vector.shape_cast %get3A_413 : vector<1x16xf32> to vector<16xf32>
      %mul3A_415 = arith.mulf %get3A_23, %get3A_414 : vector<16xf32>
      %get3A_416 = arith.index_cast %scan3A_19 : i32 to index
      %get3A_417 = arith.constant 384 : index
      %get3A_418 = tpu.vector_load %arg9[%get3A_416, %get3A_417] {strides = array<i32>} : memref<64x768xf32, #tpu.memory_space<vmem>>, vector<1x16xf32>,
      %get3A_419 = vector.shape_cast %get3A_418 : vector<1x16xf32> to vector<16xf32>
      %mul3A_420 = arith.mulf %get3A_27, %get3A_419 : vector<16xf32>
      %add3A_421 = arith.addf %mul3A_415, %mul3A_420 : vector<16xf32>
      %swap3A_422 = arith.index_cast %scan3A_19 : i32 to index
      %swap3A_423 = arith.constant 384 : index
      %swap3A_424 = tpu.vector_load %arg8[%swap3A_422, %swap3A_423] {strides = array<i32>} : memref<64x768xf32, #tpu.memory_space<vmem>>, vector<1x16xf32>,
      %swap3A_425 = vector.shape_cast %swap3A_424 : vector<1x16xf32> to vector<16xf32>
      %swap3A_426 = vector.shape_cast %add3A_421 : vector<16xf32> to vector<1x16xf32>
      tpu.vector_store %arg8[%swap3A_422, %swap3A_423], %swap3A_426 {strides = array<i32>} : memref<64x768xf32, #tpu.memory_space<vmem>>, vector<1x16xf32>,
      %get3A_427 = arith.index_cast %scan3A_19 : i32 to index
      %get3A_428 = arith.constant 400 : index
      %get3A_429 = tpu.vector_load %arg8[%get3A_427, %get3A_428] {strides = array<i32>} : memref<64x768xf32, #tpu.memory_space<vmem>>, vector<1x16xf32>,
      %get3A_430 = vector.shape_cast %get3A_429 : vector<1x16xf32> to vector<16xf32>
      %mul3A_431 = arith.mulf %get3A_23, %get3A_430 : vector<16xf32>
      %get3A_432 = arith.index_cast %scan3A_19 : i32 to index
      %get3A_433 = arith.constant 400 : index
      %get3A_434 = tpu.vector_load %arg9[%get3A_432, %get3A_433] {strides = array<i32>} : memref<64x768xf32, #tpu.memory_space<vmem>>, vector<1x16xf32>,
      %get3A_435 = vector.shape_cast %get3A_434 : vector<1x16xf32> to vector<16xf32>
      %mul3A_436 = arith.mulf %get3A_27, %get3A_435 : vector<16xf32>
      %add3A_437 = arith.addf %mul3A_431, %mul3A_436 : vector<16xf32>
      %swap3A_438 = arith.index_cast %scan3A_19 : i32 to index
      %swap3A_439 = arith.constant 400 : index
      %swap3A_440 = tpu.vector_load %arg8[%swap3A_438, %swap3A_439] {strides = array<i32>} : memref<64x768xf32, #tpu.memory_space<vmem>>, vector<1x16xf32>,
      %swap3A_441 = vector.shape_cast %swap3A_440 : vector<1x16xf32> to vector<16xf32>
      %swap3A_442 = vector.shape_cast %add3A_437 : vector<16xf32> to vector<1x16xf32>
      tpu.vector_store %arg8[%swap3A_438, %swap3A_439], %swap3A_442 {strides = array<i32>} : memref<64x768xf32, #tpu.memory_space<vmem>>, vector<1x16xf32>,
      %get3A_443 = arith.index_cast %scan3A_19 : i32 to index
      %get3A_444 = arith.constant 416 : index
      %get3A_445 = tpu.vector_load %arg8[%get3A_443, %get3A_444] {strides = array<i32>} : memref<64x768xf32, #tpu.memory_space<vmem>>, vector<1x16xf32>,
      %get3A_446 = vector.shape_cast %get3A_445 : vector<1x16xf32> to vector<16xf32>
      %mul3A_447 = arith.mulf %get3A_23, %get3A_446 : vector<16xf32>
      %get3A_448 = arith.index_cast %scan3A_19 : i32 to index
      %get3A_449 = arith.constant 416 : index
      %get3A_450 = tpu.vector_load %arg9[%get3A_448, %get3A_449] {strides = array<i32>} : memref<64x768xf32, #tpu.memory_space<vmem>>, vector<1x16xf32>,
      %get3A_451 = vector.shape_cast %get3A_450 : vector<1x16xf32> to vector<16xf32>
      %mul3A_452 = arith.mulf %get3A_27, %get3A_451 : vector<16xf32>
      %add3A_453 = arith.addf %mul3A_447, %mul3A_452 : vector<16xf32>
      %swap3A_454 = arith.index_cast %scan3A_19 : i32 to index
      %swap3A_455 = arith.constant 416 : index
      %swap3A_456 = tpu.vector_load %arg8[%swap3A_454, %swap3A_455] {strides = array<i32>} : memref<64x768xf32, #tpu.memory_space<vmem>>, vector<1x16xf32>,
      %swap3A_457 = vector.shape_cast %swap3A_456 : vector<1x16xf32> to vector<16xf32>
      %swap3A_458 = vector.shape_cast %add3A_453 : vector<16xf32> to vector<1x16xf32>
      tpu.vector_store %arg8[%swap3A_454, %swap3A_455], %swap3A_458 {strides = array<i32>} : memref<64x768xf32, #tpu.memory_space<vmem>>, vector<1x16xf32>,
      %get3A_459 = arith.index_cast %scan3A_19 : i32 to index
      %get3A_460 = arith.constant 432 : index
      %get3A_461 = tpu.vector_load %arg8[%get3A_459, %get3A_460] {strides = array<i32>} : memref<64x768xf32, #tpu.memory_space<vmem>>, vector<1x16xf32>,
      %get3A_462 = vector.shape_cast %get3A_461 : vector<1x16xf32> to vector<16xf32>
      %mul3A_463 = arith.mulf %get3A_23, %get3A_462 : vector<16xf32>
      %get3A_464 = arith.index_cast %scan3A_19 : i32 to index
      %get3A_465 = arith.constant 432 : index
      %get3A_466 = tpu.vector_load %arg9[%get3A_464, %get3A_465] {strides = array<i32>} : memref<64x768xf32, #tpu.memory_space<vmem>>, vector<1x16xf32>,
      %get3A_467 = vector.shape_cast %get3A_466 : vector<1x16xf32> to vector<16xf32>
      %mul3A_468 = arith.mulf %get3A_27, %get3A_467 : vector<16xf32>
      %add3A_469 = arith.addf %mul3A_463, %mul3A_468 : vector<16xf32>
      %swap3A_470 = arith.index_cast %scan3A_19 : i32 to index
      %swap3A_471 = arith.constant 432 : index
      %swap3A_472 = tpu.vector_load %arg8[%swap3A_470, %swap3A_471] {strides = array<i32>} : memref<64x768xf32, #tpu.memory_space<vmem>>, vector<1x16xf32>,
      %swap3A_473 = vector.shape_cast %swap3A_472 : vector<1x16xf32> to vector<16xf32>
      %swap3A_474 = vector.shape_cast %add3A_469 : vector<16xf32> to vector<1x16xf32>
      tpu.vector_store %arg8[%swap3A_470, %swap3A_471], %swap3A_474 {strides = array<i32>} : memref<64x768xf32, #tpu.memory_space<vmem>>, vector<1x16xf32>,
      %get3A_475 = arith.index_cast %scan3A_19 : i32 to index
      %get3A_476 = arith.constant 448 : index
      %get3A_477 = tpu.vector_load %arg8[%get3A_475, %get3A_476] {strides = array<i32>} : memref<64x768xf32, #tpu.memory_space<vmem>>, vector<1x16xf32>,
      %get3A_478 = vector.shape_cast %get3A_477 : vector<1x16xf32> to vector<16xf32>
      %mul3A_479 = arith.mulf %get3A_23, %get3A_478 : vector<16xf32>
      %get3A_480 = arith.index_cast %scan3A_19 : i32 to index
      %get3A_481 = arith.constant 448 : index
      %get3A_482 = tpu.vector_load %arg9[%get3A_480, %get3A_481] {strides = array<i32>} : memref<64x768xf32, #tpu.memory_space<vmem>>, vector<1x16xf32>,
      %get3A_483 = vector.shape_cast %get3A_482 : vector<1x16xf32> to vector<16xf32>
      %mul3A_484 = arith.mulf %get3A_27, %get3A_483 : vector<16xf32>
      %add3A_485 = arith.addf %mul3A_479, %mul3A_484 : vector<16xf32>
      %swap3A_486 = arith.index_cast %scan3A_19 : i32 to index
      %swap3A_487 = arith.constant 448 : index
      %swap3A_488 = tpu.vector_load %arg8[%swap3A_486, %swap3A_487] {strides = array<i32>} : memref<64x768xf32, #tpu.memory_space<vmem>>, vector<1x16xf32>,
      %swap3A_489 = vector.shape_cast %swap3A_488 : vector<1x16xf32> to vector<16xf32>
      %swap3A_490 = vector.shape_cast %add3A_485 : vector<16xf32> to vector<1x16xf32>
      tpu.vector_store %arg8[%swap3A_486, %swap3A_487], %swap3A_490 {strides = array<i32>} : memref<64x768xf32, #tpu.memory_space<vmem>>, vector<1x16xf32>,
      %get3A_491 = arith.index_cast %scan3A_19 : i32 to index
      %get3A_492 = arith.constant 464 : index
      %get3A_493 = tpu.vector_load %arg8[%get3A_491, %get3A_492] {strides = array<i32>} : memref<64x768xf32, #tpu.memory_space<vmem>>, vector<1x16xf32>,
      %get3A_494 = vector.shape_cast %get3A_493 : vector<1x16xf32> to vector<16xf32>
      %mul3A_495 = arith.mulf %get3A_23, %get3A_494 : vector<16xf32>
      %get3A_496 = arith.index_cast %scan3A_19 : i32 to index
      %get3A_497 = arith.constant 464 : index
      %get3A_498 = tpu.vector_load %arg9[%get3A_496, %get3A_497] {strides = array<i32>} : memref<64x768xf32, #tpu.memory_space<vmem>>, vector<1x16xf32>,
      %get3A_499 = vector.shape_cast %get3A_498 : vector<1x16xf32> to vector<16xf32>
      %mul3A_500 = arith.mulf %get3A_27, %get3A_499 : vector<16xf32>
      %add3A_501 = arith.addf %mul3A_495, %mul3A_500 : vector<16xf32>
      %swap3A_502 = arith.index_cast %scan3A_19 : i32 to index
      %swap3A_503 = arith.constant 464 : index
      %swap3A_504 = tpu.vector_load %arg8[%swap3A_502, %swap3A_503] {strides = array<i32>} : memref<64x768xf32, #tpu.memory_space<vmem>>, vector<1x16xf32>,
      %swap3A_505 = vector.shape_cast %swap3A_504 : vector<1x16xf32> to vector<16xf32>
      %swap3A_506 = vector.shape_cast %add3A_501 : vector<16xf32> to vector<1x16xf32>
      tpu.vector_store %arg8[%swap3A_502, %swap3A_503], %swap3A_506 {strides = array<i32>} : memref<64x768xf32, #tpu.memory_space<vmem>>, vector<1x16xf32>,
      %get3A_507 = arith.index_cast %scan3A_19 : i32 to index
      %get3A_508 = arith.constant 480 : index
      %get3A_509 = tpu.vector_load %arg8[%get3A_507, %get3A_508] {strides = array<i32>} : memref<64x768xf32, #tpu.memory_space<vmem>>, vector<1x16xf32>,
      %get3A_510 = vector.shape_cast %get3A_509 : vector<1x16xf32> to vector<16xf32>
      %mul3A_511 = arith.mulf %get3A_23, %get3A_510 : vector<16xf32>
      %get3A_512 = arith.index_cast %scan3A_19 : i32 to index
      %get3A_513 = arith.constant 480 : index
      %get3A_514 = tpu.vector_load %arg9[%get3A_512, %get3A_513] {strides = array<i32>} : memref<64x768xf32, #tpu.memory_space<vmem>>, vector<1x16xf32>,
      %get3A_515 = vector.shape_cast %get3A_514 : vector<1x16xf32> to vector<16xf32>
      %mul3A_516 = arith.mulf %get3A_27, %get3A_515 : vector<16xf32>
      %add3A_517 = arith.addf %mul3A_511, %mul3A_516 : vector<16xf32>
      %swap3A_518 = arith.index_cast %scan3A_19 : i32 to index
      %swap3A_519 = arith.constant 480 : index
      %swap3A_520 = tpu.vector_load %arg8[%swap3A_518, %swap3A_519] {strides = array<i32>} : memref<64x768xf32, #tpu.memory_space<vmem>>, vector<1x16xf32>,
      %swap3A_521 = vector.shape_cast %swap3A_520 : vector<1x16xf32> to vector<16xf32>
      %swap3A_522 = vector.shape_cast %add3A_517 : vector<16xf32> to vector<1x16xf32>
      tpu.vector_store %arg8[%swap3A_518, %swap3A_519], %swap3A_522 {strides = array<i32>} : memref<64x768xf32, #tpu.memory_space<vmem>>, vector<1x16xf32>,
      %get3A_523 = arith.index_cast %scan3A_19 : i32 to index
      %get3A_524 = arith.constant 496 : index
      %get3A_525 = tpu.vector_load %arg8[%get3A_523, %get3A_524] {strides = array<i32>} : memref<64x768xf32, #tpu.memory_space<vmem>>, vector<1x16xf32>,
      %get3A_526 = vector.shape_cast %get3A_525 : vector<1x16xf32> to vector<16xf32>
      %mul3A_527 = arith.mulf %get3A_23, %get3A_526 : vector<16xf32>
      %get3A_528 = arith.index_cast %scan3A_19 : i32 to index
      %get3A_529 = arith.constant 496 : index
      %get3A_530 = tpu.vector_load %arg9[%get3A_528, %get3A_529] {strides = array<i32>} : memref<64x768xf32, #tpu.memory_space<vmem>>, vector<1x16xf32>,
      %get3A_531 = vector.shape_cast %get3A_530 : vector<1x16xf32> to vector<16xf32>
      %mul3A_532 = arith.mulf %get3A_27, %get3A_531 : vector<16xf32>
      %add3A_533 = arith.addf %mul3A_527, %mul3A_532 : vector<16xf32>
      %swap3A_534 = arith.index_cast %scan3A_19 : i32 to index
      %swap3A_535 = arith.constant 496 : index
      %swap3A_536 = tpu.vector_load %arg8[%swap3A_534, %swap3A_535] {strides = array<i32>} : memref<64x768xf32, #tpu.memory_space<vmem>>, vector<1x16xf32>,
      %swap3A_537 = vector.shape_cast %swap3A_536 : vector<1x16xf32> to vector<16xf32>
      %swap3A_538 = vector.shape_cast %add3A_533 : vector<16xf32> to vector<1x16xf32>
      tpu.vector_store %arg8[%swap3A_534, %swap3A_535], %swap3A_538 {strides = array<i32>} : memref<64x768xf32, #tpu.memory_space<vmem>>, vector<1x16xf32>,
      %get3A_539 = arith.index_cast %scan3A_19 : i32 to index
      %get3A_540 = arith.constant 512 : index
      %get3A_541 = tpu.vector_load %arg8[%get3A_539, %get3A_540] {strides = array<i32>} : memref<64x768xf32, #tpu.memory_space<vmem>>, vector<1x16xf32>,
      %get3A_542 = vector.shape_cast %get3A_541 : vector<1x16xf32> to vector<16xf32>
      %mul3A_543 = arith.mulf %get3A_23, %get3A_542 : vector<16xf32>
      %get3A_544 = arith.index_cast %scan3A_19 : i32 to index
      %get3A_545 = arith.constant 512 : index
      %get3A_546 = tpu.vector_load %arg9[%get3A_544, %get3A_545] {strides = array<i32>} : memref<64x768xf32, #tpu.memory_space<vmem>>, vector<1x16xf32>,
      %get3A_547 = vector.shape_cast %get3A_546 : vector<1x16xf32> to vector<16xf32>
      %mul3A_548 = arith.mulf %get3A_27, %get3A_547 : vector<16xf32>
      %add3A_549 = arith.addf %mul3A_543, %mul3A_548 : vector<16xf32>
      %swap3A_550 = arith.index_cast %scan3A_19 : i32 to index
      %swap3A_551 = arith.constant 512 : index
      %swap3A_552 = tpu.vector_load %arg8[%swap3A_550, %swap3A_551] {strides = array<i32>} : memref<64x768xf32, #tpu.memory_space<vmem>>, vector<1x16xf32>,
      %swap3A_553 = vector.shape_cast %swap3A_552 : vector<1x16xf32> to vector<16xf32>
      %swap3A_554 = vector.shape_cast %add3A_549 : vector<16xf32> to vector<1x16xf32>
      tpu.vector_store %arg8[%swap3A_550, %swap3A_551], %swap3A_554 {strides = array<i32>} : memref<64x768xf32, #tpu.memory_space<vmem>>, vector<1x16xf32>,
      %get3A_555 = arith.index_cast %scan3A_19 : i32 to index
      %get3A_556 = arith.constant 528 : index
      %get3A_557 = tpu.vector_load %arg8[%get3A_555, %get3A_556] {strides = array<i32>} : memref<64x768xf32, #tpu.memory_space<vmem>>, vector<1x16xf32>,
      %get3A_558 = vector.shape_cast %get3A_557 : vector<1x16xf32> to vector<16xf32>
      %mul3A_559 = arith.mulf %get3A_23, %get3A_558 : vector<16xf32>
      %get3A_560 = arith.index_cast %scan3A_19 : i32 to index
      %get3A_561 = arith.constant 528 : index
      %get3A_562 = tpu.vector_load %arg9[%get3A_560, %get3A_561] {strides = array<i32>} : memref<64x768xf32, #tpu.memory_space<vmem>>, vector<1x16xf32>,
      %get3A_563 = vector.shape_cast %get3A_562 : vector<1x16xf32> to vector<16xf32>
      %mul3A_564 = arith.mulf %get3A_27, %get3A_563 : vector<16xf32>
      %add3A_565 = arith.addf %mul3A_559, %mul3A_564 : vector<16xf32>
      %swap3A_566 = arith.index_cast %scan3A_19 : i32 to index
      %swap3A_567 = arith.constant 528 : index
      %swap3A_568 = tpu.vector_load %arg8[%swap3A_566, %swap3A_567] {strides = array<i32>} : memref<64x768xf32, #tpu.memory_space<vmem>>, vector<1x16xf32>,
      %swap3A_569 = vector.shape_cast %swap3A_568 : vector<1x16xf32> to vector<16xf32>
      %swap3A_570 = vector.shape_cast %add3A_565 : vector<16xf32> to vector<1x16xf32>
      tpu.vector_store %arg8[%swap3A_566, %swap3A_567], %swap3A_570 {strides = array<i32>} : memref<64x768xf32, #tpu.memory_space<vmem>>, vector<1x16xf32>,
      %get3A_571 = arith.index_cast %scan3A_19 : i32 to index
      %get3A_572 = arith.constant 544 : index
      %get3A_573 = tpu.vector_load %arg8[%get3A_571, %get3A_572] {strides = array<i32>} : memref<64x768xf32, #tpu.memory_space<vmem>>, vector<1x16xf32>,
      %get3A_574 = vector.shape_cast %get3A_573 : vector<1x16xf32> to vector<16xf32>
      %mul3A_575 = arith.mulf %get3A_23, %get3A_574 : vector<16xf32>
      %get3A_576 = arith.index_cast %scan3A_19 : i32 to index
      %get3A_577 = arith.constant 544 : index
      %get3A_578 = tpu.vector_load %arg9[%get3A_576, %get3A_577] {strides = array<i32>} : memref<64x768xf32, #tpu.memory_space<vmem>>, vector<1x16xf32>,
      %get3A_579 = vector.shape_cast %get3A_578 : vector<1x16xf32> to vector<16xf32>
      %mul3A_580 = arith.mulf %get3A_27, %get3A_579 : vector<16xf32>
      %add3A_581 = arith.addf %mul3A_575, %mul3A_580 : vector<16xf32>
      %swap3A_582 = arith.index_cast %scan3A_19 : i32 to index
      %swap3A_583 = arith.constant 544 : index
      %swap3A_584 = tpu.vector_load %arg8[%swap3A_582, %swap3A_583] {strides = array<i32>} : memref<64x768xf32, #tpu.memory_space<vmem>>, vector<1x16xf32>,
      %swap3A_585 = vector.shape_cast %swap3A_584 : vector<1x16xf32> to vector<16xf32>
      %swap3A_586 = vector.shape_cast %add3A_581 : vector<16xf32> to vector<1x16xf32>
      tpu.vector_store %arg8[%swap3A_582, %swap3A_583], %swap3A_586 {strides = array<i32>} : memref<64x768xf32, #tpu.memory_space<vmem>>, vector<1x16xf32>,
      %get3A_587 = arith.index_cast %scan3A_19 : i32 to index
      %get3A_588 = arith.constant 560 : index
      %get3A_589 = tpu.vector_load %arg8[%get3A_587, %get3A_588] {strides = array<i32>} : memref<64x768xf32, #tpu.memory_space<vmem>>, vector<1x16xf32>,
      %get3A_590 = vector.shape_cast %get3A_589 : vector<1x16xf32> to vector<16xf32>
      %mul3A_591 = arith.mulf %get3A_23, %get3A_590 : vector<16xf32>
      %get3A_592 = arith.index_cast %scan3A_19 : i32 to index
      %get3A_593 = arith.constant 560 : index
      %get3A_594 = tpu.vector_load %arg9[%get3A_592, %get3A_593] {strides = array<i32>} : memref<64x768xf32, #tpu.memory_space<vmem>>, vector<1x16xf32>,
      %get3A_595 = vector.shape_cast %get3A_594 : vector<1x16xf32> to vector<16xf32>
      %mul3A_596 = arith.mulf %get3A_27, %get3A_595 : vector<16xf32>
      %add3A_597 = arith.addf %mul3A_591, %mul3A_596 : vector<16xf32>
      %swap3A_598 = arith.index_cast %scan3A_19 : i32 to index
      %swap3A_599 = arith.constant 560 : index
      %swap3A_600 = tpu.vector_load %arg8[%swap3A_598, %swap3A_599] {strides = array<i32>} : memref<64x768xf32, #tpu.memory_space<vmem>>, vector<1x16xf32>,
      %swap3A_601 = vector.shape_cast %swap3A_600 : vector<1x16xf32> to vector<16xf32>
      %swap3A_602 = vector.shape_cast %add3A_597 : vector<16xf32> to vector<1x16xf32>
      tpu.vector_store %arg8[%swap3A_598, %swap3A_599], %swap3A_602 {strides = array<i32>} : memref<64x768xf32, #tpu.memory_space<vmem>>, vector<1x16xf32>,
      %get3A_603 = arith.index_cast %scan3A_19 : i32 to index
      %get3A_604 = arith.constant 576 : index
      %get3A_605 = tpu.vector_load %arg8[%get3A_603, %get3A_604] {strides = array<i32>} : memref<64x768xf32, #tpu.memory_space<vmem>>, vector<1x16xf32>,
      %get3A_606 = vector.shape_cast %get3A_605 : vector<1x16xf32> to vector<16xf32>
      %mul3A_607 = arith.mulf %get3A_23, %get3A_606 : vector<16xf32>
      %get3A_608 = arith.index_cast %scan3A_19 : i32 to index
      %get3A_609 = arith.constant 576 : index
      %get3A_610 = tpu.vector_load %arg9[%get3A_608, %get3A_609] {strides = array<i32>} : memref<64x768xf32, #tpu.memory_space<vmem>>, vector<1x16xf32>,
      %get3A_611 = vector.shape_cast %get3A_610 : vector<1x16xf32> to vector<16xf32>
      %mul3A_612 = arith.mulf %get3A_27, %get3A_611 : vector<16xf32>
      %add3A_613 = arith.addf %mul3A_607, %mul3A_612 : vector<16xf32>
      %swap3A_614 = arith.index_cast %scan3A_19 : i32 to index
      %swap3A_615 = arith.constant 576 : index
      %swap3A_616 = tpu.vector_load %arg8[%swap3A_614, %swap3A_615] {strides = array<i32>} : memref<64x768xf32, #tpu.memory_space<vmem>>, vector<1x16xf32>,
      %swap3A_617 = vector.shape_cast %swap3A_616 : vector<1x16xf32> to vector<16xf32>
      %swap3A_618 = vector.shape_cast %add3A_613 : vector<16xf32> to vector<1x16xf32>
      tpu.vector_store %arg8[%swap3A_614, %swap3A_615], %swap3A_618 {strides = array<i32>} : memref<64x768xf32, #tpu.memory_space<vmem>>, vector<1x16xf32>,
      %get3A_619 = arith.index_cast %scan3A_19 : i32 to index
      %get3A_620 = arith.constant 592 : index
      %get3A_621 = tpu.vector_load %arg8[%get3A_619, %get3A_620] {strides = array<i32>} : memref<64x768xf32, #tpu.memory_space<vmem>>, vector<1x16xf32>,
      %get3A_622 = vector.shape_cast %get3A_621 : vector<1x16xf32> to vector<16xf32>
      %mul3A_623 = arith.mulf %get3A_23, %get3A_622 : vector<16xf32>
      %get3A_624 = arith.index_cast %scan3A_19 : i32 to index
      %get3A_625 = arith.constant 592 : index
      %get3A_626 = tpu.vector_load %arg9[%get3A_624, %get3A_625] {strides = array<i32>} : memref<64x768xf32, #tpu.memory_space<vmem>>, vector<1x16xf32>,
      %get3A_627 = vector.shape_cast %get3A_626 : vector<1x16xf32> to vector<16xf32>
      %mul3A_628 = arith.mulf %get3A_27, %get3A_627 : vector<16xf32>
      %add3A_629 = arith.addf %mul3A_623, %mul3A_628 : vector<16xf32>
      %swap3A_630 = arith.index_cast %scan3A_19 : i32 to index
      %swap3A_631 = arith.constant 592 : index
      %swap3A_632 = tpu.vector_load %arg8[%swap3A_630, %swap3A_631] {strides = array<i32>} : memref<64x768xf32, #tpu.memory_space<vmem>>, vector<1x16xf32>,
      %swap3A_633 = vector.shape_cast %swap3A_632 : vector<1x16xf32> to vector<16xf32>
      %swap3A_634 = vector.shape_cast %add3A_629 : vector<16xf32> to vector<1x16xf32>
      tpu.vector_store %arg8[%swap3A_630, %swap3A_631], %swap3A_634 {strides = array<i32>} : memref<64x768xf32, #tpu.memory_space<vmem>>, vector<1x16xf32>,
      %get3A_635 = arith.index_cast %scan3A_19 : i32 to index
      %get3A_636 = arith.constant 608 : index
      %get3A_637 = tpu.vector_load %arg8[%get3A_635, %get3A_636] {strides = array<i32>} : memref<64x768xf32, #tpu.memory_space<vmem>>, vector<1x16xf32>,
      %get3A_638 = vector.shape_cast %get3A_637 : vector<1x16xf32> to vector<16xf32>
      %mul3A_639 = arith.mulf %get3A_23, %get3A_638 : vector<16xf32>
      %get3A_640 = arith.index_cast %scan3A_19 : i32 to index
      %get3A_641 = arith.constant 608 : index
      %get3A_642 = tpu.vector_load %arg9[%get3A_640, %get3A_641] {strides = array<i32>} : memref<64x768xf32, #tpu.memory_space<vmem>>, vector<1x16xf32>,
      %get3A_643 = vector.shape_cast %get3A_642 : vector<1x16xf32> to vector<16xf32>
      %mul3A_644 = arith.mulf %get3A_27, %get3A_643 : vector<16xf32>
      %add3A_645 = arith.addf %mul3A_639, %mul3A_644 : vector<16xf32>
      %swap3A_646 = arith.index_cast %scan3A_19 : i32 to index
      %swap3A_647 = arith.constant 608 : index
      %swap3A_648 = tpu.vector_load %arg8[%swap3A_646, %swap3A_647] {strides = array<i32>} : memref<64x768xf32, #tpu.memory_space<vmem>>, vector<1x16xf32>,
      %swap3A_649 = vector.shape_cast %swap3A_648 : vector<1x16xf32> to vector<16xf32>
      %swap3A_650 = vector.shape_cast %add3A_645 : vector<16xf32> to vector<1x16xf32>
      tpu.vector_store %arg8[%swap3A_646, %swap3A_647], %swap3A_650 {strides = array<i32>} : memref<64x768xf32, #tpu.memory_space<vmem>>, vector<1x16xf32>,
      %get3A_651 = arith.index_cast %scan3A_19 : i32 to index
      %get3A_652 = arith.constant 624 : index
      %get3A_653 = tpu.vector_load %arg8[%get3A_651, %get3A_652] {strides = array<i32>} : memref<64x768xf32, #tpu.memory_space<vmem>>, vector<1x16xf32>,
      %get3A_654 = vector.shape_cast %get3A_653 : vector<1x16xf32> to vector<16xf32>
      %mul3A_655 = arith.mulf %get3A_23, %get3A_654 : vector<16xf32>
      %get3A_656 = arith.index_cast %scan3A_19 : i32 to index
      %get3A_657 = arith.constant 624 : index
      %get3A_658 = tpu.vector_load %arg9[%get3A_656, %get3A_657] {strides = array<i32>} : memref<64x768xf32, #tpu.memory_space<vmem>>, vector<1x16xf32>,
      %get3A_659 = vector.shape_cast %get3A_658 : vector<1x16xf32> to vector<16xf32>
      %mul3A_660 = arith.mulf %get3A_27, %get3A_659 : vector<16xf32>
      %add3A_661 = arith.addf %mul3A_655, %mul3A_660 : vector<16xf32>
      %swap3A_662 = arith.index_cast %scan3A_19 : i32 to index
      %swap3A_663 = arith.constant 624 : index
      %swap3A_664 = tpu.vector_load %arg8[%swap3A_662, %swap3A_663] {strides = array<i32>} : memref<64x768xf32, #tpu.memory_space<vmem>>, vector<1x16xf32>,
      %swap3A_665 = vector.shape_cast %swap3A_664 : vector<1x16xf32> to vector<16xf32>
      %swap3A_666 = vector.shape_cast %add3A_661 : vector<16xf32> to vector<1x16xf32>
      tpu.vector_store %arg8[%swap3A_662, %swap3A_663], %swap3A_666 {strides = array<i32>} : memref<64x768xf32, #tpu.memory_space<vmem>>, vector<1x16xf32>,
      %get3A_667 = arith.index_cast %scan3A_19 : i32 to index
      %get3A_668 = arith.constant 640 : index
      %get3A_669 = tpu.vector_load %arg8[%get3A_667, %get3A_668] {strides = array<i32>} : memref<64x768xf32, #tpu.memory_space<vmem>>, vector<1x16xf32>,
      %get3A_670 = vector.shape_cast %get3A_669 : vector<1x16xf32> to vector<16xf32>
      %mul3A_671 = arith.mulf %get3A_23, %get3A_670 : vector<16xf32>
      %get3A_672 = arith.index_cast %scan3A_19 : i32 to index
      %get3A_673 = arith.constant 640 : index
      %get3A_674 = tpu.vector_load %arg9[%get3A_672, %get3A_673] {strides = array<i32>} : memref<64x768xf32, #tpu.memory_space<vmem>>, vector<1x16xf32>,
      %get3A_675 = vector.shape_cast %get3A_674 : vector<1x16xf32> to vector<16xf32>
      %mul3A_676 = arith.mulf %get3A_27, %get3A_675 : vector<16xf32>
      %add3A_677 = arith.addf %mul3A_671, %mul3A_676 : vector<16xf32>
      %swap3A_678 = arith.index_cast %scan3A_19 : i32 to index
      %swap3A_679 = arith.constant 640 : index
      %swap3A_680 = tpu.vector_load %arg8[%swap3A_678, %swap3A_679] {strides = array<i32>} : memref<64x768xf32, #tpu.memory_space<vmem>>, vector<1x16xf32>,
      %swap3A_681 = vector.shape_cast %swap3A_680 : vector<1x16xf32> to vector<16xf32>
      %swap3A_682 = vector.shape_cast %add3A_677 : vector<16xf32> to vector<1x16xf32>
      tpu.vector_store %arg8[%swap3A_678, %swap3A_679], %swap3A_682 {strides = array<i32>} : memref<64x768xf32, #tpu.memory_space<vmem>>, vector<1x16xf32>,
      %get3A_683 = arith.index_cast %scan3A_19 : i32 to index
      %get3A_684 = arith.constant 656 : index
      %get3A_685 = tpu.vector_load %arg8[%get3A_683, %get3A_684] {strides = array<i32>} : memref<64x768xf32, #tpu.memory_space<vmem>>, vector<1x16xf32>,
      %get3A_686 = vector.shape_cast %get3A_685 : vector<1x16xf32> to vector<16xf32>
      %mul3A_687 = arith.mulf %get3A_23, %get3A_686 : vector<16xf32>
      %get3A_688 = arith.index_cast %scan3A_19 : i32 to index
      %get3A_689 = arith.constant 656 : index
      %get3A_690 = tpu.vector_load %arg9[%get3A_688, %get3A_689] {strides = array<i32>} : memref<64x768xf32, #tpu.memory_space<vmem>>, vector<1x16xf32>,
      %get3A_691 = vector.shape_cast %get3A_690 : vector<1x16xf32> to vector<16xf32>
      %mul3A_692 = arith.mulf %get3A_27, %get3A_691 : vector<16xf32>
      %add3A_693 = arith.addf %mul3A_687, %mul3A_692 : vector<16xf32>
      %swap3A_694 = arith.index_cast %scan3A_19 : i32 to index
      %swap3A_695 = arith.constant 656 : index
      %swap3A_696 = tpu.vector_load %arg8[%swap3A_694, %swap3A_695] {strides = array<i32>} : memref<64x768xf32, #tpu.memory_space<vmem>>, vector<1x16xf32>,
      %swap3A_697 = vector.shape_cast %swap3A_696 : vector<1x16xf32> to vector<16xf32>
      %swap3A_698 = vector.shape_cast %add3A_693 : vector<16xf32> to vector<1x16xf32>
      tpu.vector_store %arg8[%swap3A_694, %swap3A_695], %swap3A_698 {strides = array<i32>} : memref<64x768xf32, #tpu.memory_space<vmem>>, vector<1x16xf32>,
      %get3A_699 = arith.index_cast %scan3A_19 : i32 to index
      %get3A_700 = arith.constant 672 : index
      %get3A_701 = tpu.vector_load %arg8[%get3A_699, %get3A_700] {strides = array<i32>} : memref<64x768xf32, #tpu.memory_space<vmem>>, vector<1x16xf32>,
      %get3A_702 = vector.shape_cast %get3A_701 : vector<1x16xf32> to vector<16xf32>
      %mul3A_703 = arith.mulf %get3A_23, %get3A_702 : vector<16xf32>
      %get3A_704 = arith.index_cast %scan3A_19 : i32 to index
      %get3A_705 = arith.constant 672 : index
      %get3A_706 = tpu.vector_load %arg9[%get3A_704, %get3A_705] {strides = array<i32>} : memref<64x768xf32, #tpu.memory_space<vmem>>, vector<1x16xf32>,
      %get3A_707 = vector.shape_cast %get3A_706 : vector<1x16xf32> to vector<16xf32>
      %mul3A_708 = arith.mulf %get3A_27, %get3A_707 : vector<16xf32>
      %add3A_709 = arith.addf %mul3A_703, %mul3A_708 : vector<16xf32>
      %swap3A_710 = arith.index_cast %scan3A_19 : i32 to index
      %swap3A_711 = arith.constant 672 : index
      %swap3A_712 = tpu.vector_load %arg8[%swap3A_710, %swap3A_711] {strides = array<i32>} : memref<64x768xf32, #tpu.memory_space<vmem>>, vector<1x16xf32>,
      %swap3A_713 = vector.shape_cast %swap3A_712 : vector<1x16xf32> to vector<16xf32>
      %swap3A_714 = vector.shape_cast %add3A_709 : vector<16xf32> to vector<1x16xf32>
      tpu.vector_store %arg8[%swap3A_710, %swap3A_711], %swap3A_714 {strides = array<i32>} : memref<64x768xf32, #tpu.memory_space<vmem>>, vector<1x16xf32>,
      %get3A_715 = arith.index_cast %scan3A_19 : i32 to index
      %get3A_716 = arith.constant 688 : index
      %get3A_717 = tpu.vector_load %arg8[%get3A_715, %get3A_716] {strides = array<i32>} : memref<64x768xf32, #tpu.memory_space<vmem>>, vector<1x16xf32>,
      %get3A_718 = vector.shape_cast %get3A_717 : vector<1x16xf32> to vector<16xf32>
      %mul3A_719 = arith.mulf %get3A_23, %get3A_718 : vector<16xf32>
      %get3A_720 = arith.index_cast %scan3A_19 : i32 to index
      %get3A_721 = arith.constant 688 : index
      %get3A_722 = tpu.vector_load %arg9[%get3A_720, %get3A_721] {strides = array<i32>} : memref<64x768xf32, #tpu.memory_space<vmem>>, vector<1x16xf32>,
      %get3A_723 = vector.shape_cast %get3A_722 : vector<1x16xf32> to vector<16xf32>
      %mul3A_724 = arith.mulf %get3A_27, %get3A_723 : vector<16xf32>
      %add3A_725 = arith.addf %mul3A_719, %mul3A_724 : vector<16xf32>
      %swap3A_726 = arith.index_cast %scan3A_19 : i32 to index
      %swap3A_727 = arith.constant 688 : index
      %swap3A_728 = tpu.vector_load %arg8[%swap3A_726, %swap3A_727] {strides = array<i32>} : memref<64x768xf32, #tpu.memory_space<vmem>>, vector<1x16xf32>,
      %swap3A_729 = vector.shape_cast %swap3A_728 : vector<1x16xf32> to vector<16xf32>
      %swap3A_730 = vector.shape_cast %add3A_725 : vector<16xf32> to vector<1x16xf32>
      tpu.vector_store %arg8[%swap3A_726, %swap3A_727], %swap3A_730 {strides = array<i32>} : memref<64x768xf32, #tpu.memory_space<vmem>>, vector<1x16xf32>,
      %get3A_731 = arith.index_cast %scan3A_19 : i32 to index
      %get3A_732 = arith.constant 704 : index
      %get3A_733 = tpu.vector_load %arg8[%get3A_731, %get3A_732] {strides = array<i32>} : memref<64x768xf32, #tpu.memory_space<vmem>>, vector<1x16xf32>,
      %get3A_734 = vector.shape_cast %get3A_733 : vector<1x16xf32> to vector<16xf32>
      %mul3A_735 = arith.mulf %get3A_23, %get3A_734 : vector<16xf32>
      %get3A_736 = arith.index_cast %scan3A_19 : i32 to index
      %get3A_737 = arith.constant 704 : index
      %get3A_738 = tpu.vector_load %arg9[%get3A_736, %get3A_737] {strides = array<i32>} : memref<64x768xf32, #tpu.memory_space<vmem>>, vector<1x16xf32>,
      %get3A_739 = vector.shape_cast %get3A_738 : vector<1x16xf32> to vector<16xf32>
      %mul3A_740 = arith.mulf %get3A_27, %get3A_739 : vector<16xf32>
      %add3A_741 = arith.addf %mul3A_735, %mul3A_740 : vector<16xf32>
      %swap3A_742 = arith.index_cast %scan3A_19 : i32 to index
      %swap3A_743 = arith.constant 704 : index
      %swap3A_744 = tpu.vector_load %arg8[%swap3A_742, %swap3A_743] {strides = array<i32>} : memref<64x768xf32, #tpu.memory_space<vmem>>, vector<1x16xf32>,
      %swap3A_745 = vector.shape_cast %swap3A_744 : vector<1x16xf32> to vector<16xf32>
      %swap3A_746 = vector.shape_cast %add3A_741 : vector<16xf32> to vector<1x16xf32>
      tpu.vector_store %arg8[%swap3A_742, %swap3A_743], %swap3A_746 {strides = array<i32>} : memref<64x768xf32, #tpu.memory_space<vmem>>, vector<1x16xf32>,
      %get3A_747 = arith.index_cast %scan3A_19 : i32 to index
      %get3A_748 = arith.constant 720 : index
      %get3A_749 = tpu.vector_load %arg8[%get3A_747, %get3A_748] {strides = array<i32>} : memref<64x768xf32, #tpu.memory_space<vmem>>, vector<1x16xf32>,
      %get3A_750 = vector.shape_cast %get3A_749 : vector<1x16xf32> to vector<16xf32>
      %mul3A_751 = arith.mulf %get3A_23, %get3A_750 : vector<16xf32>
      %get3A_752 = arith.index_cast %scan3A_19 : i32 to index
      %get3A_753 = arith.constant 720 : index
      %get3A_754 = tpu.vector_load %arg9[%get3A_752, %get3A_753] {strides = array<i32>} : memref<64x768xf32, #tpu.memory_space<vmem>>, vector<1x16xf32>,
      %get3A_755 = vector.shape_cast %get3A_754 : vector<1x16xf32> to vector<16xf32>
      %mul3A_756 = arith.mulf %get3A_27, %get3A_755 : vector<16xf32>
      %add3A_757 = arith.addf %mul3A_751, %mul3A_756 : vector<16xf32>
      %swap3A_758 = arith.index_cast %scan3A_19 : i32 to index
      %swap3A_759 = arith.constant 720 : index
      %swap3A_760 = tpu.vector_load %arg8[%swap3A_758, %swap3A_759] {strides = array<i32>} : memref<64x768xf32, #tpu.memory_space<vmem>>, vector<1x16xf32>,
      %swap3A_761 = vector.shape_cast %swap3A_760 : vector<1x16xf32> to vector<16xf32>
      %swap3A_762 = vector.shape_cast %add3A_757 : vector<16xf32> to vector<1x16xf32>
      tpu.vector_store %arg8[%swap3A_758, %swap3A_759], %swap3A_762 {strides = array<i32>} : memref<64x768xf32, #tpu.memory_space<vmem>>, vector<1x16xf32>,
      %get3A_763 = arith.index_cast %scan3A_19 : i32 to index
      %get3A_764 = arith.constant 736 : index
      %get3A_765 = tpu.vector_load %arg8[%get3A_763, %get3A_764] {strides = array<i32>} : memref<64x768xf32, #tpu.memory_space<vmem>>, vector<1x16xf32>,
      %get3A_766 = vector.shape_cast %get3A_765 : vector<1x16xf32> to vector<16xf32>
      %mul3A_767 = arith.mulf %get3A_23, %get3A_766 : vector<16xf32>
      %get3A_768 = arith.index_cast %scan3A_19 : i32 to index
      %get3A_769 = arith.constant 736 : index
      %get3A_770 = tpu.vector_load %arg9[%get3A_768, %get3A_769] {strides = array<i32>} : memref<64x768xf32, #tpu.memory_space<vmem>>, vector<1x16xf32>,
      %get3A_771 = vector.shape_cast %get3A_770 : vector<1x16xf32> to vector<16xf32>
      %mul3A_772 = arith.mulf %get3A_27, %get3A_771 : vector<16xf32>
      %add3A_773 = arith.addf %mul3A_767, %mul3A_772 : vector<16xf32>
      %swap3A_774 = arith.index_cast %scan3A_19 : i32 to index
      %swap3A_775 = arith.constant 736 : index
      %swap3A_776 = tpu.vector_load %arg8[%swap3A_774, %swap3A_775] {strides = array<i32>} : memref<64x768xf32, #tpu.memory_space<vmem>>, vector<1x16xf32>,
      %swap3A_777 = vector.shape_cast %swap3A_776 : vector<1x16xf32> to vector<16xf32>
      %swap3A_778 = vector.shape_cast %add3A_773 : vector<16xf32> to vector<1x16xf32>
      tpu.vector_store %arg8[%swap3A_774, %swap3A_775], %swap3A_778 {strides = array<i32>} : memref<64x768xf32, #tpu.memory_space<vmem>>, vector<1x16xf32>,
      %get3A_779 = arith.index_cast %scan3A_19 : i32 to index
      %get3A_780 = arith.constant 752 : index
      %get3A_781 = tpu.vector_load %arg8[%get3A_779, %get3A_780] {strides = array<i32>} : memref<64x768xf32, #tpu.memory_space<vmem>>, vector<1x16xf32>,
      %get3A_782 = vector.shape_cast %get3A_781 : vector<1x16xf32> to vector<16xf32>
      %mul3A_783 = arith.mulf %get3A_23, %get3A_782 : vector<16xf32>
      %get3A_784 = arith.index_cast %scan3A_19 : i32 to index
      %get3A_785 = arith.constant 752 : index
      %get3A_786 = tpu.vector_load %arg9[%get3A_784, %get3A_785] {strides = array<i32>} : memref<64x768xf32, #tpu.memory_space<vmem>>, vector<1x16xf32>,
      %get3A_787 = vector.shape_cast %get3A_786 : vector<1x16xf32> to vector<16xf32>
      %mul3A_788 = arith.mulf %get3A_27, %get3A_787 : vector<16xf32>
      %add3A_789 = arith.addf %mul3A_783, %mul3A_788 : vector<16xf32>
      %swap3A_790 = arith.index_cast %scan3A_19 : i32 to index
      %swap3A_791 = arith.constant 752 : index
      %swap3A_792 = tpu.vector_load %arg8[%swap3A_790, %swap3A_791] {strides = array<i32>} : memref<64x768xf32, #tpu.memory_space<vmem>>, vector<1x16xf32>,
      %swap3A_793 = vector.shape_cast %swap3A_792 : vector<1x16xf32> to vector<16xf32>
      %swap3A_794 = vector.shape_cast %add3A_789 : vector<16xf32> to vector<1x16xf32>
      tpu.vector_store %arg8[%swap3A_790, %swap3A_791], %swap3A_794 {strides = array<i32>} : memref<64x768xf32, #tpu.memory_space<vmem>>, vector<1x16xf32>,
      %scan3A_795 = arith.constant 0 : i32
      scf.yield %scan3A_795 : i32
    }
    %scan3A_18 = arith.constant 64 : i32
    "tpu.region"() ({
      %run_scoped3A = tpu.sem_alloc : memref<!tpu.dma_semaphore, #tpu.memory_space<semaphore_mem>>
      %dma_start3A_19 = arith.constant 0 : i32
      %dma_start3A_20 = tpu.memref_slice %arg7[%mul3A_2, %dma_start3A_19] : memref<2048x768xf32, #tpu.memory_space<hbm>> -> memref<64x768xf32, #tpu.memory_space<hbm>>
      %dma_start3A_21 = arith.constant 0 : i32
      %dma_start3A_22 = tpu.memref_slice %arg7[%mul3A_2, %dma_start3A_21] : memref<2048x768xf32, #tpu.memory_space<hbm>> -> memref<64x768xf32, #tpu.memory_space<hbm>>
      tpu.enqueue_dma source(%arg8 : memref<64x768xf32, #tpu.memory_space<vmem>>) target(%dma_start3A_22 : memref<64x768xf32, #tpu.memory_space<hbm>>) target_semaphore(%run_scoped3A : memref<!tpu.dma_semaphore, #tpu.memory_space<semaphore_mem>>)
      %dma_wait3A_23 = arith.constant 0 : i32
      %dma_wait3A_24 = tpu.memref_slice %arg7[%mul3A_2, %dma_wait3A_23] : memref<2048x768xf32, #tpu.memory_space<hbm>> -> memref<64x768xf32, #tpu.memory_space<hbm>>
      %dma_wait3A_25 = arith.constant 0 : i32
      %dma_wait3A_26 = tpu.memref_slice %arg7[%mul3A_2, %dma_wait3A_25] : memref<2048x768xf32, #tpu.memory_space<hbm>> -> memref<64x768xf32, #tpu.memory_space<hbm>>
      tpu.wait_dma2 semaphore(%run_scoped3A : memref<!tpu.dma_semaphore, #tpu.memory_space<semaphore_mem>>) src(%arg8 : memref<64x768xf32, #tpu.memory_space<vmem>>) dst(%dma_wait3A_26 : memref<64x768xf32, #tpu.memory_space<hbm>>)
      tpu.yield
    }) : () -> ()
    return
  }
}

#map = affine_map<(d0, d1) -> (0, 0)>
#map1 = affine_map<(d0, d1) -> (0)>
module attributes {stable_mosaic.version = 14 : i64} {
  func.func @_scatter_body(%arg0: i32, %arg1: i32, %arg2: memref<2048x768xf32, #tpu.memory_space<hbm>>, %arg3: memref<2048xi32, #tpu.memory_space<hbm>>, %arg4: memref<2048xi32, #tpu.memory_space<hbm>>, %arg5: memref<9984x768xf32, #tpu.memory_space<hbm>>, %arg6: memref<64x768xf32, #tpu.memory_space<vmem>>, %arg7: memref<64xi32, #tpu.memory_space<vmem>>, %arg8: memref<64xi32, #tpu.memory_space<vmem>>, %arg9: memref<!tpu.dma_semaphore, #tpu.memory_space<semaphore_mem>>, %arg10: memref<!tpu.dma_semaphore, #tpu.memory_space<semaphore_mem>>) attributes {dimension_semantics = [#tpu.dimension_semantics<core_parallel>, #tpu.dimension_semantics<subcore_parallel>], iteration_bounds = array<i64: 2, 16>, scalar_prefetch = 0 : i64, scratch_operands = 5 : i64, tpu.core_type = #tpu.core_type<sc_vector_subcore>, window_params = [{transform_indices = #map}, {transform_indices = #map1}, {transform_indices = #map1}, {transform_indices = #map}]} {
    %mul3A = arith.constant 2 : i32
    %mul3A_0 = arith.muli %arg1, %mul3A : i32
    %add3A = arith.addi %mul3A_0, %arg0 : i32
    %mul3A_1 = arith.constant 64 : i32
    %mul3A_2 = arith.muli %add3A, %mul3A_1 : i32
    "tpu.region"() ({
      %run_scoped3A = tpu.sem_alloc : memref<!tpu.dma_semaphore, #tpu.memory_space<semaphore_mem>>
      %dma_start3A_13 = arith.constant 0 : i32
      %dma_start3A_14 = tpu.memref_slice %arg2[%mul3A_2, %dma_start3A_13] : memref<2048x768xf32, #tpu.memory_space<hbm>> -> memref<64x768xf32, #tpu.memory_space<hbm>>
      %dma_start3A_15 = arith.constant 0 : i32
      %dma_start3A_16 = tpu.memref_slice %arg2[%mul3A_2, %dma_start3A_15] : memref<2048x768xf32, #tpu.memory_space<hbm>> -> memref<64x768xf32, #tpu.memory_space<hbm>>
      tpu.enqueue_dma source(%dma_start3A_16 : memref<64x768xf32, #tpu.memory_space<hbm>>) target(%arg6 : memref<64x768xf32, #tpu.memory_space<vmem>>) target_semaphore(%run_scoped3A : memref<!tpu.dma_semaphore, #tpu.memory_space<semaphore_mem>>)
      %dma_wait3A_17 = arith.constant 0 : i32
      %dma_wait3A_18 = tpu.memref_slice %arg2[%mul3A_2, %dma_wait3A_17] : memref<2048x768xf32, #tpu.memory_space<hbm>> -> memref<64x768xf32, #tpu.memory_space<hbm>>
      %dma_wait3A_19 = arith.constant 0 : i32
      %dma_wait3A_20 = tpu.memref_slice %arg2[%mul3A_2, %dma_wait3A_19] : memref<2048x768xf32, #tpu.memory_space<hbm>> -> memref<64x768xf32, #tpu.memory_space<hbm>>
      tpu.wait_dma2 semaphore(%run_scoped3A : memref<!tpu.dma_semaphore, #tpu.memory_space<semaphore_mem>>) src(%dma_wait3A_20 : memref<64x768xf32, #tpu.memory_space<hbm>>) dst(%arg6 : memref<64x768xf32, #tpu.memory_space<vmem>>)
      tpu.yield
    }) : () -> ()
    "tpu.region"() ({
      %run_scoped3A = tpu.sem_alloc : memref<!tpu.dma_semaphore, #tpu.memory_space<semaphore_mem>>
      %dma_start3A_13 = tpu.memref_slice %arg3[%mul3A_2] : memref<2048xi32, #tpu.memory_space<hbm>> -> memref<64xi32, #tpu.memory_space<hbm>>
      %dma_start3A_14 = tpu.memref_slice %arg3[%mul3A_2] : memref<2048xi32, #tpu.memory_space<hbm>> -> memref<64xi32, #tpu.memory_space<hbm>>
      tpu.enqueue_dma source(%dma_start3A_14 : memref<64xi32, #tpu.memory_space<hbm>>) target(%arg7 : memref<64xi32, #tpu.memory_space<vmem>>) target_semaphore(%run_scoped3A : memref<!tpu.dma_semaphore, #tpu.memory_space<semaphore_mem>>)
      %dma_wait3A_15 = tpu.memref_slice %arg3[%mul3A_2] : memref<2048xi32, #tpu.memory_space<hbm>> -> memref<64xi32, #tpu.memory_space<hbm>>
      %dma_wait3A_16 = tpu.memref_slice %arg3[%mul3A_2] : memref<2048xi32, #tpu.memory_space<hbm>> -> memref<64xi32, #tpu.memory_space<hbm>>
      tpu.wait_dma2 semaphore(%run_scoped3A : memref<!tpu.dma_semaphore, #tpu.memory_space<semaphore_mem>>) src(%dma_wait3A_16 : memref<64xi32, #tpu.memory_space<hbm>>) dst(%arg7 : memref<64xi32, #tpu.memory_space<vmem>>)
      tpu.yield
    }) : () -> ()
    "tpu.region"() ({
      %run_scoped3A = tpu.sem_alloc : memref<!tpu.dma_semaphore, #tpu.memory_space<semaphore_mem>>
      %dma_start3A_13 = tpu.memref_slice %arg4[%mul3A_2] : memref<2048xi32, #tpu.memory_space<hbm>> -> memref<64xi32, #tpu.memory_space<hbm>>
      %dma_start3A_14 = tpu.memref_slice %arg4[%mul3A_2] : memref<2048xi32, #tpu.memory_space<hbm>> -> memref<64xi32, #tpu.memory_space<hbm>>
      tpu.enqueue_dma source(%dma_start3A_14 : memref<64xi32, #tpu.memory_space<hbm>>) target(%arg8 : memref<64xi32, #tpu.memory_space<vmem>>) target_semaphore(%run_scoped3A : memref<!tpu.dma_semaphore, #tpu.memory_space<semaphore_mem>>)
      %dma_wait3A_15 = tpu.memref_slice %arg4[%mul3A_2] : memref<2048xi32, #tpu.memory_space<hbm>> -> memref<64xi32, #tpu.memory_space<hbm>>
      %dma_wait3A_16 = tpu.memref_slice %arg4[%mul3A_2] : memref<2048xi32, #tpu.memory_space<hbm>> -> memref<64xi32, #tpu.memory_space<hbm>>
      tpu.wait_dma2 semaphore(%run_scoped3A : memref<!tpu.dma_semaphore, #tpu.memory_space<semaphore_mem>>) src(%dma_wait3A_16 : memref<64xi32, #tpu.memory_space<hbm>>) dst(%arg8 : memref<64xi32, #tpu.memory_space<vmem>>)
      tpu.yield
    }) : () -> ()
    %dma_start3A = arith.constant 0 : i32
    %dma_start3A_3 = arith.constant 0 : i32
    %dma_start3A_4 = tpu.memref_slice %arg5[%dma_start3A, %dma_start3A_3] : memref<9984x768xf32, #tpu.memory_space<hbm>> -> memref<9984x768xf32, #tpu.memory_space<hbm>>
    tpu.enqueue_indirect_dma source(%arg6 : memref<64x768xf32, #tpu.memory_space<vmem>>) target(%dma_start3A_4 : memref<9984x768xf32, #tpu.memory_space<hbm>>) offsets(%arg7 : memref<64xi32, #tpu.memory_space<vmem>>) semaphore(%arg9 : memref<!tpu.dma_semaphore, #tpu.memory_space<semaphore_mem>>)
    %dma_start3A_5 = arith.constant 0 : i32
    %dma_start3A_6 = arith.constant 0 : i32
    %dma_start3A_7 = tpu.memref_slice %arg5[%dma_start3A_5, %dma_start3A_6] : memref<9984x768xf32, #tpu.memory_space<hbm>> -> memref<9984x768xf32, #tpu.memory_space<hbm>>
    tpu.enqueue_indirect_dma source(%arg6 : memref<64x768xf32, #tpu.memory_space<vmem>>) target(%dma_start3A_7 : memref<9984x768xf32, #tpu.memory_space<hbm>>) offsets(%arg8 : memref<64xi32, #tpu.memory_space<vmem>>) semaphore(%arg10 : memref<!tpu.dma_semaphore, #tpu.memory_space<semaphore_mem>>)
    %dma_wait3A = arith.constant 0 : i32
    %dma_wait3A_8 = arith.constant 0 : i32
    %dma_wait3A_9 = tpu.memref_slice %arg5[%dma_wait3A, %dma_wait3A_8] : memref<9984x768xf32, #tpu.memory_space<hbm>> -> memref<9984x768xf32, #tpu.memory_space<hbm>>
    tpu.wait_indirect_dma semaphore(%arg9 : memref<!tpu.dma_semaphore, #tpu.memory_space<semaphore_mem>>) src(%arg6 : memref<64x768xf32, #tpu.memory_space<vmem>>) dst(%dma_wait3A_9 : memref<9984x768xf32, #tpu.memory_space<hbm>>)
    %dma_wait3A_10 = arith.constant 0 : i32
    %dma_wait3A_11 = arith.constant 0 : i32
    %dma_wait3A_12 = tpu.memref_slice %arg5[%dma_wait3A_10, %dma_wait3A_11] : memref<9984x768xf32, #tpu.memory_space<hbm>> -> memref<9984x768xf32, #tpu.memory_space<hbm>>
    tpu.wait_indirect_dma semaphore(%arg10 : memref<!tpu.dma_semaphore, #tpu.memory_space<semaphore_mem>>) src(%arg6 : memref<64x768xf32, #tpu.memory_space<vmem>>) dst(%dma_wait3A_12 : memref<9984x768xf32, #tpu.memory_space<hbm>>)
    return
  }
}

module attributes {stable_mosaic.version = 14 : i64} {
  func.func @_gating_body(%arg0: memref<2048x768xf32, #tpu.memory_space<vmem>>, %arg1: memref<8x768xf32, #tpu.memory_space<vmem>>, %arg2: memref<2048xi32, #tpu.memory_space<vmem>>, %arg3: memref<2048xi32, #tpu.memory_space<vmem>>, %arg4: memref<2048x16xf32, #tpu.memory_space<vmem>>, %arg5: memref<2048x16xf32, #tpu.memory_space<vmem>>, %arg6: memref<14xi32, #tpu.memory_space<vmem>>, %arg7: memref<1x1xf32, #tpu.memory_space<vmem>>) attributes {dimension_semantics = [], scalar_prefetch = 0 : i64, scratch_operands = 0 : i64, tpu.core_type = #tpu.core_type<tc>} {
    %get3A = arith.constant 0 : index
    %get3A_0 = arith.constant 0 : index
    %get3A_1 = vector.load %arg0[%get3A, %get3A_0] : memref<2048x768xf32, #tpu.memory_space<vmem>>, vector<2048x768xf32>
    %get3A_2 = arith.constant 0 : index
    %get3A_3 = arith.constant 0 : index
    %get3A_4 = vector.load %arg1[%get3A_2, %get3A_3] : memref<8x768xf32, #tpu.memory_space<vmem>>, vector<8x768xf32>
    %dot_general3A = arith.constant dense<0.000000e+00> : vector<2048x8xf32>
    %dot_general3A_5 = tpu.matmul %get3A_1, %get3A_4, %dot_general3A {dimension_numbers = #tpu.dot_dimension_numbers<[1], [1], [0], [0], [0, 0, 1, 0], [], []>, transpose_lhs_hint = false} : vector<2048x768xf32>, vector<8x768xf32>, vector<2048x8xf32> -> vector<2048x8xf32>
    %reduce_max3A = arith.constant dense<0xFF800000> : vector<2048xf32>
    %reduce_max3A_6 = vector.multi_reduction <maximumf>, %dot_general3A_5, %reduce_max3A [1] : vector<2048x8xf32> to vector<2048xf32>
    %broadcast_in_dim3A = vector.shape_cast %reduce_max3A_6 : vector<2048xf32> to vector<2048x1xf32>
    %sub3A = vector.broadcast %broadcast_in_dim3A : vector<2048x1xf32> to vector<2048x8xf32>
    %sub3A_7 = arith.subf %dot_general3A_5, %sub3A : vector<2048x8xf32>
    %exp3A = math.exp %sub3A_7 : vector<2048x8xf32>
    %reduce_sum3A = arith.constant dense<0.000000e+00> : vector<2048xf32>
    %reduce_sum3A_8 = vector.multi_reduction <add>, %exp3A, %reduce_sum3A [1] : vector<2048x8xf32> to vector<2048xf32>
    %broadcast_in_dim3A_9 = vector.shape_cast %reduce_sum3A_8 : vector<2048xf32> to vector<2048x1xf32>
    %div3A = vector.broadcast %broadcast_in_dim3A_9 : vector<2048x1xf32> to vector<2048x8xf32>
    %div3A_10 = arith.divf %exp3A, %div3A : vector<2048x8xf32>
    %iota3A = tpu.iota {dimensions = array<i32: 1>} : vector<2048x8xi32>
    %reduce_max3A_11 = arith.constant dense<0xFF800000> : vector<2048xf32>
    %reduce_max3A_12 = vector.multi_reduction <maximumf>, %div3A_10, %reduce_max3A_11 [1] : vector<2048x8xf32> to vector<2048xf32>
    %broadcast_in_dim3A_13 = vector.shape_cast %reduce_max3A_12 : vector<2048xf32> to vector<2048x1xf32>
    %eq3A = vector.broadcast %broadcast_in_dim3A_13 : vector<2048x1xf32> to vector<2048x8xf32>
    %eq3A_14 = arith.cmpf oeq, %div3A_10, %eq3A : vector<2048x8xf32>
    %jit3A = arith.constant 8 : i32
    %broadcast_in_dim3A_15 = vector.broadcast %jit3A : i32 to vector<2048x8xi32>
    %select_n3A = arith.select %eq3A_14, %iota3A, %broadcast_in_dim3A_15 : vector<2048x8xi1>, vector<2048x8xi32>
    %reduce_min3A = arith.constant dense<2147483647> : vector<2048xi32>
    %reduce_min3A_16 = vector.multi_reduction <minsi>, %select_n3A, %reduce_min3A [1] : vector<2048x8xi32> to vector<2048xi32>
    %broadcast_in_dim3A_17 = vector.shape_cast %reduce_min3A_16 : vector<2048xi32> to vector<2048x1xi32>
    %eq3A_18 = vector.broadcast %broadcast_in_dim3A_17 : vector<2048x1xi32> to vector<2048x8xi32>
    %eq3A_19 = arith.cmpi eq, %iota3A, %eq3A_18 : vector<2048x8xi32>
    %jit3A_20 = arith.constant 0xFF800000 : f32
    %broadcast_in_dim3A_21 = vector.broadcast %jit3A_20 : f32 to vector<2048x8xf32>
    %select_n3A_22 = arith.select %eq3A_19, %broadcast_in_dim3A_21, %div3A_10 : vector<2048x8xi1>, vector<2048x8xf32>
    %reduce_max3A_23 = arith.constant dense<0xFF800000> : vector<2048xf32>
    %reduce_max3A_24 = vector.multi_reduction <maximumf>, %select_n3A_22, %reduce_max3A_23 [1] : vector<2048x8xf32> to vector<2048xf32>
    %broadcast_in_dim3A_25 = vector.shape_cast %reduce_max3A_24 : vector<2048xf32> to vector<2048x1xf32>
    %eq3A_26 = vector.broadcast %broadcast_in_dim3A_25 : vector<2048x1xf32> to vector<2048x8xf32>
    %eq3A_27 = arith.cmpf oeq, %select_n3A_22, %eq3A_26 : vector<2048x8xf32>
    %jit3A_28 = arith.constant 8 : i32
    %broadcast_in_dim3A_29 = vector.broadcast %jit3A_28 : i32 to vector<2048x8xi32>
    %select_n3A_30 = arith.select %eq3A_27, %iota3A, %broadcast_in_dim3A_29 : vector<2048x8xi1>, vector<2048x8xi32>
    %reduce_min3A_31 = arith.constant dense<2147483647> : vector<2048xi32>
    %reduce_min3A_32 = vector.multi_reduction <minsi>, %select_n3A_30, %reduce_min3A_31 [1] : vector<2048x8xi32> to vector<2048xi32>
    %broadcast_in_dim3A_33 = vector.shape_cast %reduce_min3A_32 : vector<2048xi32> to vector<2048x1xi32>
    %add3A = arith.addf %broadcast_in_dim3A_13, %broadcast_in_dim3A_25 : vector<2048x1xf32>
    %div3A_34 = arith.divf %broadcast_in_dim3A_13, %add3A : vector<2048x1xf32>
    %broadcast_in_dim3A_35 = vector.shape_cast %div3A_34 : vector<2048x1xf32> to vector<2048x1xf32>
    %broadcast_in_dim3A_36 = vector.broadcast %broadcast_in_dim3A_35 : vector<2048x1xf32> to vector<2048x16xf32>
    %swap3A = arith.constant 0 : index
    %swap3A_37 = arith.constant 0 : index
    %swap3A_38 = vector.load %arg4[%swap3A, %swap3A_37] : memref<2048x16xf32, #tpu.memory_space<vmem>>, vector<2048x16xf32>
    tpu.vector_store %arg4[%swap3A, %swap3A_37], %broadcast_in_dim3A_36 {strides = array<i32>} : memref<2048x16xf32, #tpu.memory_space<vmem>>, vector<2048x16xf32>,
    %div3A_39 = arith.divf %broadcast_in_dim3A_25, %add3A : vector<2048x1xf32>
    %broadcast_in_dim3A_40 = vector.shape_cast %div3A_39 : vector<2048x1xf32> to vector<2048x1xf32>
    %broadcast_in_dim3A_41 = vector.broadcast %broadcast_in_dim3A_40 : vector<2048x1xf32> to vector<2048x16xf32>
    %swap3A_42 = arith.constant 0 : index
    %swap3A_43 = arith.constant 0 : index
    %swap3A_44 = vector.load %arg5[%swap3A_42, %swap3A_43] : memref<2048x16xf32, #tpu.memory_space<vmem>>, vector<2048x16xf32>
    tpu.vector_store %arg5[%swap3A_42, %swap3A_43], %broadcast_in_dim3A_41 {strides = array<i32>} : memref<2048x16xf32, #tpu.memory_space<vmem>>, vector<2048x16xf32>,
    %reduce_sum3A_45 = arith.constant dense<0.000000e+00> : vector<8xf32>
    %reduce_sum3A_46 = vector.multi_reduction <add>, %div3A_10, %reduce_sum3A_45 [0] : vector<2048x8xf32> to vector<8xf32>
    %div3A_47 = arith.constant 2.048000e+03 : f32
    %div3A_48 = vector.broadcast %div3A_47 : f32 to vector<8xf32>
    %div3A_49 = arith.divf %reduce_sum3A_46, %div3A_48 : vector<8xf32>
    %reduce_sum3A_50 = arith.constant dense<0.000000e+00> : vector<8xf32>
    %reduce_sum3A_51 = vector.multi_reduction <add>, %dot_general3A_5, %reduce_sum3A_50 [0] : vector<2048x8xf32> to vector<8xf32>
    %div3A_52 = arith.constant 2.048000e+03 : f32
    %div3A_53 = vector.broadcast %div3A_52 : f32 to vector<8xf32>
    %div3A_54 = arith.divf %reduce_sum3A_51, %div3A_53 : vector<8xf32>
    %mul3A = arith.mulf %div3A_49, %div3A_54 : vector<8xf32>
    %reduce_sum3A_55 = vector.shape_cast %mul3A : vector<8xf32> to vector<1x8xf32>
    %reduce_sum3A_56 = arith.constant dense<0.000000e+00> : vector<1xf32>
    %reduce_sum3A_57 = vector.multi_reduction <add>, %reduce_sum3A_55, %reduce_sum3A_56 [1] : vector<1x8xf32> to vector<1xf32>
    %reduce_sum3A_58 = vector.shape_cast %reduce_sum3A_57 : vector<1xf32> to vector<1x1xf32>
    %reduce_sum3A_59 = vector.extract %reduce_sum3A_58[0, 0] : f32 from vector<1x1xf32>
    %reshape3A = vector.broadcast %reduce_sum3A_59 : f32 to vector<1x1xf32>
    %mul3A_60 = arith.constant 8.000000e+00 : f32
    %mul3A_61 = vector.broadcast %mul3A_60 : f32 to vector<1x1xf32>
    %mul3A_62 = arith.mulf %reshape3A, %mul3A_61 : vector<1x1xf32>
    %swap3A_63 = arith.constant 0 : index
    %swap3A_64 = arith.constant 0 : index
    %swap3A_65 = vector.load %arg7[%swap3A_63, %swap3A_64] : memref<1x1xf32, #tpu.memory_space<vmem>>, vector<1x1xf32>
    tpu.vector_store %arg7[%swap3A_63, %swap3A_64], %mul3A_62 {strides = array<i32>} : memref<1x1xf32, #tpu.memory_space<vmem>>, vector<1x1xf32>,
    %eq3A_66 = vector.broadcast %broadcast_in_dim3A_17 : vector<2048x1xi32> to vector<2048x8xi32>
    %eq3A_67 = arith.cmpi eq, %iota3A, %eq3A_66 : vector<2048x8xi32>
    %convert_element_type3A = arith.extui %eq3A_67 : vector<2048x8xi1> to vector<2048x8xi32>
    %eq3A_68 = vector.broadcast %broadcast_in_dim3A_33 : vector<2048x1xi32> to vector<2048x8xi32>
    %eq3A_69 = arith.cmpi eq, %iota3A, %eq3A_68 : vector<2048x8xi32>
    %convert_element_type3A_70 = arith.extui %eq3A_69 : vector<2048x8xi1> to vector<2048x8xi32>
    %add3A_71 = arith.addi %convert_element_type3A, %convert_element_type3A_70 : vector<2048x8xi32>
    %convert_element_type3A_72 = arith.sitofp %add3A_71 : vector<2048x8xi32> to vector<2048x8xf32>
    %reshape3A_73 = vector.shape_cast %convert_element_type3A_72 : vector<2048x8xf32> to vector<16x128x8xf32>
    %iota3A_74 = tpu.iota {dimensions = array<i32: 0>} : vector<128x128xi32>
    %iota3A_75 = tpu.iota {dimensions = array<i32: 1>} : vector<128x128xi32>
    %ge3A = arith.cmpi sge, %iota3A_74, %iota3A_75 : vector<128x128xi32>
    %convert_element_type3A_76 = arith.extui %ge3A : vector<128x128xi1> to vector<128x128xi32>
    %convert_element_type3A_77 = arith.sitofp %convert_element_type3A_76 : vector<128x128xi32> to vector<128x128xf32>
    %broadcast_in_dim3A_78 = vector.shape_cast %convert_element_type3A_77 : vector<128x128xf32> to vector<1x128x128xf32>
    %broadcast_in_dim3A_79 = vector.broadcast %broadcast_in_dim3A_78 : vector<1x128x128xf32> to vector<16x128x128xf32>
    %dot_general3A_80 = arith.constant dense<0.000000e+00> : vector<16x128x8xf32>
    %dot_general3A_81 = tpu.matmul %broadcast_in_dim3A_79, %reshape3A_73, %dot_general3A_80 {dimension_numbers = #tpu.dot_dimension_numbers<[2], [1], [1], [2], [0, 0, 0, 1, 1, 2], [0], [0]>, transpose_lhs_hint = false} : vector<16x128x128xf32>, vector<16x128x8xf32>, vector<16x128x8xf32> -> vector<16x128x8xf32>
    %slice3A = vector.extract_strided_slice %dot_general3A_81 {offsets = [0, 127, 0], sizes = [16, 1, 8], strides = [1, 1, 1]} : vector<16x128x8xf32> to vector<16x1x8xf32>
    %squeeze3A = vector.shape_cast %slice3A : vector<16x1x8xf32> to vector<16x8xf32>
    %broadcast_in_dim3A_82 = arith.constant 0.000000e+00 : f32
    %broadcast_in_dim3A_83 = vector.broadcast %broadcast_in_dim3A_82 : f32 to vector<1x8xf32>
    %slice3A_84 = vector.extract_strided_slice %squeeze3A {offsets = [0, 0], sizes = [15, 8], strides = [1, 1]} : vector<16x8xf32> to vector<15x8xf32>
    %concatenate3A = tpu.concatenate %broadcast_in_dim3A_83, %slice3A_84 in 0 : vector<1x8xf32>, vector<15x8xf32> -> vector<16x8xf32>
    %add3A_85 = arith.addf %squeeze3A, %concatenate3A : vector<16x8xf32>
    %broadcast_in_dim3A_86 = arith.constant 0.000000e+00 : f32
    %broadcast_in_dim3A_87 = vector.broadcast %broadcast_in_dim3A_86 : f32 to vector<2x8xf32>
    %slice3A_88 = vector.extract_strided_slice %add3A_85 {offsets = [0, 0], sizes = [14, 8], strides = [1, 1]} : vector<16x8xf32> to vector<14x8xf32>
    %concatenate3A_89 = tpu.concatenate %broadcast_in_dim3A_87, %slice3A_88 in 0 : vector<2x8xf32>, vector<14x8xf32> -> vector<16x8xf32>
    %add3A_90 = arith.addf %add3A_85, %concatenate3A_89 : vector<16x8xf32>
    %broadcast_in_dim3A_91 = arith.constant 0.000000e+00 : f32
    %broadcast_in_dim3A_92 = vector.broadcast %broadcast_in_dim3A_91 : f32 to vector<4x8xf32>
    %slice3A_93 = vector.extract_strided_slice %add3A_90 {offsets = [0, 0], sizes = [12, 8], strides = [1, 1]} : vector<16x8xf32> to vector<12x8xf32>
    %concatenate3A_94 = tpu.concatenate %broadcast_in_dim3A_92, %slice3A_93 in 0 : vector<4x8xf32>, vector<12x8xf32> -> vector<16x8xf32>
    %add3A_95 = arith.addf %add3A_90, %concatenate3A_94 : vector<16x8xf32>
    %broadcast_in_dim3A_96 = arith.constant 0.000000e+00 : f32
    %broadcast_in_dim3A_97 = vector.broadcast %broadcast_in_dim3A_96 : f32 to vector<8x8xf32>
    %slice3A_98 = vector.extract_strided_slice %add3A_95 {offsets = [0, 0], sizes = [8, 8], strides = [1, 1]} : vector<16x8xf32> to vector<8x8xf32>
    %concatenate3A_99 = tpu.concatenate %broadcast_in_dim3A_97, %slice3A_98 in 0 : vector<8x8xf32>, vector<8x8xf32> -> vector<16x8xf32>
    %add3A_100 = arith.addf %add3A_95, %concatenate3A_99 : vector<16x8xf32>
    %sub3A_101 = arith.subf %add3A_100, %squeeze3A : vector<16x8xf32>
    %broadcast_in_dim3A_102 = vector.shape_cast %sub3A_101 : vector<16x8xf32> to vector<16x1x8xf32>
    %add3A_103 = vector.broadcast %broadcast_in_dim3A_102 : vector<16x1x8xf32> to vector<16x128x8xf32>
    %add3A_104 = arith.addf %dot_general3A_81, %add3A_103 : vector<16x128x8xf32>
    %reshape3A_105 = vector.shape_cast %add3A_104 : vector<16x128x8xf32> to vector<2048x8xf32>
    %convert_element_type3A_106 = arith.fptosi %reshape3A_105 : vector<2048x8xf32> to vector<2048x8xi32>
    %slice3A_107 = vector.extract_strided_slice %add3A_100 {offsets = [15, 0], sizes = [1, 8], strides = [1, 1]} : vector<16x8xf32> to vector<1x8xf32>
    %convert_element_type3A_108 = arith.fptosi %slice3A_107 : vector<1x8xf32> to vector<1x8xi32>
    %add3A_109 = arith.constant 767 : i32
    %add3A_110 = vector.broadcast %add3A_109 : i32 to vector<1x8xi32>
    %add3A_111 = arith.addi %convert_element_type3A_108, %add3A_110 : vector<1x8xi32>
    %jit3A_112 = arith.constant 768 : i32
    %div3A_113 = vector.broadcast %jit3A_112 : i32 to vector<1x8xi32>
    %div3A_114 = arith.divsi %add3A_111, %div3A_113 : vector<1x8xi32>
    %sign3A = arith.constant 0 : i32
    %sign3A_115 = vector.broadcast %sign3A : i32 to vector<1x8xi32>
    %sign3A_116 = arith.cmpi sgt, %add3A_111, %sign3A_115 : vector<1x8xi32>
    %sign3A_117 = arith.extui %sign3A_116 : vector<1x8xi1> to vector<1x8xi32>
    %sign3A_118 = arith.constant 0 : i32
    %sign3A_119 = vector.broadcast %sign3A_118 : i32 to vector<1x8xi32>
    %sign3A_120 = arith.cmpi slt, %add3A_111, %sign3A_119 : vector<1x8xi32>
    %sign3A_121 = arith.extui %sign3A_120 : vector<1x8xi1> to vector<1x8xi32>
    %sign3A_122 = arith.subi %sign3A_117, %sign3A_121 : vector<1x8xi32>
    %sign3A_123 = arith.constant 0 : i32
    %sign3A_124 = arith.cmpi sgt, %jit3A_112, %sign3A_123 : i32
    %sign3A_125 = arith.extui %sign3A_124 : i1 to i32
    %sign3A_126 = arith.constant 0 : i32
    %sign3A_127 = arith.cmpi slt, %jit3A_112, %sign3A_126 : i32
    %sign3A_128 = arith.extui %sign3A_127 : i1 to i32
    %sign3A_129 = arith.subi %sign3A_125, %sign3A_128 : i32
    %ne3A = vector.broadcast %sign3A_129 : i32 to vector<1x8xi32>
    %ne3A_130 = arith.cmpi ne, %sign3A_122, %ne3A : vector<1x8xi32>
    %rem3A = vector.broadcast %jit3A_112 : i32 to vector<1x8xi32>
    %rem3A_131 = arith.remsi %add3A_111, %rem3A : vector<1x8xi32>
    %ne3A_132 = arith.constant 0 : i32
    %ne3A_133 = vector.broadcast %ne3A_132 : i32 to vector<1x8xi32>
    %ne3A_134 = arith.cmpi ne, %rem3A_131, %ne3A_133 : vector<1x8xi32>
    %and3A = arith.andi %ne3A_130, %ne3A_134 : vector<1x8xi1>
    %sub3A_135 = arith.constant 1 : i32
    %sub3A_136 = vector.broadcast %sub3A_135 : i32 to vector<1x8xi32>
    %sub3A_137 = arith.subi %div3A_114, %sub3A_136 : vector<1x8xi32>
    %select_n3A_138 = arith.select %and3A, %sub3A_137, %div3A_114 : vector<1x8xi1>, vector<1x8xi32>
    %broadcast_in_dim3A_139 = arith.constant 0 : i32
    %broadcast_in_dim3A_140 = vector.broadcast %broadcast_in_dim3A_139 : i32 to vector<1x1xi32>
    %slice3A_141 = vector.extract_strided_slice %select_n3A_138 {offsets = [0, 0], sizes = [1, 7], strides = [1, 1]} : vector<1x8xi32> to vector<1x7xi32>
    %concatenate3A_142 = tpu.concatenate %broadcast_in_dim3A_140, %slice3A_141 in 1 : vector<1x1xi32>, vector<1x7xi32> -> vector<1x8xi32>
    %add3A_143 = arith.addi %select_n3A_138, %concatenate3A_142 : vector<1x8xi32>
    %broadcast_in_dim3A_144 = arith.constant 0 : i32
    %broadcast_in_dim3A_145 = vector.broadcast %broadcast_in_dim3A_144 : i32 to vector<1x2xi32>
    %slice3A_146 = vector.extract_strided_slice %add3A_143 {offsets = [0, 0], sizes = [1, 6], strides = [1, 1]} : vector<1x8xi32> to vector<1x6xi32>
    %concatenate3A_147 = tpu.concatenate %broadcast_in_dim3A_145, %slice3A_146 in 1 : vector<1x2xi32>, vector<1x6xi32> -> vector<1x8xi32>
    %add3A_148 = arith.addi %add3A_143, %concatenate3A_147 : vector<1x8xi32>
    %broadcast_in_dim3A_149 = arith.constant 0 : i32
    %broadcast_in_dim3A_150 = vector.broadcast %broadcast_in_dim3A_149 : i32 to vector<1x4xi32>
    %slice3A_151 = vector.extract_strided_slice %add3A_148 {offsets = [0, 0], sizes = [1, 4], strides = [1, 1]} : vector<1x8xi32> to vector<1x4xi32>
    %concatenate3A_152 = tpu.concatenate %broadcast_in_dim3A_150, %slice3A_151 in 1 : vector<1x4xi32>, vector<1x4xi32> -> vector<1x8xi32>
    %add3A_153 = arith.addi %add3A_148, %concatenate3A_152 : vector<1x8xi32>
    %broadcast_in_dim3A_154 = arith.constant 0 : i32
    %broadcast_in_dim3A_155 = vector.broadcast %broadcast_in_dim3A_154 : i32 to vector<1x1xi32>
    %concatenate3A_156 = tpu.concatenate %broadcast_in_dim3A_155, %add3A_153 in 1 : vector<1x1xi32>, vector<1x8xi32> -> vector<1x9xi32>
    %slice3A_157 = vector.extract_strided_slice %concatenate3A_156 {offsets = [0, 0], sizes = [1, 8], strides = [1, 1]} : vector<1x9xi32> to vector<1x8xi32>
    %mul3A_158 = arith.constant 768 : i32
    %mul3A_159 = vector.broadcast %mul3A_158 : i32 to vector<1x8xi32>
    %mul3A_160 = arith.muli %slice3A_157, %mul3A_159 : vector<1x8xi32>
    %add3A_161 = vector.broadcast %mul3A_160 : vector<1x8xi32> to vector<2048x8xi32>
    %add3A_162 = arith.addi %add3A_161, %convert_element_type3A_106 : vector<2048x8xi32>
    %sub3A_163 = arith.constant 1 : i32
    %sub3A_164 = vector.broadcast %sub3A_163 : i32 to vector<2048x8xi32>
    %sub3A_165 = arith.subi %add3A_162, %sub3A_164 : vector<2048x8xi32>
    %mul3A_166 = arith.muli %convert_element_type3A, %sub3A_165 : vector<2048x8xi32>
    %reduce_sum3A_167 = arith.constant dense<0> : vector<2048xi32>
    %reduce_sum3A_168 = vector.multi_reduction <add>, %mul3A_166, %reduce_sum3A_167 [1] : vector<2048x8xi32> to vector<2048xi32>
    %swap3A_169 = arith.constant 0 : index
    %swap3A_170 = vector.load %arg2[%swap3A_169] : memref<2048xi32, #tpu.memory_space<vmem>>, vector<2048xi32>
    tpu.vector_store %arg2[%swap3A_169], %reduce_sum3A_168 {strides = array<i32>} : memref<2048xi32, #tpu.memory_space<vmem>>, vector<2048xi32>,
    %add3A_171 = vector.broadcast %mul3A_160 : vector<1x8xi32> to vector<2048x8xi32>
    %add3A_172 = arith.addi %add3A_171, %convert_element_type3A_106 : vector<2048x8xi32>
    %sub3A_173 = arith.constant 1 : i32
    %sub3A_174 = vector.broadcast %sub3A_173 : i32 to vector<2048x8xi32>
    %sub3A_175 = arith.subi %add3A_172, %sub3A_174 : vector<2048x8xi32>
    %mul3A_176 = arith.muli %convert_element_type3A_70, %sub3A_175 : vector<2048x8xi32>
    %reduce_sum3A_177 = arith.constant dense<0> : vector<2048xi32>
    %reduce_sum3A_178 = vector.multi_reduction <add>, %mul3A_176, %reduce_sum3A_177 [1] : vector<2048x8xi32> to vector<2048xi32>
    %swap3A_179 = arith.constant 0 : index
    %swap3A_180 = vector.load %arg3[%swap3A_179] : memref<2048xi32, #tpu.memory_space<vmem>>, vector<2048xi32>
    tpu.vector_store %arg3[%swap3A_179], %reduce_sum3A_178 {strides = array<i32>} : memref<2048xi32, #tpu.memory_space<vmem>>, vector<2048xi32>,
    %iota3A_181 = tpu.iota {dimensions = array<i32: 0>} : vector<13x8xi32>
    %slice3A_182 = vector.extract_strided_slice %concatenate3A_156 {offsets = [0, 1], sizes = [1, 8], strides = [1, 1]} : vector<1x9xi32> to vector<1x8xi32>
    %squeeze3A_183 = vector.shape_cast %slice3A_182 : vector<1x8xi32> to vector<8xi32>
    %broadcast_in_dim3A_184 = vector.shape_cast %squeeze3A_183 : vector<8xi32> to vector<1x8xi32>
    %ge3A_185 = vector.broadcast %broadcast_in_dim3A_184 : vector<1x8xi32> to vector<13x8xi32>
    %ge3A_186 = arith.cmpi sge, %iota3A_181, %ge3A_185 : vector<13x8xi32>
    %convert_element_type3A_187 = arith.extui %ge3A_186 : vector<13x8xi1> to vector<13x8xi32>
    %reduce_sum3A_188 = arith.constant dense<0> : vector<13xi32>
    %reduce_sum3A_189 = vector.multi_reduction <add>, %convert_element_type3A_187, %reduce_sum3A_188 [1] : vector<13x8xi32> to vector<13xi32>
    %min3A = arith.constant 7 : i32
    %min3A_190 = vector.broadcast %min3A : i32 to vector<13xi32>
    %min3A_191 = arith.minsi %reduce_sum3A_189, %min3A_190 : vector<13xi32>
    %slice3A_192 = vector.extract_strided_slice %add3A_153 {offsets = [0, 7], sizes = [1, 1], strides = [1, 1]} : vector<1x8xi32> to vector<1x1xi32>
    %squeeze3A_193 = vector.shape_cast %slice3A_192 : vector<1x1xi32> to vector<1xi32>
    %concatenate3A_194 = tpu.concatenate %min3A_191, %squeeze3A_193 in 0 : vector<13xi32>, vector<1xi32> -> vector<14xi32>
    %swap3A_195 = arith.constant 0 : index
    %swap3A_196 = vector.load %arg6[%swap3A_195] : memref<14xi32, #tpu.memory_space<vmem>>, vector<14xi32>
    tpu.vector_store %arg6[%swap3A_195], %concatenate3A_194 {strides = array<i32>} : memref<14xi32, #tpu.memory_space<vmem>>, vector<14xi32>,
    return
  }
}

module attributes {stable_mosaic.version = 14 : i64} {
  func.func @_shared_body(%arg0: i32, %arg1: memref<256x768xf32, #tpu.memory_space<vmem>>, %arg2: memref<2x1024x768xf32, #tpu.memory_space<vmem>>, %arg3: memref<2x768x1024xf32, #tpu.memory_space<vmem>>, %arg4: memref<256x768xf32, #tpu.memory_space<vmem>>) attributes {dimension_semantics = [#tpu.dimension_semantics<arbitrary>], iteration_bounds = array<i64: 8>, scalar_prefetch = 0 : i64, scratch_operands = 0 : i64, tpu.core_type = #tpu.core_type<tc>, window_params = [{transform_indices = @transform_0, window_bounds = array<i64: 256, 768>}, {pipeline_mode = #tpu.pipeline_mode<synchronous>, transform_indices = @transform_1, window_bounds = array<i64: 2, 1024, 768>}, {pipeline_mode = #tpu.pipeline_mode<synchronous>, transform_indices = @transform_2, window_bounds = array<i64: 2, 768, 1024>}, {transform_indices = @transform_3, window_bounds = array<i64: 256, 768>}]} {
    %get3A = arith.constant 0 : index
    %get3A_0 = arith.constant 0 : index
    %get3A_1 = vector.load %arg1[%get3A, %get3A_0] : memref<256x768xf32, #tpu.memory_space<vmem>>, vector<256x768xf32>
    %broadcast_in_dim3A = arith.constant 0.000000e+00 : f32
    %broadcast_in_dim3A_2 = vector.broadcast %broadcast_in_dim3A : f32 to vector<256x768xf32>
    %get3A_3 = arith.constant 0 : index
    %get3A_4 = arith.constant 0 : index
    %get3A_5 = arith.constant 0 : index
    %get3A_6 = vector.load %arg2[%get3A_3, %get3A_4, %get3A_5] : memref<2x1024x768xf32, #tpu.memory_space<vmem>>, vector<1x1024x768xf32>
    %get3A_7 = vector.shape_cast %get3A_6 : vector<1x1024x768xf32> to vector<1024x768xf32>
    %dot_general3A = arith.constant dense<0.000000e+00> : vector<256x1024xf32>
    %dot_general3A_8 = tpu.matmul %get3A_1, %get3A_7, %dot_general3A {dimension_numbers = #tpu.dot_dimension_numbers<[1], [1], [0], [0], [0, 0, 1, 0], [], []>, transpose_lhs_hint = false} : vector<256x768xf32>, vector<1024x768xf32>, vector<256x1024xf32> -> vector<256x1024xf32>
    %logistic3A = arith.negf %dot_general3A_8 : vector<256x1024xf32>
    %logistic3A_9 = math.exp %logistic3A : vector<256x1024xf32>
    %logistic3A_10 = arith.constant 1.000000e+00 : f32
    %logistic3A_11 = vector.broadcast %logistic3A_10 : f32 to vector<256x1024xf32>
    %logistic3A_12 = arith.addf %logistic3A_11, %logistic3A_9 : vector<256x1024xf32>
    %logistic3A_13 = arith.divf %logistic3A_11, %logistic3A_12 : vector<256x1024xf32>
    %mul3A = arith.mulf %dot_general3A_8, %logistic3A_13 : vector<256x1024xf32>
    %get3A_14 = arith.constant 0 : index
    %get3A_15 = arith.constant 0 : index
    %get3A_16 = arith.constant 0 : index
    %get3A_17 = vector.load %arg3[%get3A_14, %get3A_15, %get3A_16] : memref<2x768x1024xf32, #tpu.memory_space<vmem>>, vector<1x768x1024xf32>
    %get3A_18 = vector.shape_cast %get3A_17 : vector<1x768x1024xf32> to vector<768x1024xf32>
    %dot_general3A_19 = arith.constant dense<0.000000e+00> : vector<256x768xf32>
    %dot_general3A_20 = tpu.matmul %mul3A, %get3A_18, %dot_general3A_19 {dimension_numbers = #tpu.dot_dimension_numbers<[1], [1], [0], [0], [0, 0, 1, 0], [], []>, transpose_lhs_hint = false} : vector<256x1024xf32>, vector<768x1024xf32>, vector<256x768xf32> -> vector<256x768xf32>
    %add3A = arith.addf %broadcast_in_dim3A_2, %dot_general3A_20 : vector<256x768xf32>
    %get3A_21 = arith.constant 1 : index
    %get3A_22 = arith.constant 0 : index
    %get3A_23 = arith.constant 0 : index
    %get3A_24 = vector.load %arg2[%get3A_21, %get3A_22, %get3A_23] : memref<2x1024x768xf32, #tpu.memory_space<vmem>>, vector<1x1024x768xf32>
    %get3A_25 = vector.shape_cast %get3A_24 : vector<1x1024x768xf32> to vector<1024x768xf32>
    %dot_general3A_26 = arith.constant dense<0.000000e+00> : vector<256x1024xf32>
    %dot_general3A_27 = tpu.matmul %get3A_1, %get3A_25, %dot_general3A_26 {dimension_numbers = #tpu.dot_dimension_numbers<[1], [1], [0], [0], [0, 0, 1, 0], [], []>, transpose_lhs_hint = false} : vector<256x768xf32>, vector<1024x768xf32>, vector<256x1024xf32> -> vector<256x1024xf32>
    %logistic3A_28 = arith.negf %dot_general3A_27 : vector<256x1024xf32>
    %logistic3A_29 = math.exp %logistic3A_28 : vector<256x1024xf32>
    %logistic3A_30 = arith.constant 1.000000e+00 : f32
    %logistic3A_31 = vector.broadcast %logistic3A_30 : f32 to vector<256x1024xf32>
    %logistic3A_32 = arith.addf %logistic3A_31, %logistic3A_29 : vector<256x1024xf32>
    %logistic3A_33 = arith.divf %logistic3A_31, %logistic3A_32 : vector<256x1024xf32>
    %mul3A_34 = arith.mulf %dot_general3A_27, %logistic3A_33 : vector<256x1024xf32>
    %get3A_35 = arith.constant 1 : index
    %get3A_36 = arith.constant 0 : index
    %get3A_37 = arith.constant 0 : index
    %get3A_38 = vector.load %arg3[%get3A_35, %get3A_36, %get3A_37] : memref<2x768x1024xf32, #tpu.memory_space<vmem>>, vector<1x768x1024xf32>
    %get3A_39 = vector.shape_cast %get3A_38 : vector<1x768x1024xf32> to vector<768x1024xf32>
    %dot_general3A_40 = arith.constant dense<0.000000e+00> : vector<256x768xf32>
    %dot_general3A_41 = tpu.matmul %mul3A_34, %get3A_39, %dot_general3A_40 {dimension_numbers = #tpu.dot_dimension_numbers<[1], [1], [0], [0], [0, 0, 1, 0], [], []>, transpose_lhs_hint = false} : vector<256x1024xf32>, vector<768x1024xf32>, vector<256x768xf32> -> vector<256x768xf32>
    %add3A_42 = arith.addf %add3A, %dot_general3A_41 : vector<256x768xf32>
    %swap3A = arith.constant 0 : index
    %swap3A_43 = arith.constant 0 : index
    %swap3A_44 = vector.load %arg4[%swap3A, %swap3A_43] : memref<256x768xf32, #tpu.memory_space<vmem>>, vector<256x768xf32>
    tpu.vector_store %arg4[%swap3A, %swap3A_43], %add3A_42 {strides = array<i32>} : memref<256x768xf32, #tpu.memory_space<vmem>>, vector<256x768xf32>,
    return
  }
  func.func @transform_0(%arg0: i32) -> (i32, i32) {
    %c0_i32 = arith.constant 0 : i32
    %c0_i32_0 = arith.constant 0 : i32
    return %arg0, %c0_i32 : i32, i32
  }
  func.func @transform_1(%arg0: i32) -> (i32, i32, i32) {
    %c0_i32 = arith.constant 0 : i32
    %c0_i32_0 = arith.constant 0 : i32
    %c0_i32_1 = arith.constant 0 : i32
    %c0_i32_2 = arith.constant 0 : i32
    return %c0_i32, %c0_i32_0, %c0_i32_1 : i32, i32, i32
  }
  func.func @transform_2(%arg0: i32) -> (i32, i32, i32) {
    %c0_i32 = arith.constant 0 : i32
    %c0_i32_0 = arith.constant 0 : i32
    %c0_i32_1 = arith.constant 0 : i32
    %c0_i32_2 = arith.constant 0 : i32
    return %c0_i32, %c0_i32_0, %c0_i32_1 : i32, i32, i32
  }
  func.func @transform_3(%arg0: i32) -> (i32, i32) {
    %c0_i32 = arith.constant 0 : i32
    %c0_i32_0 = arith.constant 0 : i32
    return %arg0, %c0_i32 : i32, i32
  }
}

module attributes {stable_mosaic.version = 14 : i64} {
  func.func @_combine_body(%arg0: i32, %arg1: memref<256x768xf32, #tpu.memory_space<vmem>>, %arg2: memref<256x768xf32, #tpu.memory_space<vmem>>, %arg3: memref<256x768xf32, #tpu.memory_space<vmem>>) attributes {dimension_semantics = [#tpu.dimension_semantics<arbitrary>], iteration_bounds = array<i64: 8>, scalar_prefetch = 0 : i64, scratch_operands = 0 : i64, tpu.core_type = #tpu.core_type<tc>, window_params = [{transform_indices = @transform_0, window_bounds = array<i64: 256, 768>}, {transform_indices = @transform_1, window_bounds = array<i64: 256, 768>}, {transform_indices = @transform_2, window_bounds = array<i64: 256, 768>}]} {
    %get3A = arith.constant 0 : index
    %get3A_0 = arith.constant 0 : index
    %get3A_1 = vector.load %arg1[%get3A, %get3A_0] : memref<256x768xf32, #tpu.memory_space<vmem>>, vector<256x768xf32>
    %get3A_2 = arith.constant 0 : index
    %get3A_3 = arith.constant 0 : index
    %get3A_4 = vector.load %arg2[%get3A_2, %get3A_3] : memref<256x768xf32, #tpu.memory_space<vmem>>, vector<256x768xf32>
    %add3A = arith.addf %get3A_1, %get3A_4 : vector<256x768xf32>
    %swap3A = arith.constant 0 : index
    %swap3A_5 = arith.constant 0 : index
    %swap3A_6 = vector.load %arg3[%swap3A, %swap3A_5] : memref<256x768xf32, #tpu.memory_space<vmem>>, vector<256x768xf32>
    tpu.vector_store %arg3[%swap3A, %swap3A_5], %add3A {strides = array<i32>} : memref<256x768xf32, #tpu.memory_space<vmem>>, vector<256x768xf32>,
    return
  }
  func.func @transform_0(%arg0: i32) -> (i32, i32) {
    %c0_i32 = arith.constant 0 : i32
    %c0_i32_0 = arith.constant 0 : i32
    return %arg0, %c0_i32 : i32, i32
  }
  func.func @transform_1(%arg0: i32) -> (i32, i32) {
    %c0_i32 = arith.constant 0 : i32
    %c0_i32_0 = arith.constant 0 : i32
    return %arg0, %c0_i32 : i32, i32
  }
  func.func @transform_2(%arg0: i32) -> (i32, i32) {
    %c0_i32 = arith.constant 0 : i32
    %c0_i32_0 = arith.constant 0 : i32
    return %arg0, %c0_i32 : i32, i32
  }
}

module attributes {stable_mosaic.version = 14 : i64} {
  func.func @_expert_body(%arg0: i32, %arg1: memref<14xi32, #tpu.memory_space<smem>>, %arg2: memref<768x768xf32, #tpu.memory_space<vmem>>, %arg3: memref<1x1024x768xf32, #tpu.memory_space<vmem>>, %arg4: memref<1x768x1024xf32, #tpu.memory_space<vmem>>, %arg5: memref<768x768xf32, #tpu.memory_space<vmem>>) attributes {dimension_semantics = [#tpu.dimension_semantics<arbitrary>], iteration_bounds = array<i64: 13>, scalar_prefetch = 1 : i64, scratch_operands = 0 : i64, tpu.core_type = #tpu.core_type<tc>, window_params = [{transform_indices = @transform_0, window_bounds = array<i64: 768, 768>}, {transform_indices = @transform_1, window_bounds = array<i64: 1, 1024, 768>}, {transform_indices = @transform_2, window_bounds = array<i64: 1, 768, 1024>}, {transform_indices = @transform_3, window_bounds = array<i64: 768, 768>}]} {
    %get3A = arith.constant 13 : index
    %get3A_0 = memref.load %arg1[%get3A] : memref<14xi32, #tpu.memory_space<smem>>
    %lt3A = arith.cmpi slt, %arg0, %get3A_0 : i32
    %convert_element_type3A = arith.extui %lt3A : i1 to i32
    %cond3A = arith.constant 0 : i32
    %cond3A_1 = arith.cmpi ne, %convert_element_type3A, %cond3A : i32
    scf.if %cond3A_1 {
      %get3A_2 = arith.constant 0 : index
      %get3A_3 = arith.constant 0 : index
      %get3A_4 = vector.load %arg2[%get3A_2, %get3A_3] : memref<768x768xf32, #tpu.memory_space<vmem>>, vector<768x768xf32>
      %get3A_5 = arith.constant 0 : index
      %get3A_6 = arith.constant 0 : index
      %get3A_7 = arith.constant 0 : index
      %get3A_8 = vector.load %arg3[%get3A_5, %get3A_6, %get3A_7] : memref<1x1024x768xf32, #tpu.memory_space<vmem>>, vector<1x1024x768xf32>
      %get3A_9 = vector.shape_cast %get3A_8 : vector<1x1024x768xf32> to vector<1024x768xf32>
      %dot_general3A = arith.constant dense<0.000000e+00> : vector<768x1024xf32>
      %dot_general3A_10 = tpu.matmul %get3A_4, %get3A_9, %dot_general3A {dimension_numbers = #tpu.dot_dimension_numbers<[1], [1], [0], [0], [0, 0, 1, 0], [], []>, transpose_lhs_hint = false} : vector<768x768xf32>, vector<1024x768xf32>, vector<768x1024xf32> -> vector<768x1024xf32>
      %logistic3A = arith.negf %dot_general3A_10 : vector<768x1024xf32>
      %logistic3A_11 = math.exp %logistic3A : vector<768x1024xf32>
      %logistic3A_12 = arith.constant 1.000000e+00 : f32
      %logistic3A_13 = vector.broadcast %logistic3A_12 : f32 to vector<768x1024xf32>
      %logistic3A_14 = arith.addf %logistic3A_13, %logistic3A_11 : vector<768x1024xf32>
      %logistic3A_15 = arith.divf %logistic3A_13, %logistic3A_14 : vector<768x1024xf32>
      %mul3A = arith.mulf %dot_general3A_10, %logistic3A_15 : vector<768x1024xf32>
      %get3A_16 = arith.constant 0 : index
      %get3A_17 = arith.constant 0 : index
      %get3A_18 = arith.constant 0 : index
      %get3A_19 = vector.load %arg4[%get3A_16, %get3A_17, %get3A_18] : memref<1x768x1024xf32, #tpu.memory_space<vmem>>, vector<1x768x1024xf32>
      %get3A_20 = vector.shape_cast %get3A_19 : vector<1x768x1024xf32> to vector<768x1024xf32>
      %dot_general3A_21 = arith.constant dense<0.000000e+00> : vector<768x768xf32>
      %dot_general3A_22 = tpu.matmul %mul3A, %get3A_20, %dot_general3A_21 {dimension_numbers = #tpu.dot_dimension_numbers<[1], [1], [0], [0], [0, 0, 1, 0], [], []>, transpose_lhs_hint = false} : vector<768x1024xf32>, vector<768x1024xf32>, vector<768x768xf32> -> vector<768x768xf32>
      %swap3A = arith.constant 0 : index
      %swap3A_23 = arith.constant 0 : index
      %swap3A_24 = vector.load %arg5[%swap3A, %swap3A_23] : memref<768x768xf32, #tpu.memory_space<vmem>>, vector<768x768xf32>
      tpu.vector_store %arg5[%swap3A, %swap3A_23], %dot_general3A_22 {strides = array<i32>} : memref<768x768xf32, #tpu.memory_space<vmem>>, vector<768x768xf32>,
    } else {
    }
    return
  }
  func.func @transform_0(%arg0: i32, %arg1: memref<14xi32, #tpu.memory_space<smem>>) -> (i32, i32) {
    %c0_i32 = arith.constant 0 : i32
    %c0_i32_0 = arith.constant 0 : i32
    return %arg0, %c0_i32 : i32, i32
  }
  func.func @transform_1(%arg0: i32, %arg1: memref<14xi32, #tpu.memory_space<smem>>) -> (i32, i32, i32) {
    %get3A = arith.index_cast %arg0 : i32 to index
    %get3A_0 = memref.load %arg1[%get3A] : memref<14xi32, #tpu.memory_space<smem>>
    %c0_i32 = arith.constant 0 : i32
    %c0_i32_1 = arith.constant 0 : i32
    %c0_i32_2 = arith.constant 0 : i32
    return %get3A_0, %c0_i32, %c0_i32_1 : i32, i32, i32
  }
  func.func @transform_2(%arg0: i32, %arg1: memref<14xi32, #tpu.memory_space<smem>>) -> (i32, i32, i32) {
    %get3A = arith.index_cast %arg0 : i32 to index
    %get3A_0 = memref.load %arg1[%get3A] : memref<14xi32, #tpu.memory_space<smem>>
    %c0_i32 = arith.constant 0 : i32
    %c0_i32_1 = arith.constant 0 : i32
    %c0_i32_2 = arith.constant 0 : i32
    return %get3A_0, %c0_i32, %c0_i32_1 : i32, i32, i32
  }
  func.func @transform_3(%arg0: i32, %arg1: memref<14xi32, #tpu.memory_space<smem>>) -> (i32, i32) {
    %c0_i32 = arith.constant 0 : i32
    %c0_i32_0 = arith.constant 0 : i32
    return %arg0, %c0_i32 : i32, i32
  }
}

</mosaic_0001>

<sc_bundles>
// kernel: kernel.11.cloned.1.call-start
scs
__scs_entry_jumppad:
0x0: {  	(pc) =	sbr.rel $0x88, $3  }
0x1: {  	(tag) =	ssettag $0x0;
	lr =	simm.s32 $0x1  }
0x2: {  	[smem:$0x3F9B] =	sst lr;
	_ =	strace $0xD0000000  }
0x3: {  	_ = 	snop  }
0x4: {  	_ = 	snop  }
0x5: {  	_ = 	snop  }
0x6: {  	_ = 	snop  }
0x7: {  	_ = 	snop  }
__scs_overlays_trampoline_lowered:
0x8: {  	[smem:$0x3FAA] =	sst s0  }
0x9: {  	[smem:$0x3FAB] =	sst s1  }
0xa: {  	[smem:$0x3FAC] =	sst s2  }
0xb: {  	[smem:$0x3FAD] =	sst s3  }
0xc: {  	[smem:$0x3FAE] =	sst s4  }
0xd: {  	[smem:$0x3FAF] =	sst s5  }
0xe: {  	[smem:$0x3FB0] =	sst s6  }
0xf: {  	[smem:$0x3FB1] =	sst s7  }
0x10: {  	[smem:$0x3FB2] =	sst s8  }
0x11: {  	[smem:$0x3FB3] =	sst s9;
	s0 =	simm.s32 @!p0 $0x0  }
0x12: {  	s1 =	sld [smem:$0x3F99];
	s0 =	simm.s32 @p0 $0x1  }
0x13: {  	[smem:$0x3FB4] =	sst s0;
	s0 =	simm.s32 @!p1 $0x0  }
0x14: {  	s2 =	sld [smem:$0x3F98];
	s0 =	simm.s32 @p1 $0x1  }
0x15: {  	[smem:$0x3FB5] =	sst s0;
	s0 =	simm.s32 @!p2 $0x0  }
0x16: {  	s3 =	sld [smem:$0x3FDB];
	s0 =	simm.s32 @p2 $0x1  }
0x17: {  	s4 =	simm.s32 $0x1BF5;
	[smem:$0x3FB7] =	sst s0  }
0x18: {  	s0 =	sld [smem:$0x3F9A];
	_ =	swait.ge [sflag:s4], $0x0  }
0x19: {  	s7 =	sld [smem:$0x3F9B]  }
0x1a: {  	s8 =	sadd.s32 $0xFFFFE003, lr  }
0x1b: {  	s9 =	sadd.s32 $0xFFFFFEF7, lr;
	s5 =	simm.s32 $0xFFFFFFFF;
	p2 =	slt.u32 s8, $0xFFFFF086  }
0x1c: {  	p1 =	slt.u32 s9, $0xF7A;
	s5 =	simm.s32 @!p2 $0x0  }
0x1d: {  	s5 =	simm.s32 @p1 $0x1;
	p0 =	seq.s32 s7, s2  }
0x1e: {  	s7 =	smul.u32 @!p0 $0xF7A, s2;
	p2 =	seq.s32 @!p0 s5, $0x0  }
0x1f: {  	s9 =	smul.u32 $0xF7A, s1;
	s8 =	simm.s32 @!p0 $0x1BF5;
	p2 =	por !p2, p0  }
0x20: {  	[sflag:s8] =	ssyncset.s32 @!p0 $0xFFFFF086;
	s6 =	sadd.s32 @!p0 s3, s7;
	s7 =	simm.s32 @!p0 $0x108  }
0x21: {  	s3 =	sadd.s32 s3, s9;
	s6 =	sadd.s32 @!p0 $0x88, s6;
	s7 =	simm.s32 @p2 $0x1082  }
0x22: {  	[simem:s7], [sflag:s8] =	dma.local @!p0 [hbm:s6], $0xF7A  }
0x23: {  	s9 =	sor.u32 $0xD0000000, s2;
	s6 =	simm.s32 $0x108;
	_ =	swait.ge @!p0 [sflag:s8], $0x0  }
0x24: {  	s3 =	sadd.s32 $0x88, s3;
	s6 =	simm.s32 @!p1 $0x1082;
	[sflag:s4] =	ssyncset.s32 $0xFFFFF086  }
0x25: {  	[simem:s6], [sflag:s4] =	dma.local [hbm:s3], $0xF7A  }
0x26: {  	[smem:$0x3F9B] =	sst s1;
	(tag) =	ssettag s2;
	_ =	strace s9  }
0x27: {  	s1 =	sld [smem:$0x3FAB]  }
0x28: {  	s2 =	sld [smem:$0x3FAC]  }
0x29: {  	s4 =	sld [smem:$0x3FAE]  }
0x2a: {  	p0 =	seq.s32 s5, $0x0;
	s5 =	sld [smem:$0x3FAF]  }
0x2b: {  	s6 =	sld [smem:$0x3FB0]  }
0x2c: {  	s7 =	sld [smem:$0x3FB1]  }
0x2d: {  	s3 =	simm.s32 $0x108;
	s8 =	sld [smem:$0x3FB2]  }
0x2e: {  	s3 =	simm.s32 @!p0 $0x1082;
	s9 =	sld [smem:$0x3FB3]  }
0x2f: {  	lr =	sadd.s32 s0, s3;
	s0 =	sld [smem:$0x3FAA]  }
0x30: {  	s3 =	sld [smem:$0x3FAD]  }
0x31: {  	[smem:$0x3FB6] =	sst s10  }
0x32: {  	s10 =	sld [smem:$0x3FB4];
	_ =	sdelay $0x3  }
0x33: {  	p0 =	seq.s32 s10, $0x1;
	s10 =	sld [smem:$0x3FB6];
	_ =	sdelay $0x3  }
0x34: {  	[smem:$0x3FB6] =	sst s10  }
0x35: {  	s10 =	sld [smem:$0x3FB5];
	_ =	sdelay $0x3  }
0x36: {  	p1 =	seq.s32 s10, $0x1;
	s10 =	sld [smem:$0x3FB6];
	_ =	sdelay $0x3  }
0x37: {  	[smem:$0x3FB6] =	sst s10  }
0x38: {  	s10 =	sld [smem:$0x3FB7]  }
0x39: {  	_ = 	snop;
	(pc) =	sbr.ind lr, $3  }
0x3a: {  	_ = 	snop  }
0x3b: {  	_ = 	snop  }
0x3c: {  	p2 =	seq.s32 s10, $0x1;
	s10 =	sld [smem:$0x3FB6]  }
0x3d: {  	_ =	shalt  }
0x3e: {  	_ =	shalt  }
0x3f: {  	_ =	shalt  }
0x40: {  	_ =	shalt  }
0x41: {  	_ =	shalt  }
0x42: {  	_ =	shalt  }
0x43: {  	_ =	shalt  }
0x44: {  	_ =	shalt  }
0x45: {  	_ =	shalt  }
0x46: {  	_ =	shalt  }
0x47: {  	_ =	shalt  }
0x48: {  	_ =	shalt  }
0x49: {  	_ =	shalt  }
0x4a: {  	_ =	shalt  }
0x4b: {  	_ =	shalt  }
0x4c: {  	_ =	shalt  }
0x4d: {  	_ =	shalt  }
0x4e: {  	_ =	shalt  }
0x4f: {  	_ =	shalt  }
0x50: {  	_ =	shalt  }
0x51: {  	_ =	shalt  }
0x52: {  	_ =	shalt  }
0x53: {  	_ =	shalt  }
0x54: {  	_ =	shalt  }
0x55: {  	_ =	shalt  }
0x56: {  	_ =	shalt  }
0x57: {  	_ =	shalt  }
0x58: {  	_ =	shalt  }
0x59: {  	_ =	shalt  }
0x5a: {  	_ =	shalt  }
0x5b: {  	_ =	shalt  }
0x5c: {  	_ =	shalt  }
0x5d: {  	_ =	shalt  }
0x5e: {  	_ =	shalt  }
0x5f: {  	_ =	shalt  }
0x60: {  	_ =	shalt  }
0x61: {  	_ =	shalt  }
0x62: {  	_ =	shalt  }
0x63: {  	_ =	shalt  }
0x64: {  	_ =	shalt  }
0x65: {  	_ =	shalt  }
0x66: {  	_ =	shalt  }
0x67: {  	_ =	shalt  }
0x68: {  	_ =	shalt  }
0x69: {  	_ =	shalt  }
0x6a: {  	_ =	shalt  }
0x6b: {  	_ =	shalt  }
0x6c: {  	_ =	shalt  }
0x6d: {  	_ =	shalt  }
0x6e: {  	_ =	shalt  }
0x6f: {  	_ =	shalt  }
0x70: {  	_ =	shalt  }
0x71: {  	_ =	shalt  }
0x72: {  	_ =	shalt  }
0x73: {  	_ =	shalt  }
0x74: {  	_ =	shalt  }
0x75: {  	_ =	shalt  }
0x76: {  	_ =	shalt  }
0x77: {  	_ =	shalt  }
0x78: {  	_ =	shalt  }
0x79: {  	_ =	shalt  }
0x7a: {  	_ =	shalt  }
0x7b: {  	_ =	shalt  }
0x7c: {  	_ =	shalt  }
0x7d: {  	_ =	shalt  }
0x7e: {  	_ =	shalt  }
0x7f: {  	_ =	shalt  }
0x80: {  	_ =	shalt  }
0x81: {  	_ =	shalt  }
0x82: {  	_ =	shalt  }
0x83: {  	_ =	shalt  }
0x84: {  	_ =	shalt  }
0x85: {  	_ =	shalt  }
0x86: {  	_ =	shalt  }
0x87: {  	_ =	shalt  }
.Lfunc_end0:
.L_simem_size_0:
called_computation.1_lowered:
.L_overlay_start_0:
0x88: {  	s2 =	sld [smem:$0x3FD9]  }
0x89: {  	s3 =	sld [smem:$0x3FFE];
	_ =	sdelay $0x1  }
0x8a: {  	s1 =	srdreg.scid  }
0x8b: {  	s0 =	sand.u32 $0x1, s1  }
0x8c: {  	s14 =	sshll.u32 s0, $0xA;
	s2 =	sadd.s32 s3, s2  }
0x8d: {  	s2 =	sadd.s32 s2, s14  }
0x8e: {  	[smem:$0x3FC2] =	sst s2  }
0x8f: {  	_ = 	snop  }
0x90: {  	s2 =	sld [smem:$0x3FD0];
	_ =	sdelay $0x2  }
0x91: {  	s15 =	simm.s32 $0xA;
	s4 =	simm.s32 $0x10  }
0x92: {  	[smem:s4], [sflag:s15] =	dma.local [hbm:s2], $0x1  }
0x93: {  	_ =	swait.eq [sflag:s15], $0x1  }
0x94: {  	[sflag:s15] =	ssyncset.done $0x0  }
0x95: {  	[sflag:s15] =	ssyncadd.s32 $0xFFFFFFFF  }
0x96: {  	s16 =	sld [smem:$0x10];
	(tm) =	ssettm $0x1  }
0x97: {  	s17 =	sld [smem:$0x3FFB];
	_ =	sdelay $0x3  }
0x98: {  	_ =	strace s17  }
0x99: {  	s3 =	sld [smem:$0x3FFC];
	_ =	sdelay $0x3  }
0x9a: {  	_ =	strace s3  }
0x9b: {  	s3 =	sld [smem:$0x3FFD];
	_ =	sdelay $0x3  }
0x9c: {  	_ =	strace s3  }
0x9d: {  	_ =	strace $0x8FFFFFFF  }
0x9e: {  	s18 =	sld [smem:$0x3FDB];
	_ =	sdelay $0x1  }
0x9f: {  	s19 =	simm.s32 $_scs_section_size  }
0xa0: {  	s5 =	simm.s32 $_size__tile_overlayer_lowered;
	s6 =	simm.s32 $_tile_overlayer_lowered  }
0xa1: {  	s22 =	simm.s32 $0x1BFF;
	s21 =	sshll.u32 s6, $0x1;
	s3 =	sadd.s32 s19, s18  }
0xa2: {  	s7 =	simm.s32 $0x0;
	s20 =	sshll.u32 s5, $0x1;
	s5 =	sadd.s32 s21, s3  }
0xa3: {  	[timem:s7], [sflag:s22] =	dma.local [hbm:s5], s20  }
0xa4: {  	_ =	swait.ge [sflag:s22], s20  }
0xa5: {  	s4 =	ssub.s32 $0x0, s20;
	[sflag:s22] =	ssyncset.done $0x0  }
0xa6: {  	[sflag:s22] =	ssyncadd.s32 s4;
	_ =	sdelay $0x1  }
0xa7: {  	s23 =	simm.s32 $0x1B8B  }
0xa8: {  	_ =	swait.ge [sflag:s23], $0x1  }
0xa9: {  	[sflag:s23] =	ssyncset.done $0x0  }
0xaa: {  	s25 =	simm.s32 $0x1B8E;
	s24 =	sld [smem:$0x3FFE];
	[sflag:s23] =	ssyncadd.s32 $0xFFFFFFFF  }
0xab: {  	s26 =	simm.s32 $execute0_lowered;
	[smem:$0x3FD2] =	sst s25  }
0xac: {  	s5 =	sshll.u32 s26, $0x1;
	_ =	strace $0x80000049;
	[dreg:$0x1] =	wrdreg $0xFFFFFFFF  }
0xad: {  	s28 =	simm.s32 $_size_execute0_lowered;
	s3 =	sadd.s32 s3, s5;
	[dreg:$0x0] =	wrdreg $0x0  }
0xae: {  	s5 =	sshll.u32 s28, $0x1;
	[dreg:$0x2] =	wrdreg s3  }
0xaf: {  	[dreg:$0x3] =	wrdreg s5  }
0xb0: {  	[dreg:$0x4] =	wrdreg $0xC0  }
0xb1: {  	_ =	task [dreg:s7], $0x5FFFF  }
0xb2: {  	[dreg:$0x1] =	wrdreg $0xFFFFFFFF  }
0xb3: {  	[dreg:$0x0] =	wrdreg $0x60  }
0xb4: {  	[dreg:$0x2] =	wrdreg s24  }
0xb5: {  	[dreg:$0x3] =	wrdreg s16  }
0xb6: {  	[dreg:$0x4] =	wrdreg $0x9  }
0xb7: {  	_ =	task.clear_ibuf [dreg:s7], $0x5FFFF;
	_ =	strace $0x90000049  }
0xb8: {  	s29 =	simm.s32 $0x9;
	_ =	strace $0x8000004B  }
0xb9: {  	_ =	swait.ge [sflag:s29], $0x1  }
0xba: {  	[sflag:s29] =	ssyncadd.s32 $0xFFFFFFFF  }
0xbb: {  	_ =	strace $0x9000004B  }
0xbc: {  	_ =	sfence  }
0xbd: {  	s30 =	sld [smem:$0x0];
	_ =	sdelay $0x2  }
0xbe: {  	s31 =	sshll.u32 s1, $0xD;
	s1 =	sshrl.u32 s1, $0x2  }
0xbf: {  	s3 =	sand.u32 $0x4000, s31;
	s1 =	sadd.s32 s1, s30  }
0xc0: {  	s0 =	sor.u32 s3, s0;
	s1 =	sshll.u32 s1, $0x11  }
0xc1: {  	s0 =	sor.u32 s1, s0  }
0xc2: {  	s0 =	sadd.s32 $0x8F2B, s0  }
0xc3: {  	[sflag:s0] =	ssyncadd.remote.s32 $0x1  }
0xc4: {  	_ =	sfence.sel $0xFFFF  }
0xc5: {  	[dreg:$0x0] =	wrdreg $0xFFFFFFFF;
	(pc) =	sbr.abs _section_cstart, $3  }
0xc6: {  	[dreg:$0x1] =	wrdreg $0xFFFFFFFF  }
0xc7: {  	_ =	task.clear_ibuf [dreg:s7], $0x2FFFF;
	_ =	strace $0x9FFFFFFF  }
0xc8: {  	(tm) =	ssettm $0x7FFFFFFF  }
0xc9: {  	_ =	shalt  }
tec
execute0_lowered:
.L_overlay_start_1:
0x0: {  	(tag) =	ssettag $0x1  }
0x1: {  	s0 =	rddreg [dreg:$0x0]  }
0x2: {  	s1 =	rddreg [dreg:$0x1];
	s3 =	srdreg.scid  }
0x3: {  	s2 =	simm.s32 $0x0;
	s5 =	stileid.u32;
	s13 =	simm.s32 $0x3  }
0x4: {  	s12 =	simm.s32 $0x13800;
	s14 =	simm.s32 $0x14000;
	s15 =	simm.s32 $0x14800  }
0x5: {  	s16 =	simm.s32 $0x15000;
	s17 =	simm.s32 $0x15800;
	s18 =	simm.s32 $0x16000  }
0x6: {  	s19 =	simm.s32 $0x16800;
	s20 =	simm.s32 $0x17000;
	s21 =	simm.s32 $0x17800  }
0x7: {  	s22 =	simm.s32 $0x1;
	s23 =	simm.s32 $0x2;
	s24 =	simm.s32 $0x0  }
0x8: {  	s4 =	sand.u32 $0x1, s3;
	[smem:$0x7FF] =	sst s2;
	s5 =	sshll.u32 s5, $0x7  }
0x9: {  	s3 =	sadd.s32 $0xFCC00, s0;
	s6 =	sshll.u32 s4, $0x6;
	s4 =	ssub.s32 $0x2, s4  }
0xa: {  	_ =	strace $0x8000004A;
	s5 =	sor.u32 s6, s5;
	s31 =	sshrl.u32 s4, $0x1  }
0xb: {  	s6 =	sshrl.u32 s5, $0x3;
	s5 =	sshll.u32 s5, $0x4;
	s11 =	ssub.s32 s4, s31  }
0xc: {  	s7 =	sadd.s32 s6, s0;
	s9 =	sadd.s32 s5, s0;
	s10 =	smul.u32 $0x300, s6  }
0xd: {  	v2 =	vlaneseq.u32;
	s6 =	sadd.s32 $0xFCD00, s0;
	s11 =	smax.u32 s11, $0x1;
	s4 =	sadd.s32 $0x2800, s7  }
0xe: {  	vm0 =	vmmov $0xffff;
	v1 =	vshrl.u32 v2, $0x3;
	s5 =	sadd.s32 $0x2A00, s7;
	s7 =	sadd.s32 $0xFCE00, s0;
	s8 =	sadd.s32 $0x2C00, s9  }
0xf: {  	v0 =	vand.u32 $0x7, v2;
	v2 =	vor.u32 $0x8, v2;
	v1 =	vmul.u32 $0x8, v1;
	s9 =	sadd.s32 $0xAC00, s9;
	s10 =	sadd.s32 s1, s10;
	s1 =	simm.s32 $0x13000  }
.LBB2_1:
0x10: {  	s0 =	simm.s32 $0x18000  }
0x11: {  	[tilespmem:s0], [sflag:$0x3] =	stream.linear.gather [hbm4b:s4+s2], $0x40, $0x38;
	[tilespmem:$0x1C100] =	vst v63  }
0x12: {  	_ =	swait.ge [sflag:s13], $0x40  }
0x13: {  	[sflag:s13] =	ssyncset.done $0x0  }
0x14: {  	s26 =	simm.s32 $0x18080;
	[sflag:s13] =	ssyncadd.s32 $0xFFFFFFC0  }
0x15: {  	[tilespmem:s26], [sflag:$0x3] =	stream.linear.gather [hbm4b:s5+s2], $0x40, $0x38;
	[tilespmem:$0x1C100] =	vst v63  }
0x16: {  	_ =	swait.ge [sflag:s13], $0x40  }
0x17: {  	[sflag:s13] =	ssyncset.done $0x0  }
0x18: {  	[sflag:s13] =	ssyncadd.s32 $0xFFFFFFC0  }
0x19: {  	v3 =	vld [tilespmem:$0x18000];
	_ =	sdelay $0x4  }
0x1a: {  	v4 =	vshrl.u32 v3, $0x3  }
0x1b: {  	v4 =	vmul.u32 $0x30, v4  }
0x1c: {  	v3 =	vand.u32 $0x7, v3  }
0x1d: {  	v3 =	vor.u32 v3, v4  }
0x1e: {  	v4 =	vperm.xlane v3, v0;
	_ =	sdelay $0x1  }
0x1f: {  	v4 =	vadd.s32 v1, v4;
	_ =	sdelay $0x3  }
0x20: {  	v3 =	vperm.xlane v3, v2  }
0x21: {  	[tilespmem:s2], [sflag:$0x1] =	stream.indirect_vreg.gather [hbm4b:s3+s2], $0x80, v4, vm0, $0xb8;
	[tilespmem:$0x1C100] =	vst v63  }
0x22: {  	s31 =	simm.s32 $0x800;
	v3 =	vadd.s32 v1, v3  }
0x23: {  	[tilespmem:s31], [sflag:$0x1] =	stream.indirect_vreg.gather [hbm4b:s6+s2], $0x80, v4, vm0, $0xb8;
	[tilespmem:$0x1C100] =	vst v63  }
0x24: {  	s25 =	simm.s32 $0x1000  }
0x25: {  	[tilespmem:s25], [sflag:$0x1] =	stream.indirect_vreg.gather [hbm4b:s7+s2], $0x80, v4, vm0, $0xb8;
	[tilespmem:$0x1C100] =	vst v63  }
0x26: {  	s26 =	simm.s32 $0x1800  }
0x27: {  	[tilespmem:s26], [sflag:$0x1] =	stream.indirect_vreg.gather [hbm4b:s3+s2], $0x80, v3, vm0, $0xb8;
	[tilespmem:$0x1C100] =	vst v63  }
0x28: {  	s31 =	simm.s32 $0x2000  }
0x29: {  	[tilespmem:s31], [sflag:$0x1] =	stream.indirect_vreg.gather [hbm4b:s6+s2], $0x80, v3, vm0, $0xb8;
	[tilespmem:$0x1C100] =	vst v63  }
0x2a: {  	s25 =	simm.s32 $0x2800  }
0x2b: {  	[tilespmem:s25], [sflag:$0x1] =	stream.indirect_vreg.gather [hbm4b:s7+s2], $0x80, v3, vm0, $0xb8;
	[tilespmem:$0x1C100] =	vst v63  }
0x2c: {  	v3 =	vld [tilespmem:$0x18010];
	_ =	sdelay $0x4  }
0x2d: {  	v4 =	vshrl.u32 v3, $0x3  }
0x2e: {  	v4 =	vmul.u32 $0x30, v4  }
0x2f: {  	v3 =	vand.u32 $0x7, v3  }
0x30: {  	v3 =	vor.u32 v3, v4  }
0x31: {  	v4 =	vperm.xlane v3, v0;
	_ =	sdelay $0x1  }
0x32: {  	v4 =	vadd.s32 v1, v4;
	_ =	sdelay $0x3  }
0x33: {  	s26 =	simm.s32 $0x3000;
	v3 =	vperm.xlane v3, v2  }
0x34: {  	[tilespmem:s26], [sflag:$0x1] =	stream.indirect_vreg.gather [hbm4b:s3+s2], $0x80, v4, vm0, $0xb8;
	[tilespmem:$0x1C100] =	vst v63  }
0x35: {  	s31 =	simm.s32 $0x3800;
	v3 =	vadd.s32 v1, v3  }
0x36: {  	[tilespmem:s31], [sflag:$0x1] =	stream.indirect_vreg.gather [hbm4b:s6+s2], $0x80, v4, vm0, $0xb8;
	[tilespmem:$0x1C100] =	vst v63  }
0x37: {  	s25 =	simm.s32 $0x4000  }
0x38: {  	[tilespmem:s25], [sflag:$0x1] =	stream.indirect_vreg.gather [hbm4b:s7+s2], $0x80, v4, vm0, $0xb8;
	[tilespmem:$0x1C100] =	vst v63  }
0x39: {  	s26 =	simm.s32 $0x4800  }
0x3a: {  	[tilespmem:s26], [sflag:$0x1] =	stream.indirect_vreg.gather [hbm4b:s3+s2], $0x80, v3, vm0, $0xb8;
	[tilespmem:$0x1C100] =	vst v63  }
0x3b: {  	s31 =	simm.s32 $0x5000  }
0x3c: {  	[tilespmem:s31], [sflag:$0x1] =	stream.indirect_vreg.gather [hbm4b:s6+s2], $0x80, v3, vm0, $0xb8;
	[tilespmem:$0x1C100] =	vst v63  }
0x3d: {  	s25 =	simm.s32 $0x5800  }
0x3e: {  	[tilespmem:s25], [sflag:$0x1] =	stream.indirect_vreg.gather [hbm4b:s7+s2], $0x80, v3, vm0, $0xb8;
	[tilespmem:$0x1C100] =	vst v63  }
0x3f: {  	v3 =	vld [tilespmem:$0x18020];
	_ =	sdelay $0x4  }
0x40: {  	v4 =	vshrl.u32 v3, $0x3  }
0x41: {  	v4 =	vmul.u32 $0x30, v4  }
0x42: {  	v3 =	vand.u32 $0x7, v3  }
0x43: {  	v3 =	vor.u32 v3, v4  }
0x44: {  	v4 =	vperm.xlane v3, v0;
	_ =	sdelay $0x1  }
0x45: {  	v4 =	vadd.s32 v1, v4;
	_ =	sdelay $0x3  }
0x46: {  	s26 =	simm.s32 $0x6000;
	v3 =	vperm.xlane v3, v2  }
0x47: {  	[tilespmem:s26], [sflag:$0x1] =	stream.indirect_vreg.gather [hbm4b:s3+s2], $0x80, v4, vm0, $0xb8;
	[tilespmem:$0x1C100] =	vst v63  }
0x48: {  	s31 =	simm.s32 $0x6800;
	v3 =	vadd.s32 v1, v3  }
0x49: {  	[tilespmem:s31], [sflag:$0x1] =	stream.indirect_vreg.gather [hbm4b:s6+s2], $0x80, v4, vm0, $0xb8;
	[tilespmem:$0x1C100] =	vst v63  }
0x4a: {  	s25 =	simm.s32 $0x7000  }
0x4b: {  	[tilespmem:s25], [sflag:$0x1] =	stream.indirect_vreg.gather [hbm4b:s7+s2], $0x80, v4, vm0, $0xb8;
	[tilespmem:$0x1C100] =	vst v63  }
0x4c: {  	s26 =	simm.s32 $0x7800  }
0x4d: {  	[tilespmem:s26], [sflag:$0x1] =	stream.indirect_vreg.gather [hbm4b:s3+s2], $0x80, v3, vm0, $0xb8;
	[tilespmem:$0x1C100] =	vst v63  }
0x4e: {  	s31 =	simm.s32 $0x8000  }
0x4f: {  	[tilespmem:s31], [sflag:$0x1] =	stream.indirect_vreg.gather [hbm4b:s6+s2], $0x80, v3, vm0, $0xb8;
	[tilespmem:$0x1C100] =	vst v63  }
0x50: {  	s25 =	simm.s32 $0x8800  }
0x51: {  	[tilespmem:s25], [sflag:$0x1] =	stream.indirect_vreg.gather [hbm4b:s7+s2], $0x80, v3, vm0, $0xb8;
	[tilespmem:$0x1C100] =	vst v63  }
0x52: {  	v3 =	vld [tilespmem:$0x18030];
	_ =	sdelay $0x4  }
0x53: {  	v4 =	vshrl.u32 v3, $0x3  }
0x54: {  	v4 =	vmul.u32 $0x30, v4  }
0x55: {  	v3 =	vand.u32 $0x7, v3  }
0x56: {  	v3 =	vor.u32 v3, v4  }
0x57: {  	v4 =	vperm.xlane v3, v0;
	_ =	sdelay $0x1  }
0x58: {  	v4 =	vadd.s32 v1, v4;
	_ =	sdelay $0x3  }
0x59: {  	s26 =	simm.s32 $0x9000;
	v3 =	vperm.xlane v3, v2  }
0x5a: {  	[tilespmem:s26], [sflag:$0x1] =	stream.indirect_vreg.gather [hbm4b:s3+s2], $0x80, v4, vm0, $0xb8;
	[tilespmem:$0x1C100] =	vst v63  }
0x5b: {  	s31 =	simm.s32 $0x9800;
	v3 =	vadd.s32 v1, v3  }
0x5c: {  	[tilespmem:s31], [sflag:$0x1] =	stream.indirect_vreg.gather [hbm4b:s6+s2], $0x80, v4, vm0, $0xb8;
	[tilespmem:$0x1C100] =	vst v63  }
0x5d: {  	s25 =	simm.s32 $0xA000  }
0x5e: {  	[tilespmem:s25], [sflag:$0x1] =	stream.indirect_vreg.gather [hbm4b:s7+s2], $0x80, v4, vm0, $0xb8;
	[tilespmem:$0x1C100] =	vst v63  }
0x5f: {  	s26 =	simm.s32 $0xA800  }
0x60: {  	[tilespmem:s26], [sflag:$0x1] =	stream.indirect_vreg.gather [hbm4b:s3+s2], $0x80, v3, vm0, $0xb8;
	[tilespmem:$0x1C100] =	vst v63  }
0x61: {  	s31 =	simm.s32 $0xB000  }
0x62: {  	[tilespmem:s31], [sflag:$0x1] =	stream.indirect_vreg.gather [hbm4b:s6+s2], $0x80, v3, vm0, $0xb8;
	[tilespmem:$0x1C100] =	vst v63  }
0x63: {  	s25 =	simm.s32 $0xB800  }
0x64: {  	[tilespmem:s25], [sflag:$0x1] =	stream.indirect_vreg.gather [hbm4b:s7+s2], $0x80, v3, vm0, $0xb8;
	[tilespmem:$0x1C100] =	vst v63  }
0x65: {  	v3 =	vld [tilespmem:$0x18080];
	_ =	sdelay $0x4  }
0x66: {  	v4 =	vshrl.u32 v3, $0x3  }
0x67: {  	v4 =	vmul.u32 $0x30, v4  }
0x68: {  	v3 =	vand.u32 $0x7, v3  }
0x69: {  	v3 =	vor.u32 v3, v4  }
0x6a: {  	v4 =	vperm.xlane v3, v0;
	_ =	sdelay $0x1  }
0x6b: {  	v4 =	vadd.s32 v1, v4;
	_ =	sdelay $0x3  }
0x6c: {  	s26 =	simm.s32 $0xC000;
	v3 =	vperm.xlane v3, v2  }
0x6d: {  	[tilespmem:s26], [sflag:$0x2] =	stream.indirect_vreg.gather [hbm4b:s3+s2], $0x80, v4, vm0, $0xb8;
	[tilespmem:$0x1C100] =	vst v63  }
0x6e: {  	s31 =	simm.s32 $0xC800;
	v3 =	vadd.s32 v1, v3  }
0x6f: {  	[tilespmem:s31], [sflag:$0x2] =	stream.indirect_vreg.gather [hbm4b:s6+s2], $0x80, v4, vm0, $0xb8;
	[tilespmem:$0x1C100] =	vst v63  }
0x70: {  	s25 =	simm.s32 $0xD000  }
0x71: {  	[tilespmem:s25], [sflag:$0x2] =	stream.indirect_vreg.gather [hbm4b:s7+s2], $0x80, v4, vm0, $0xb8;
	[tilespmem:$0x1C100] =	vst v63  }
0x72: {  	s26 =	simm.s32 $0xD800  }
0x73: {  	[tilespmem:s26], [sflag:$0x2] =	stream.indirect_vreg.gather [hbm4b:s3+s2], $0x80, v3, vm0, $0xb8;
	[tilespmem:$0x1C100] =	vst v63  }
0x74: {  	s31 =	simm.s32 $0xE000  }
0x75: {  	[tilespmem:s31], [sflag:$0x2] =	stream.indirect_vreg.gather [hbm4b:s6+s2], $0x80, v3, vm0, $0xb8;
	[tilespmem:$0x1C100] =	vst v63  }
0x76: {  	s25 =	simm.s32 $0xE800  }
0x77: {  	[tilespmem:s25], [sflag:$0x2] =	stream.indirect_vreg.gather [hbm4b:s7+s2], $0x80, v3, vm0, $0xb8;
	[tilespmem:$0x1C100] =	vst v63  }
0x78: {  	v3 =	vld [tilespmem:$0x18090];
	_ =	sdelay $0x4  }
0x79: {  	v4 =	vshrl.u32 v3, $0x3  }
0x7a: {  	v4 =	vmul.u32 $0x30, v4  }
0x7b: {  	v3 =	vand.u32 $0x7, v3  }
0x7c: {  	v3 =	vor.u32 v3, v4  }
0x7d: {  	v4 =	vperm.xlane v3, v0;
	_ =	sdelay $0x1  }
0x7e: {  	v4 =	vadd.s32 v1, v4;
	_ =	sdelay $0x3  }
0x7f: {  	s26 =	simm.s32 $0xF000;
	v3 =	vperm.xlane v3, v2  }
0x80: {  	[tilespmem:s26], [sflag:$0x2] =	stream.indirect_vreg.gather [hbm4b:s3+s2], $0x80, v4, vm0, $0xb8;
	[tilespmem:$0x1C100] =	vst v63  }
0x81: {  	s31 =	simm.s32 $0xF800;
	v3 =	vadd.s32 v1, v3  }
0x82: {  	[tilespmem:s31], [sflag:$0x2] =	stream.indirect_vreg.gather [hbm4b:s6+s2], $0x80, v4, vm0, $0xb8;
	[tilespmem:$0x1C100] =	vst v63  }
0x83: {  	s25 =	simm.s32 $0x10000  }
0x84: {  	[tilespmem:s25], [sflag:$0x2] =	stream.indirect_vreg.gather [hbm4b:s7+s2], $0x80, v4, vm0, $0xb8;
	[tilespmem:$0x1C100] =	vst v63  }
0x85: {  	s26 =	simm.s32 $0x10800  }
0x86: {  	[tilespmem:s26], [sflag:$0x2] =	stream.indirect_vreg.gather [hbm4b:s3+s2], $0x80, v3, vm0, $0xb8;
	[tilespmem:$0x1C100] =	vst v63  }
0x87: {  	s31 =	simm.s32 $0x11000  }
0x88: {  	[tilespmem:s31], [sflag:$0x2] =	stream.indirect_vreg.gather [hbm4b:s6+s2], $0x80, v3, vm0, $0xb8;
	[tilespmem:$0x1C100] =	vst v63  }
0x89: {  	s25 =	simm.s32 $0x11800  }
0x8a: {  	[tilespmem:s25], [sflag:$0x2] =	stream.indirect_vreg.gather [hbm4b:s7+s2], $0x80, v3, vm0, $0xb8;
	[tilespmem:$0x1C100] =	vst v63  }
0x8b: {  	v3 =	vld [tilespmem:$0x180A0];
	_ =	sdelay $0x4  }
0x8c: {  	v4 =	vshrl.u32 v3, $0x3  }
0x8d: {  	v4 =	vmul.u32 $0x30, v4  }
0x8e: {  	v3 =	vand.u32 $0x7, v3  }
0x8f: {  	v3 =	vor.u32 v3, v4  }
0x90: {  	v4 =	vperm.xlane v3, v0;
	_ =	sdelay $0x1  }
0x91: {  	v4 =	vadd.s32 v1, v4;
	_ =	sdelay $0x3  }
0x92: {  	s26 =	simm.s32 $0x12000;
	v3 =	vperm.xlane v3, v2  }
0x93: {  	[tilespmem:s26], [sflag:$0x2] =	stream.indirect_vreg.gather [hbm4b:s3+s2], $0x80, v4, vm0, $0xb8;
	[tilespmem:$0x1C100] =	vst v63  }
0x94: {  	s31 =	simm.s32 $0x12800;
	v3 =	vadd.s32 v1, v3  }
0x95: {  	[tilespmem:s31], [sflag:$0x2] =	stream.indirect_vreg.gather [hbm4b:s6+s2], $0x80, v4, vm0, $0xb8;
	[tilespmem:$0x1C100] =	vst v63  }
0x96: {  	_ = 	snop  }
0x97: {  	[tilespmem:s1], [sflag:$0x2] =	stream.indirect_vreg.gather [hbm4b:s7+s2], $0x80, v4, vm0, $0xb8;
	[tilespmem:$0x1C100] =	vst v63  }
0x98: {  	_ = 	snop  }
0x99: {  	[tilespmem:s12], [sflag:$0x2] =	stream.indirect_vreg.gather [hbm4b:s3+s2], $0x80, v3, vm0, $0xb8;
	[tilespmem:$0x1C100] =	vst v63  }
0x9a: {  	_ = 	snop  }
0x9b: {  	[tilespmem:s14], [sflag:$0x2] =	stream.indirect_vreg.gather [hbm4b:s6+s2], $0x80, v3, vm0, $0xb8;
	[tilespmem:$0x1C100] =	vst v63  }
0x9c: {  	_ = 	snop  }
0x9d: {  	[tilespmem:s15], [sflag:$0x2] =	stream.indirect_vreg.gather [hbm4b:s7+s2], $0x80, v3, vm0, $0xb8;
	[tilespmem:$0x1C100] =	vst v63  }
0x9e: {  	v3 =	vld [tilespmem:$0x180B0];
	_ =	sdelay $0x4  }
0x9f: {  	v4 =	vshrl.u32 v3, $0x3  }
0xa0: {  	v4 =	vmul.u32 $0x30, v4  }
0xa1: {  	v3 =	vand.u32 $0x7, v3  }
0xa2: {  	v3 =	vor.u32 v3, v4  }
0xa3: {  	v4 =	vperm.xlane v3, v0;
	_ =	sdelay $0x1  }
0xa4: {  	v4 =	vadd.s32 v1, v4;
	_ =	sdelay $0x3  }
0xa5: {  	v3 =	vperm.xlane v3, v2  }
0xa6: {  	[tilespmem:s16], [sflag:$0x2] =	stream.indirect_vreg.gather [hbm4b:s3+s2], $0x80, v4, vm0, $0xb8;
	[tilespmem:$0x1C100] =	vst v63  }
0xa7: {  	v3 =	vadd.s32 v1, v3  }
0xa8: {  	[tilespmem:s17], [sflag:$0x2] =	stream.indirect_vreg.gather [hbm4b:s6+s2], $0x80, v4, vm0, $0xb8;
	[tilespmem:$0x1C100] =	vst v63  }
0xa9: {  	_ = 	snop  }
0xaa: {  	[tilespmem:s18], [sflag:$0x2] =	stream.indirect_vreg.gather [hbm4b:s7+s2], $0x80, v4, vm0, $0xb8;
	[tilespmem:$0x1C100] =	vst v63  }
0xab: {  	_ = 	snop  }
0xac: {  	[tilespmem:s19], [sflag:$0x2] =	stream.indirect_vreg.gather [hbm4b:s3+s2], $0x80, v3, vm0, $0xb8;
	[tilespmem:$0x1C100] =	vst v63  }
0xad: {  	_ = 	snop  }
0xae: {  	[tilespmem:s20], [sflag:$0x2] =	stream.indirect_vreg.gather [hbm4b:s6+s2], $0x80, v3, vm0, $0xb8;
	[tilespmem:$0x1C100] =	vst v63  }
0xaf: {  	_ = 	snop  }
0xb0: {  	[tilespmem:s21], [sflag:$0x2] =	stream.indirect_vreg.gather [hbm4b:s7+s2], $0x80, v3, vm0, $0xb8;
	[tilespmem:$0x1C100] =	vst v63  }
0xb1: {  	s25 =	simm.s32 $0x18100  }
0xb2: {  	[tilespmem:s25], [sflag:$0x3] =	stream.linear.gather [hbm4b:s8+s2], $0x2000, $0x38;
	[tilespmem:$0x1C100] =	vst v63  }
0xb3: {  	_ =	swait.ge [sflag:s13], $0x2000  }
0xb4: {  	[sflag:s13] =	ssyncset.done $0x0  }
0xb5: {  	s26 =	simm.s32 $0x1A100;
	[sflag:s13] =	ssyncadd.s32 $0xFFFFE000  }
0xb6: {  	[tilespmem:s26], [sflag:$0x3] =	stream.linear.gather [hbm4b:s9+s2], $0x2000, $0x38;
	[tilespmem:$0x1C100] =	vst v63  }
0xb7: {  	_ =	swait.ge [sflag:s13], $0x2000  }
0xb8: {  	[sflag:s13] =	ssyncset.done $0x0  }
0xb9: {  	[sflag:s13] =	ssyncadd.s32 $0xFFFFE000  }
0xba: {  	_ =	swait.ge [sflag:s22], $0xC000  }
0xbb: {  	[sflag:s22] =	ssyncset.done $0x0  }
0xbc: {  	s28 =	simm.s32 $0x0;
	[sflag:s22] =	ssyncadd.s32 $0xFFFF4000  }
0xbd: {  	s28 =	smul.u32 $0x1800, s28;
	_ =	swait.ge [sflag:s23], $0xC000  }
0xbe: {  	s29 =	sand.u32 $0x380, s2;
	[sflag:s23] =	ssyncset.done $0x0  }
0xbf: {  	s30 =	sor.u32 s29, s28;
	[sflag:s23] =	ssyncadd.s32 $0xFFFF4000  }
0xc0: {  	v4 =	vld [tilespmem:s30+$0x10]  }
0xc1: {  	v3 =	vld [tilespmem:s30+$0xC010]  }
0xc2: {  	v6 =	vld [tilespmem:s30+$0x20]  }
0xc3: {  	v5 =	vld [tilespmem:s30+$0xC020]  }
0xc4: {  	v10 =	vld [tilespmem:s30+$0x30]  }
0xc5: {  	v9 =	vld [tilespmem:s30+$0xC030]  }
0xc6: {  	v12 =	vld [tilespmem:s30+$0x40]  }
0xc7: {  	v11 =	vld [tilespmem:s30+$0xC040]  }
0xc8: {  	v13 =	vld [tilespmem:s30+$0x60]  }
0xc9: {  	v14 =	vld [tilespmem:s30+$0x70]  }
0xca: {  	v15 =	vld [tilespmem:s30+$0x400]  }
0xcb: {  	v16 =	vld [tilespmem:s30+$0x410]  }
0xcc: {  	v17 =	vld [tilespmem:s30+$0x420]  }
0xcd: {  	v18 =	vld [tilespmem:s30+$0x430]  }
0xce: {  	v19 =	vld [tilespmem:s30+$0x440]  }
0xcf: {  	v20 =	vld [tilespmem:s30+$0x450]  }
0xd0: {  	v21 =	vld [tilespmem:s30+$0x460]  }
0xd1: {  	v22 =	vld [tilespmem:s30+$0x470]  }
0xd2: {  	v23 =	vld [tilespmem:s30+$0x800]  }
0xd3: {  	v24 =	vld [tilespmem:s30+$0x810]  }
0xd4: {  	v25 =	vld [tilespmem:s30+$0x820]  }
0xd5: {  	v26 =	vld [tilespmem:s30+$0x830]  }
0xd6: {  	v27 =	vld [tilespmem:s30+$0x840]  }
0xd7: {  	v28 =	vld [tilespmem:s30+$0x850]  }
0xd8: {  	v29 =	vld [tilespmem:s30+$0x860]  }
0xd9: {  	v30 =	vld [tilespmem:s30+$0x870]  }
0xda: {  	v31 =	vld [tilespmem:s30+$0xC00]  }
0xdb: {  	v32 =	vld [tilespmem:s30+$0xC10]  }
0xdc: {  	v33 =	vld [tilespmem:s30+$0xC20]  }
0xdd: {  	v34 =	vld [tilespmem:s30+$0xC30]  }
0xde: {  	v35 =	vld [tilespmem:s30+$0xC40]  }
0xdf: {  	v36 =	vld [tilespmem:s30+$0xC50]  }
0xe0: {  	v37 =	vld [tilespmem:s30+$0xC60]  }
0xe1: {  	v38 =	vld [tilespmem:s30+$0xC70]  }
0xe2: {  	v39 =	vld [tilespmem:s30+$0x1000]  }
0xe3: {  	v40 =	vld [tilespmem:s30+$0x1010]  }
0xe4: {  	v41 =	vld [tilespmem:s30+$0x1020]  }
0xe5: {  	v42 =	vld [tilespmem:s30+$0x1030]  }
0xe6: {  	v43 =	vld [tilespmem:s30+$0x1040]  }
0xe7: {  	v44 =	vld [tilespmem:s30+$0x1050]  }
0xe8: {  	v45 =	vld [tilespmem:s30+$0x1060]  }
0xe9: {  	v46 =	vld [tilespmem:s30+$0x1400]  }
0xea: {  	v47 =	vld [tilespmem:s30+$0x1410]  }
0xeb: {  	v48 =	vld [tilespmem:s30+$0xD410]  }
0xec: {  	v49 =	vld [tilespmem:s30+$0xD430]  }
0xed: {  	v50 =	vld [tilespmem:s30+$0x1430]  }
0xee: {  	v51 =	vld [tilespmem:s30+$0x1420]  }
0xef: {  	v7 =	vld [tilespmem:s25+$0x0]  }
0xf0: {  	v8 =	vld [tilespmem:s26+$0x0]  }
0xf1: {  	v52 =	vld [tilespmem:s30+$0xD420]  }
0xf2: {  	v53 =	vld [tilespmem:s30+$0xD400]  }
0xf3: {  	v54 =	vld [tilespmem:s30+$0x1070]  }
0xf4: {  	v55 =	vld [tilespmem:s30+$0xD070];
	v50 =	vmul.f32 v50, v7  }
0xf5: {  	v56 =	vld [tilespmem:s30+$0xD060];
	v49 =	vmul.f32 v49, v8;
	v51 =	vmul.f32 v51, v7  }
0xf6: {  	v57 =	vld [tilespmem:s30+$0xD050];
	v52 =	vmul.f32 v52, v8;
	v47 =	vmul.f32 v47, v7  }
0xf7: {  	v61 =	vld [tilespmem:s30+$0xD000];
	v48 =	vmul.f32 v48, v8;
	v46 =	vmul.f32 v46, v7  }
0xf8: {  	v58 =	vld [tilespmem:s30+$0xD040];
	v62 =	vmul.f32 v53, v8;
	v63 =	vmul.f32 v54, v7;
	v49 =	vadd.f32 v49, v50  }
0xf9: {  	v53 =	vld [tilespmem:s30+$0xD030];
	v59 =	vmul.f32 v55, v8;
	v45 =	vmul.f32 v45, v7;
	v51 =	vadd.f32 v52, v51  }
0xfa: {  	v60 =	vmul.f32 v56, v8;
	v44 =	vmul.f32 v44, v7;
	v56 =	vld [tilespmem:s30+$0xCC60];
	v47 =	vadd.f32 v48, v47;
	[tilespmem:s30+$0x1430] =	vst v49  }
0xfb: {  	v43 =	vmul.f32 v43, v7;
	v39 =	vmul.f32 v39, v7;
	v55 =	vld [tilespmem:s30+$0xC870];
	v46 =	vadd.f32 v62, v46;
	[tilespmem:s30+$0x1420] =	vst v51  }
0xfc: {  	v61 =	vmul.f32 v61, v8;
	v12 =	vmul.f32 v12, v7;
	v48 =	vld [tilespmem:s30+$0xD020];
	v52 =	vadd.f32 v59, v63;
	[tilespmem:s30+$0x1410] =	vst v47  }
0xfd: {  	v11 =	vmul.f32 v11, v8;
	v63 =	vmul.f32 v58, v8;
	v45 =	vadd.f32 v60, v45;
	v58 =	vld [tilespmem:s30+$0xCC50];
	[tilespmem:s30+$0x1400] =	vst v46  }
0xfe: {  	v42 =	vmul.f32 v42, v7;
	v62 =	vmul.f32 v57, v8;
	v59 =	vld [tilespmem:s30+$0xCC40];
	v39 =	vadd.f32 v61, v39;
	[tilespmem:s30+$0x1070] =	vst v52  }
0xff: {  	v41 =	vmul.f32 v41, v7;
	v40 =	vmul.f32 v40, v7;
	v60 =	vld [tilespmem:s30+$0xCC30];
	v11 =	vadd.f32 v11, v12;
	[tilespmem:s30+$0x1060] =	vst v45  }
0x100: {  	v38 =	vmul.f32 v38, v7;
	v61 =	vld [tilespmem:s30+$0xC810];
	v44 =	vadd.f32 v62, v44;
	[tilespmem:s30+$0x1000] =	vst v39;
	v57 =	vmul.f32 v53, v8  }
0x101: {  	v37 =	vmul.f32 v37, v7;
	v49 =	vld [tilespmem:s30+$0xD010];
	v43 =	vadd.f32 v63, v43;
	[tilespmem:s30+$0x40] =	vst v11;
	v46 =	vmul.f32 v56, v8  }
0x102: {  	v36 =	vmul.f32 v36, v7;
	v47 =	vld [tilespmem:s30+$0xCC70];
	[tilespmem:s30+$0x1050] =	vst v44;
	v48 =	vmul.f32 v48, v8;
	v42 =	vadd.f32 v57, v42  }
0x103: {  	v35 =	vmul.f32 v35, v7;
	v62 =	vld [tilespmem:s30+$0xCC20];
	[tilespmem:s30+$0x1040] =	vst v43;
	v54 =	vmul.f32 v58, v8;
	v37 =	vadd.f32 v46, v37  }
0x104: {  	v34 =	vmul.f32 v34, v7;
	v63 =	vld [tilespmem:s30+$0xCC10];
	v45 =	vmul.f32 v59, v8;
	v41 =	vadd.f32 v48, v41;
	[tilespmem:s30+$0x1030] =	vst v42  }
0x105: {  	v33 =	vmul.f32 v33, v7;
	v56 =	vld [tilespmem:s30+$0xC860];
	v44 =	vmul.f32 v60, v8;
	v36 =	vadd.f32 v54, v36;
	[tilespmem:s30+$0xC60] =	vst v37  }
0x106: {  	v32 =	vmul.f32 v32, v7;
	v53 =	vld [tilespmem:s30+$0xCC00];
	v49 =	vmul.f32 v49, v8;
	v35 =	vadd.f32 v45, v35;
	[tilespmem:s30+$0x1020] =	vst v41  }
0x107: {  	v6 =	vmul.f32 v6, v7;
	v12 =	vld [tilespmem:s30+$0x1460];
	v47 =	vmul.f32 v47, v8;
	v34 =	vadd.f32 v44, v34;
	[tilespmem:s30+$0xC50] =	vst v36  }
0x108: {  	v5 =	vmul.f32 v5, v8;
	v58 =	vld [tilespmem:s30+$0xC840];
	v43 =	vmul.f32 v62, v8;
	v40 =	vadd.f32 v49, v40;
	[tilespmem:s30+$0xC40] =	vst v35  }
0x109: {  	v29 =	vmul.f32 v29, v7;
	v59 =	vld [tilespmem:s30+$0xC830];
	v42 =	vmul.f32 v63, v8;
	v38 =	vadd.f32 v47, v38;
	[tilespmem:s30+$0xC30] =	vst v34  }
0x10a: {  	v5 =	vadd.f32 v5, v6;
	v6 =	vld [tilespmem:s30+$0x0];
	v39 =	vmul.f32 v56, v8;
	v33 =	vadd.f32 v43, v33;
	[tilespmem:s30+$0x1010] =	vst v40  }
0x10b: {  	v31 =	vmul.f32 v31, v7;
	v60 =	vld [tilespmem:s30+$0xC820];
	v41 =	vmul.f32 v53, v8;
	v32 =	vadd.f32 v42, v32;
	[tilespmem:s30+$0xC70] =	vst v38  }
0x10c: {  	v24 =	vmul.f32 v24, v7;
	v57 =	vld [tilespmem:s30+$0xC850];
	v34 =	vmul.f32 v61, v8;
	v29 =	vadd.f32 v39, v29;
	[tilespmem:s30+$0xC20] =	vst v33  }
0x10d: {  	v27 =	vmul.f32 v27, v7;
	v62 =	vld [tilespmem:s30+$0xC800];
	v37 =	vmul.f32 v58, v8;
	v31 =	vadd.f32 v41, v31;
	[tilespmem:s30+$0xC10] =	vst v32  }
0x10e: {  	v26 =	vmul.f32 v26, v7;
	v63 =	vld [tilespmem:s30+$0xC470];
	v36 =	vmul.f32 v59, v8;
	v24 =	vadd.f32 v34, v24;
	[tilespmem:s30+$0x860] =	vst v29  }
0x10f: {  	v30 =	vmul.f32 v30, v7;
	v40 =	vmul.f32 v55, v8;
	v27 =	vadd.f32 v37, v27;
	v29 =	vld [tilespmem:s30+$0xC440];
	[tilespmem:s30+$0xC00] =	vst v31  }
0x110: {  	v25 =	vmul.f32 v25, v7;
	v35 =	vmul.f32 v60, v8;
	v26 =	vadd.f32 v36, v26;
	v31 =	vld [tilespmem:s30+$0xC460];
	[tilespmem:s30+$0x810] =	vst v24  }
0x111: {  	v28 =	vmul.f32 v28, v7;
	v38 =	vmul.f32 v57, v8;
	v30 =	vadd.f32 v40, v30;
	v24 =	vld [tilespmem:s30+$0xC070];
	[tilespmem:s30+$0x840] =	vst v27  }
0x112: {  	v23 =	vmul.f32 v23, v7;
	v33 =	vmul.f32 v62, v8;
	v25 =	vadd.f32 v35, v25;
	v27 =	vld [tilespmem:s30+$0xC420];
	[tilespmem:s30+$0x830] =	vst v26  }
0x113: {  	v22 =	vmul.f32 v22, v7;
	v32 =	vmul.f32 v63, v8;
	v28 =	vadd.f32 v38, v28;
	[tilespmem:s30+$0x870] =	vst v30;
	v30 =	vld [tilespmem:s30+$0xC450]  }
0x114: {  	v19 =	vmul.f32 v19, v7;
	v23 =	vadd.f32 v33, v23;
	[tilespmem:s30+$0x820] =	vst v25;
	v25 =	vld [tilespmem:s30+$0xC400];
	v29 =	vmul.f32 v29, v8  }
0x115: {  	v21 =	vmul.f32 v21, v7;
	v22 =	vadd.f32 v32, v22;
	[tilespmem:s30+$0x850] =	vst v28;
	v28 =	vld [tilespmem:s30+$0xC430];
	v31 =	vmul.f32 v31, v8  }
0x116: {  	v14 =	vmul.f32 v14, v7;
	[tilespmem:s30+$0x800] =	vst v23;
	v23 =	vld [tilespmem:s30+$0xC060];
	v24 =	vmul.f32 v24, v8;
	v19 =	vadd.f32 v29, v19  }
0x117: {  	v17 =	vmul.f32 v17, v7;
	v26 =	vld [tilespmem:s30+$0xC410];
	[tilespmem:s30+$0x470] =	vst v22;
	v27 =	vmul.f32 v27, v8;
	v21 =	vadd.f32 v31, v21  }
0x118: {  	v20 =	vmul.f32 v20, v7;
	v22 =	vld [tilespmem:s30+$0x50];
	v30 =	vmul.f32 v30, v8;
	v14 =	vadd.f32 v24, v14;
	[tilespmem:s30+$0x440] =	vst v19  }
0x119: {  	v15 =	vmul.f32 v15, v7;
	v25 =	vmul.f32 v25, v8;
	v17 =	vadd.f32 v27, v17;
	v19 =	vld [tilespmem:s30+$0xD450];
	[tilespmem:s30+$0x460] =	vst v21  }
0x11a: {  	v18 =	vmul.f32 v18, v7;
	v28 =	vmul.f32 v28, v8;
	v20 =	vadd.f32 v30, v20;
	v21 =	vld [tilespmem:s30+$0xC050];
	[tilespmem:s30+$0x70] =	vst v14  }
0x11b: {  	v13 =	vmul.f32 v13, v7;
	v23 =	vmul.f32 v23, v8;
	v15 =	vadd.f32 v25, v15;
	[tilespmem:s30+$0x420] =	vst v17;
	v17 =	vld [tilespmem:s30+$0x1440]  }
0x11c: {  	v16 =	vmul.f32 v16, v7;
	v26 =	vmul.f32 v26, v8;
	v18 =	vadd.f32 v28, v18;
	[tilespmem:s30+$0x450] =	vst v20;
	v20 =	vld [tilespmem:s30+$0xD440]  }
0x11d: {  	v10 =	vmul.f32 v10, v7;
	v9 =	vmul.f32 v9, v8;
	v13 =	vadd.f32 v23, v13;
	[tilespmem:s30+$0x400] =	vst v15;
	v15 =	vld [tilespmem:s30+$0x1450]  }
0x11e: {  	v4 =	vmul.f32 v4, v7;
	v3 =	vmul.f32 v3, v8;
	v16 =	vadd.f32 v26, v16;
	[tilespmem:s30+$0x430] =	vst v18;
	v18 =	vld [tilespmem:s30+$0xD460]  }
0x11f: {  	v9 =	vadd.f32 v9, v10;
	v10 =	vmul.f32 v22, v7;
	v14 =	vld [tilespmem:s30+$0x1470];
	[tilespmem:s30+$0x60] =	vst v13;
	v13 =	vmul.f32 v21, v8  }
0x120: {  	v3 =	vadd.f32 v3, v4;
	[tilespmem:s30+$0x410] =	vst v16;
	v16 =	vld [tilespmem:s30+$0xD470]  }
0x121: {  	s28 =	simm.s32 $0x0;
	[tilespmem:s30+$0x30] =	vst v9;
	v9 =	vld [tilespmem:s30+$0xC000];
	v11 =	vmul.f32 v17, v7;
	v17 =	vmul.f32 v20, v8;
	v4 =	vadd.f32 v13, v10  }
0x122: {  	s29 =	simm.s32 $0x80;
	s28 =	smul.u32 $0x1800, s28;
	[tilespmem:s30+$0x20] =	vst v5;
	v5 =	vmul.f32 v15, v7;
	v10 =	vmul.f32 v19, v8  }
0x123: {  	s31 =	sand.u32 $0x380, s29;
	v11 =	vadd.f32 v17, v11;
	[tilespmem:s30+$0x50] =	vst v4;
	v4 =	vmul.f32 v12, v7;
	v12 =	vmul.f32 v18, v8  }
0x124: {  	s28 =	sor.u32 s31, s28;
	[tilespmem:s30+$0x10] =	vst v3;
	v5 =	vadd.f32 v10, v5  }
0x125: {  	v3 =	vld [tilespmem:s28+$0x10];
	v10 =	vmul.f32 v14, v7;
	[tilespmem:s30+$0x1440] =	vst v11;
	v11 =	vmul.f32 v16, v8;
	v12 =	vadd.f32 v12, v4  }
0x126: {  	v7 =	vmul.f32 v6, v7;
	v8 =	vmul.f32 v9, v8;
	v4 =	vld [tilespmem:s28+$0xC010];
	[tilespmem:s30+$0x1450] =	vst v5  }
0x127: {  	v9 =	vadd.f32 v11, v10;
	v6 =	vld [tilespmem:s28+$0x20];
	[tilespmem:s30+$0x1460] =	vst v12  }
0x128: {  	v7 =	vadd.f32 v8, v7;
	v5 =	vld [tilespmem:s28+$0xC020]  }
0x129: {  	v8 =	vld [tilespmem:s28+$0x30];
	[tilespmem:s30+$0x1470] =	vst v9  }
0x12a: {  	v18 =	vld [tilespmem:s28+$0x430];
	[tilespmem:s30+$0x0] =	vst v7  }
0x12b: {  	v7 =	vld [tilespmem:s28+$0xC030]  }
0x12c: {  	v10 =	vld [tilespmem:s28+$0x40]  }
0x12d: {  	v9 =	vld [tilespmem:s28+$0xC040]  }
0x12e: {  	v12 =	vld [tilespmem:s28+$0x50]  }
0x12f: {  	v11 =	vld [tilespmem:s28+$0xC050]  }
0x130: {  	v13 =	vld [tilespmem:s28+$0x60]  }
0x131: {  	v14 =	vld [tilespmem:s28+$0x70]  }
0x132: {  	v15 =	vld [tilespmem:s28+$0x400]  }
0x133: {  	v16 =	vld [tilespmem:s28+$0x410]  }
0x134: {  	v17 =	vld [tilespmem:s28+$0x420]  }
0x135: {  	v19 =	vld [tilespmem:s28+$0x440]  }
0x136: {  	v20 =	vld [tilespmem:s28+$0x450]  }
0x137: {  	v21 =	vld [tilespmem:s28+$0x460]  }
0x138: {  	v22 =	vld [tilespmem:s28+$0x470]  }
0x139: {  	v23 =	vld [tilespmem:s28+$0x800]  }
0x13a: {  	v24 =	vld [tilespmem:s28+$0x810]  }
0x13b: {  	v25 =	vld [tilespmem:s28+$0x820]  }
0x13c: {  	v26 =	vld [tilespmem:s28+$0x830]  }
0x13d: {  	v27 =	vld [tilespmem:s28+$0x840]  }
0x13e: {  	v28 =	vld [tilespmem:s28+$0x850]  }
0x13f: {  	v29 =	vld [tilespmem:s28+$0x860]  }
0x140: {  	v30 =	vld [tilespmem:s28+$0x870]  }
0x141: {  	v31 =	vld [tilespmem:s28+$0xC00]  }
0x142: {  	v34 =	vld [tilespmem:s28+$0xC10]  }
0x143: {  	v35 =	vld [tilespmem:s28+$0xC20]  }
0x144: {  	v36 =	vld [tilespmem:s28+$0xC30]  }
0x145: {  	v37 =	vld [tilespmem:s28+$0xC40]  }
0x146: {  	v38 =	vld [tilespmem:s28+$0xC50]  }
0x147: {  	v39 =	vld [tilespmem:s28+$0xC60]  }
0x148: {  	v40 =	vld [tilespmem:s28+$0xC70]  }
0x149: {  	v41 =	vld [tilespmem:s28+$0x1000]  }
0x14a: {  	v42 =	vld [tilespmem:s28+$0x1010]  }
0x14b: {  	v43 =	vld [tilespmem:s28+$0x1020]  }
0x14c: {  	v44 =	vld [tilespmem:s28+$0x1030]  }
0x14d: {  	v45 =	vld [tilespmem:s28+$0x1040]  }
0x14e: {  	v46 =	vld [tilespmem:s28+$0x1050]  }
0x14f: {  	v47 =	vld [tilespmem:s28+$0x1060]  }
0x150: {  	v48 =	vld [tilespmem:s28+$0x1400]  }
0x151: {  	v50 =	vld [tilespmem:s28+$0x1410]  }
0x152: {  	v49 =	vld [tilespmem:s28+$0xD410]  }
0x153: {  	s30 =	simm.s32 $0x2;
	v51 =	vld [tilespmem:s28+$0xD430]  }
.LBB2_2:
0x154: {  	p0 =	sne.s32 s30, $0x3F;
	v52 =	vld [tilespmem:s28+$0x1430]  }
0x155: {  	s25 =	sadd.s32 $0x80, s25;
	v53 =	vld [tilespmem:s28+$0x1420]  }
0x156: {  	s26 =	sadd.s32 $0x80, s26;
	v33 =	vld [tilespmem:s25+$0x0]  }
0x157: {  	v32 =	vld [tilespmem:s26+$0x0]  }
0x158: {  	v54 =	vld [tilespmem:s28+$0xD420]  }
0x159: {  	v55 =	vld [tilespmem:s28+$0xD400]  }
0x15a: {  	v56 =	vld [tilespmem:s28+$0x1070]  }
0x15b: {  	v57 =	vld [tilespmem:s28+$0xD070];
	v50 =	vmul.f32 v50, v33;
	v53 =	vmul.f32 v53, v33  }
0x15c: {  	v52 =	vmul.f32 v52, v33;
	v58 =	vld [tilespmem:s28+$0xD060];
	v51 =	vmul.f32 v51, v32  }
0x15d: {  	v49 =	vmul.f32 v49, v32;
	v59 =	vld [tilespmem:s28+$0xD050];
	v54 =	vmul.f32 v54, v32  }
0x15e: {  	v48 =	vmul.f32 v48, v33;
	v60 =	vld [tilespmem:s28+$0xD040];
	v55 =	vmul.f32 v55, v32;
	v51 =	vadd.f32 v51, v52  }
0x15f: {  	v49 =	vadd.f32 v49, v50;
	v52 =	vld [tilespmem:s28+$0xD030];
	v56 =	vmul.f32 v56, v33;
	v50 =	vadd.f32 v54, v53  }
0x160: {  	v47 =	vmul.f32 v47, v33;
	v53 =	vld [tilespmem:s28+$0xD020];
	v54 =	vmul.f32 v57, v32;
	v48 =	vadd.f32 v55, v48;
	[tilespmem:s28+$0x1430] =	vst v51  }
0x161: {  	v46 =	vmul.f32 v46, v33;
	v51 =	vld [tilespmem:s28+$0xD010];
	v55 =	vmul.f32 v58, v32;
	[tilespmem:s28+$0x1420] =	vst v50  }
0x162: {  	v45 =	vmul.f32 v45, v33;
	v50 =	vld [tilespmem:s28+$0xD000];
	v57 =	vmul.f32 v59, v32;
	v54 =	vadd.f32 v54, v56;
	[tilespmem:s28+$0x1410] =	vst v49  }
0x163: {  	v44 =	vmul.f32 v44, v33;
	v49 =	vld [tilespmem:s28+$0xCC70];
	v56 =	vmul.f32 v60, v32;
	v47 =	vadd.f32 v55, v47;
	[tilespmem:s28+$0x1400] =	vst v48  }
0x164: {  	v43 =	vmul.f32 v43, v33;
	v48 =	vld [tilespmem:s28+$0xCC60];
	v52 =	vmul.f32 v52, v32;
	v46 =	vadd.f32 v57, v46;
	[tilespmem:s28+$0x1070] =	vst v54  }
0x165: {  	v42 =	vmul.f32 v42, v33;
	v54 =	vld [tilespmem:s28+$0xCC50];
	v53 =	vmul.f32 v53, v32;
	v45 =	vadd.f32 v56, v45;
	[tilespmem:s28+$0x1060] =	vst v47  }
0x166: {  	v41 =	vmul.f32 v41, v33;
	v47 =	vld [tilespmem:s28+$0xCC40];
	v51 =	vmul.f32 v51, v32;
	v44 =	vadd.f32 v52, v44;
	[tilespmem:s28+$0x1050] =	vst v46  }
0x167: {  	v40 =	vmul.f32 v40, v33;
	v46 =	vld [tilespmem:s28+$0xCC30];
	v50 =	vmul.f32 v50, v32;
	v43 =	vadd.f32 v53, v43;
	[tilespmem:s28+$0x1040] =	vst v45  }
0x168: {  	v39 =	vmul.f32 v39, v33;
	v45 =	vld [tilespmem:s28+$0xCC20];
	v49 =	vmul.f32 v49, v32;
	v42 =	vadd.f32 v51, v42;
	[tilespmem:s28+$0x1030] =	vst v44  }
0x169: {  	v38 =	vmul.f32 v38, v33;
	v44 =	vld [tilespmem:s28+$0xCC10];
	v48 =	vmul.f32 v48, v32;
	v41 =	vadd.f32 v50, v41;
	[tilespmem:s28+$0x1020] =	vst v43  }
0x16a: {  	v37 =	vmul.f32 v37, v33;
	v43 =	vld [tilespmem:s28+$0xCC00];
	v50 =	vmul.f32 v54, v32;
	v40 =	vadd.f32 v49, v40;
	[tilespmem:s28+$0x1010] =	vst v42  }
0x16b: {  	v36 =	vmul.f32 v36, v33;
	v42 =	vld [tilespmem:s28+$0xC870];
	v47 =	vmul.f32 v47, v32;
	v39 =	vadd.f32 v48, v39;
	[tilespmem:s28+$0x1000] =	vst v41  }
0x16c: {  	v35 =	vmul.f32 v35, v33;
	v41 =	vld [tilespmem:s28+$0xC860];
	v46 =	vmul.f32 v46, v32;
	v38 =	vadd.f32 v50, v38;
	[tilespmem:s28+$0xC70] =	vst v40  }
0x16d: {  	v34 =	vmul.f32 v34, v33;
	v40 =	vld [tilespmem:s28+$0xC850];
	v45 =	vmul.f32 v45, v32;
	v37 =	vadd.f32 v47, v37;
	[tilespmem:s28+$0xC60] =	vst v39  }
0x16e: {  	v31 =	vmul.f32 v31, v33;
	v39 =	vld [tilespmem:s28+$0xC840];
	v44 =	vmul.f32 v44, v32;
	v36 =	vadd.f32 v46, v36;
	[tilespmem:s28+$0xC50] =	vst v38  }
0x16f: {  	v30 =	vmul.f32 v30, v33;
	v38 =	vld [tilespmem:s28+$0xC830];
	v43 =	vmul.f32 v43, v32;
	v35 =	vadd.f32 v45, v35;
	[tilespmem:s28+$0xC40] =	vst v37  }
0x170: {  	v29 =	vmul.f32 v29, v33;
	v37 =	vld [tilespmem:s28+$0xC820];
	v42 =	vmul.f32 v42, v32;
	v34 =	vadd.f32 v44, v34;
	[tilespmem:s28+$0xC30] =	vst v36  }
0x171: {  	v28 =	vmul.f32 v28, v33;
	v36 =	vld [tilespmem:s28+$0xC810];
	v41 =	vmul.f32 v41, v32;
	v31 =	vadd.f32 v43, v31;
	[tilespmem:s28+$0xC20] =	vst v35  }
0x172: {  	v27 =	vmul.f32 v27, v33;
	v35 =	vld [tilespmem:s28+$0xC800];
	v40 =	vmul.f32 v40, v32;
	v30 =	vadd.f32 v42, v30;
	[tilespmem:s28+$0xC10] =	vst v34  }
0x173: {  	v26 =	vmul.f32 v26, v33;
	v34 =	vld [tilespmem:s28+$0xC470];
	v39 =	vmul.f32 v39, v32;
	v29 =	vadd.f32 v41, v29;
	[tilespmem:s28+$0xC00] =	vst v31  }
0x174: {  	v25 =	vmul.f32 v25, v33;
	v31 =	vld [tilespmem:s28+$0xC460];
	v38 =	vmul.f32 v38, v32;
	v28 =	vadd.f32 v40, v28;
	[tilespmem:s28+$0x870] =	vst v30  }
0x175: {  	v24 =	vmul.f32 v24, v33;
	v30 =	vld [tilespmem:s28+$0xC450];
	v37 =	vmul.f32 v37, v32;
	v27 =	vadd.f32 v39, v27;
	[tilespmem:s28+$0x860] =	vst v29  }
0x176: {  	v23 =	vmul.f32 v23, v33;
	v29 =	vld [tilespmem:s28+$0xC440];
	v36 =	vmul.f32 v36, v32;
	v26 =	vadd.f32 v38, v26;
	[tilespmem:s28+$0x850] =	vst v28  }
0x177: {  	v22 =	vmul.f32 v22, v33;
	v28 =	vld [tilespmem:s28+$0xC430];
	v35 =	vmul.f32 v35, v32;
	v25 =	vadd.f32 v37, v25;
	[tilespmem:s28+$0x840] =	vst v27  }
0x178: {  	v21 =	vmul.f32 v21, v33;
	v27 =	vld [tilespmem:s28+$0xC420];
	v34 =	vmul.f32 v34, v32;
	v24 =	vadd.f32 v36, v24;
	[tilespmem:s28+$0x830] =	vst v26  }
0x179: {  	v20 =	vmul.f32 v20, v33;
	v26 =	vld [tilespmem:s28+$0xC410];
	v31 =	vmul.f32 v31, v32;
	v23 =	vadd.f32 v35, v23;
	[tilespmem:s28+$0x820] =	vst v25  }
0x17a: {  	v19 =	vmul.f32 v19, v33;
	v25 =	vld [tilespmem:s28+$0xC400];
	v30 =	vmul.f32 v30, v32;
	v22 =	vadd.f32 v34, v22;
	[tilespmem:s28+$0x810] =	vst v24  }
0x17b: {  	v18 =	vmul.f32 v18, v33;
	v24 =	vld [tilespmem:s28+$0xC070];
	v29 =	vmul.f32 v29, v32;
	v21 =	vadd.f32 v31, v21;
	[tilespmem:s28+$0x800] =	vst v23  }
0x17c: {  	v17 =	vmul.f32 v17, v33;
	v23 =	vld [tilespmem:s28+$0xC060];
	v28 =	vmul.f32 v28, v32;
	v20 =	vadd.f32 v30, v20;
	[tilespmem:s28+$0x470] =	vst v22  }
0x17d: {  	v16 =	vmul.f32 v16, v33;
	v22 =	vmul.f32 v27, v32;
	v19 =	vadd.f32 v29, v19;
	[tilespmem:s28+$0x460] =	vst v21;
	v21 =	vld [tilespmem:s28+$0xD440]  }
0x17e: {  	v15 =	vmul.f32 v15, v33;
	v26 =	vmul.f32 v26, v32;
	v18 =	vadd.f32 v28, v18;
	[tilespmem:s28+$0x450] =	vst v20;
	v20 =	vld [tilespmem:s28+$0xD450]  }
0x17f: {  	v14 =	vmul.f32 v14, v33;
	v25 =	vmul.f32 v25, v32;
	v17 =	vadd.f32 v22, v17;
	[tilespmem:s28+$0x440] =	vst v19;
	v19 =	vld [tilespmem:s28+$0xD460]  }
0x180: {  	v13 =	vmul.f32 v13, v33;
	v22 =	vmul.f32 v24, v32;
	v16 =	vadd.f32 v26, v16;
	[tilespmem:s28+$0x430] =	vst v18;
	v18 =	vld [tilespmem:s28+$0xD470]  }
0x181: {  	v12 =	vmul.f32 v12, v33;
	v23 =	vmul.f32 v23, v32;
	v15 =	vadd.f32 v25, v15;
	[tilespmem:s28+$0x420] =	vst v17;
	v17 =	vld [tilespmem:s28+$0x1440]  }
0x182: {  	v10 =	vmul.f32 v10, v33;
	v11 =	vmul.f32 v11, v32;
	v14 =	vadd.f32 v22, v14;
	[tilespmem:s28+$0x410] =	vst v16;
	v16 =	vld [tilespmem:s28+$0x1450]  }
0x183: {  	v8 =	vmul.f32 v8, v33;
	v9 =	vmul.f32 v9, v32;
	v13 =	vadd.f32 v23, v13;
	[tilespmem:s28+$0x400] =	vst v15;
	v15 =	vld [tilespmem:s28+$0x1460]  }
0x184: {  	v6 =	vmul.f32 v6, v33;
	v7 =	vmul.f32 v7, v32;
	v11 =	vadd.f32 v11, v12;
	[tilespmem:s28+$0x70] =	vst v14;
	v12 =	vld [tilespmem:s28+$0x1470]  }
0x185: {  	v3 =	vmul.f32 v3, v33;
	v5 =	vmul.f32 v5, v32;
	v9 =	vadd.f32 v9, v10;
	v14 =	vld [tilespmem:s28+$0x0];
	[tilespmem:s28+$0x60] =	vst v13  }
0x186: {  	v4 =	vmul.f32 v4, v32;
	v7 =	vadd.f32 v7, v8;
	v10 =	vld [tilespmem:s28+$0xC000];
	[tilespmem:s28+$0x50] =	vst v11;
	v8 =	vmul.f32 v17, v33  }
0x187: {  	s31 =	sshrl.u32 s30, $0x3;
	v5 =	vadd.f32 v5, v6;
	v6 =	vmul.f32 v21, v32;
	[tilespmem:s28+$0x40] =	vst v9;
	v9 =	vmul.f32 v16, v33  }
0x188: {  	s29 =	sadd.s32 $0x80, s29;
	s31 =	smul.u32 $0x1800, s31;
	v3 =	vadd.f32 v4, v3;
	v4 =	vmul.f32 v20, v32;
	[tilespmem:s28+$0x30] =	vst v7;
	v7 =	vmul.f32 v15, v33  }
0x189: {  	s0 =	sand.u32 $0x380, s29;
	[tilespmem:s28+$0x20] =	vst v5;
	v5 =	vadd.f32 v6, v8;
	v6 =	vmul.f32 v19, v32;
	v8 =	vmul.f32 v12, v33  }
0x18a: {  	s0 =	sor.u32 s0, s31;
	v9 =	vadd.f32 v4, v9;
	v12 =	vmul.f32 v18, v32;
	v11 =	vmul.f32 v14, v33;
	[tilespmem:s28+$0x10] =	vst v3  }
0x18b: {  	v3 =	vld [tilespmem:s0+$0x10];
	v10 =	vmul.f32 v10, v32;
	[tilespmem:s28+$0x1440] =	vst v5;
	v5 =	vadd.f32 v6, v7  }
0x18c: {  	v7 =	vadd.f32 v12, v8;
	v4 =	vld [tilespmem:s0+$0xC010];
	[tilespmem:s28+$0x1450] =	vst v9  }
0x18d: {  	v6 =	vld [tilespmem:s0+$0x20];
	v9 =	vadd.f32 v10, v11;
	[tilespmem:s28+$0x1460] =	vst v5  }
0x18e: {  	v5 =	vld [tilespmem:s0+$0xC020];
	[tilespmem:s28+$0x1470] =	vst v7  }
0x18f: {  	v8 =	vld [tilespmem:s0+$0x30];
	[tilespmem:s28+$0x0] =	vst v9;
	s28 =	smov.u32 s0  }
0x190: {  	v7 =	vld [tilespmem:s28+$0xC030]  }
0x191: {  	v10 =	vld [tilespmem:s28+$0x40]  }
0x192: {  	v9 =	vld [tilespmem:s28+$0xC040]  }
0x193: {  	v12 =	vld [tilespmem:s28+$0x50]  }
0x194: {  	v11 =	vld [tilespmem:s28+$0xC050]  }
0x195: {  	v13 =	vld [tilespmem:s28+$0x60]  }
0x196: {  	v14 =	vld [tilespmem:s28+$0x70]  }
0x197: {  	v15 =	vld [tilespmem:s28+$0x400]  }
0x198: {  	v16 =	vld [tilespmem:s28+$0x410]  }
0x199: {  	v17 =	vld [tilespmem:s28+$0x420]  }
0x19a: {  	v18 =	vld [tilespmem:s28+$0x430]  }
0x19b: {  	v19 =	vld [tilespmem:s28+$0x440]  }
0x19c: {  	v20 =	vld [tilespmem:s28+$0x450]  }
0x19d: {  	v21 =	vld [tilespmem:s28+$0x460]  }
0x19e: {  	v22 =	vld [tilespmem:s28+$0x470]  }
0x19f: {  	v23 =	vld [tilespmem:s28+$0x800]  }
0x1a0: {  	v24 =	vld [tilespmem:s28+$0x810]  }
0x1a1: {  	v25 =	vld [tilespmem:s28+$0x820]  }
0x1a2: {  	v26 =	vld [tilespmem:s28+$0x830]  }
0x1a3: {  	v27 =	vld [tilespmem:s28+$0x840]  }
0x1a4: {  	v28 =	vld [tilespmem:s28+$0x850]  }
0x1a5: {  	v29 =	vld [tilespmem:s28+$0x860]  }
0x1a6: {  	v30 =	vld [tilespmem:s28+$0x870]  }
0x1a7: {  	v31 =	vld [tilespmem:s28+$0xC00]  }
0x1a8: {  	v34 =	vld [tilespmem:s28+$0xC10]  }
0x1a9: {  	v35 =	vld [tilespmem:s28+$0xC20]  }
0x1aa: {  	v36 =	vld [tilespmem:s28+$0xC30]  }
0x1ab: {  	v37 =	vld [tilespmem:s28+$0xC40]  }
0x1ac: {  	v38 =	vld [tilespmem:s28+$0xC50]  }
0x1ad: {  	v39 =	vld [tilespmem:s28+$0xC60]  }
0x1ae: {  	v40 =	vld [tilespmem:s28+$0xC70]  }
0x1af: {  	v41 =	vld [tilespmem:s28+$0x1000]  }
0x1b0: {  	v42 =	vld [tilespmem:s28+$0x1010]  }
0x1b1: {  	v43 =	vld [tilespmem:s28+$0x1020]  }
0x1b2: {  	v44 =	vld [tilespmem:s28+$0x1030]  }
0x1b3: {  	v45 =	vld [tilespmem:s28+$0x1040]  }
0x1b4: {  	v46 =	vld [tilespmem:s28+$0x1050]  }
.Ltmp0:
0x1b5: {  	v47 =	vld [tilespmem:s28+$0x1060];
	(pc) =	sbr.rel @p0 .LBB2_2-.Ltmp0, $4  }
0x1b6: {  	v48 =	vld [tilespmem:s28+$0x1400]  }
0x1b7: {  	v50 =	vld [tilespmem:s28+$0x1410]  }
0x1b8: {  	v49 =	vld [tilespmem:s28+$0xD410]  }
0x1b9: {  	s30 =	sadd.s32 $0x1, s30;
	v51 =	vld [tilespmem:s28+$0xD430]  }
0x1ba: {  	v52 =	vld [tilespmem:s28+$0x1430]  }
0x1bb: {  	v53 =	vld [tilespmem:s28+$0x1420];
	s0 =	sadd.s32 $0x80, s25  }
0x1bc: {  	s31 =	sadd.s32 $0x80, s26;
	v32 =	vld [tilespmem:s0+$0x0]  }
0x1bd: {  	v33 =	vld [tilespmem:s31+$0x0]  }
0x1be: {  	v54 =	vld [tilespmem:s28+$0xD420];
	_ =	sdelay $0x1  }
0x1bf: {  	v55 =	vld [tilespmem:s28+$0xD400]  }
0x1c0: {  	v56 =	vld [tilespmem:s28+$0x1070]  }
0x1c1: {  	v58 =	vld [tilespmem:s28+$0xD060];
	v52 =	vmul.f32 v52, v32;
	v51 =	vmul.f32 v51, v33  }
0x1c2: {  	v57 =	vld [tilespmem:s28+$0xD070];
	v53 =	vmul.f32 v53, v32;
	v54 =	vmul.f32 v54, v33  }
0x1c3: {  	v59 =	vld [tilespmem:s28+$0xD050];
	v50 =	vmul.f32 v50, v32;
	v49 =	vmul.f32 v49, v33  }
0x1c4: {  	v60 =	vld [tilespmem:s28+$0xD040];
	v48 =	vmul.f32 v48, v32;
	v62 =	vmul.f32 v55, v33;
	v51 =	vadd.f32 v51, v52  }
0x1c5: {  	v61 =	vld [tilespmem:s28+$0xD020];
	v63 =	vmul.f32 v56, v32;
	v47 =	vmul.f32 v47, v32;
	v53 =	vadd.f32 v54, v53  }
0x1c6: {  	v58 =	vmul.f32 v58, v33;
	v55 =	vld [tilespmem:s28+$0xC460];
	v12 =	vmul.f32 v12, v32;
	v49 =	vadd.f32 v49, v50;
	[tilespmem:s28+$0x1430] =	vst v51  }
0x1c7: {  	v56 =	vld [tilespmem:s28+$0xC450];
	v11 =	vmul.f32 v11, v33;
	v10 =	vmul.f32 v10, v32;
	v48 =	vadd.f32 v62, v48;
	[tilespmem:s28+$0x1420] =	vst v53  }
0x1c8: {  	v9 =	vmul.f32 v9, v33;
	v8 =	vmul.f32 v8, v32;
	v52 =	vld [tilespmem:s28+$0xD030];
	v47 =	vadd.f32 v58, v47;
	[tilespmem:s28+$0x1410] =	vst v49  }
0x1c9: {  	v7 =	vmul.f32 v7, v33;
	v6 =	vmul.f32 v6, v32;
	v50 =	vld [tilespmem:s28+$0xD000];
	v11 =	vadd.f32 v11, v12;
	[tilespmem:s28+$0x1400] =	vst v48  }
0x1ca: {  	v5 =	vmul.f32 v5, v33;
	v3 =	vmul.f32 v3, v32;
	v58 =	vld [tilespmem:s28+$0xCC20];
	v9 =	vadd.f32 v9, v10;
	[tilespmem:s28+$0x1060] =	vst v47  }
0x1cb: {  	v4 =	vmul.f32 v4, v33;
	v62 =	vmul.f32 v59, v33;
	v59 =	vld [tilespmem:s28+$0xCC10];
	v7 =	vadd.f32 v7, v8;
	[tilespmem:s28+$0x50] =	vst v11  }
0x1cc: {  	v57 =	vmul.f32 v57, v33;
	v54 =	vld [tilespmem:s28+$0xC470];
	v5 =	vadd.f32 v5, v6;
	[tilespmem:s28+$0x40] =	vst v9  }
0x1cd: {  	v46 =	vmul.f32 v46, v32;
	v3 =	vadd.f32 v4, v3;
	v51 =	vld [tilespmem:s28+$0xD010];
	[tilespmem:s28+$0x30] =	vst v7  }
0x1ce: {  	v45 =	vmul.f32 v45, v32;
	v49 =	vld [tilespmem:s28+$0xCC70];
	v53 =	vadd.f32 v57, v63;
	v63 =	vmul.f32 v60, v33;
	[tilespmem:s28+$0x20] =	vst v5  }
0x1cf: {  	v43 =	vmul.f32 v43, v32;
	v48 =	vld [tilespmem:s28+$0xCC60];
	v46 =	vadd.f32 v62, v46;
	v57 =	vmul.f32 v61, v33;
	[tilespmem:s28+$0x10] =	vst v3  }
0x1d0: {  	v44 =	vmul.f32 v44, v32;
	v47 =	vld [tilespmem:s28+$0xCC40];
	[tilespmem:s28+$0x1070] =	vst v53;
	v45 =	vadd.f32 v63, v45;
	v52 =	vmul.f32 v52, v33  }
0x1d1: {  	v41 =	vmul.f32 v41, v32;
	v60 =	vld [tilespmem:s28+$0xCC00];
	[tilespmem:s28+$0x1050] =	vst v46;
	v43 =	vadd.f32 v57, v43;
	v50 =	vmul.f32 v50, v33  }
0x1d2: {  	v35 =	vmul.f32 v35, v32;
	v61 =	vld [tilespmem:s28+$0xC870];
	[tilespmem:s28+$0x1040] =	vst v45;
	v45 =	vmul.f32 v58, v33;
	v44 =	vadd.f32 v52, v44  }
0x1d3: {  	v42 =	vmul.f32 v42, v32;
	v53 =	vld [tilespmem:s28+$0xCC50];
	[tilespmem:s28+$0x1020] =	vst v43;
	v51 =	vmul.f32 v51, v33;
	v41 =	vadd.f32 v50, v41  }
0x1d4: {  	v40 =	vmul.f32 v40, v32;
	v46 =	vld [tilespmem:s28+$0xCC30];
	v49 =	vmul.f32 v49, v33;
	v35 =	vadd.f32 v45, v35;
	[tilespmem:s28+$0x1030] =	vst v44  }
0x1d5: {  	v39 =	vmul.f32 v39, v32;
	v62 =	vld [tilespmem:s28+$0xC860];
	v48 =	vmul.f32 v48, v33;
	v42 =	vadd.f32 v51, v42;
	[tilespmem:s28+$0x1000] =	vst v41  }
0x1d6: {  	v37 =	vmul.f32 v37, v32;
	v57 =	vld [tilespmem:s28+$0xC440];
	v47 =	vmul.f32 v47, v33;
	v40 =	vadd.f32 v49, v40;
	[tilespmem:s28+$0xC20] =	vst v35  }
0x1d7: {  	v31 =	vmul.f32 v31, v32;
	v58 =	vld [tilespmem:s28+$0xC430];
	v43 =	vmul.f32 v60, v33;
	v39 =	vadd.f32 v48, v39;
	[tilespmem:s28+$0x1010] =	vst v42  }
0x1d8: {  	v38 =	vmul.f32 v38, v32;
	v50 =	vld [tilespmem:s28+$0xC830];
	v63 =	vmul.f32 v53, v33;
	v37 =	vadd.f32 v47, v37;
	[tilespmem:s28+$0xC70] =	vst v40  }
0x1d9: {  	v36 =	vmul.f32 v36, v32;
	v60 =	vld [tilespmem:s28+$0xC410];
	v46 =	vmul.f32 v46, v33;
	v31 =	vadd.f32 v43, v31;
	[tilespmem:s28+$0xC60] =	vst v39  }
0x1da: {  	v34 =	vmul.f32 v34, v32;
	v52 =	vld [tilespmem:s28+$0xC810];
	v44 =	vmul.f32 v59, v33;
	v38 =	vadd.f32 v63, v38;
	[tilespmem:s28+$0xC40] =	vst v37  }
0x1db: {  	v29 =	vmul.f32 v29, v32;
	v45 =	vld [tilespmem:s28+$0x1440];
	v41 =	vmul.f32 v62, v33;
	v36 =	vadd.f32 v46, v36;
	[tilespmem:s28+$0xC00] =	vst v31  }
0x1dc: {  	v21 =	vmul.f32 v21, v32;
	v48 =	vld [tilespmem:s28+$0xC850];
	v62 =	vmul.f32 v55, v33;
	v34 =	vadd.f32 v44, v34;
	[tilespmem:s28+$0xC50] =	vst v38  }
0x1dd: {  	v30 =	vmul.f32 v30, v32;
	v49 =	vld [tilespmem:s28+$0xC840];
	v42 =	vmul.f32 v61, v33;
	v29 =	vadd.f32 v41, v29;
	[tilespmem:s28+$0xC30] =	vst v36  }
0x1de: {  	v16 =	vmul.f32 v16, v32;
	v51 =	vld [tilespmem:s28+$0xC820];
	v21 =	vadd.f32 v62, v21;
	v41 =	vmul.f32 v60, v33;
	[tilespmem:s28+$0xC10] =	vst v34  }
0x1df: {  	v26 =	vmul.f32 v26, v32;
	v53 =	vld [tilespmem:s28+$0xC800];
	v30 =	vadd.f32 v42, v30;
	[tilespmem:s28+$0x860] =	vst v29;
	v38 =	vmul.f32 v50, v33  }
0x1e0: {  	v24 =	vmul.f32 v24, v32;
	v59 =	vld [tilespmem:s28+$0xC420];
	v36 =	vmul.f32 v52, v33;
	[tilespmem:s28+$0x460] =	vst v21;
	v16 =	vadd.f32 v41, v16  }
0x1e1: {  	v22 =	vmul.f32 v22, v32;
	v43 =	vld [tilespmem:s28+$0xD470];
	v34 =	vmul.f32 v54, v33;
	[tilespmem:s28+$0x870] =	vst v30;
	v26 =	vadd.f32 v38, v26  }
0x1e2: {  	v28 =	vmul.f32 v28, v32;
	v61 =	vld [tilespmem:s28+$0xC400];
	v40 =	vmul.f32 v48, v33;
	v24 =	vadd.f32 v36, v24;
	[tilespmem:s28+$0x410] =	vst v16  }
0x1e3: {  	v27 =	vmul.f32 v27, v32;
	v63 =	vld [tilespmem:s28+$0xC070];
	v39 =	vmul.f32 v49, v33;
	v22 =	vadd.f32 v34, v22;
	[tilespmem:s28+$0x830] =	vst v26  }
0x1e4: {  	v25 =	vmul.f32 v25, v32;
	v46 =	vld [tilespmem:s28+$0x1450];
	v37 =	vmul.f32 v51, v33;
	v28 =	vadd.f32 v40, v28;
	[tilespmem:s28+$0x810] =	vst v24  }
0x1e5: {  	v23 =	vmul.f32 v23, v32;
	v50 =	vld [tilespmem:s28+$0xC000];
	v35 =	vmul.f32 v53, v33;
	v27 =	vadd.f32 v39, v27;
	[tilespmem:s28+$0x470] =	vst v22  }
0x1e6: {  	v20 =	vmul.f32 v20, v32;
	v48 =	vld [tilespmem:s28+$0x1460];
	v30 =	vmul.f32 v56, v33;
	v25 =	vadd.f32 v37, v25;
	[tilespmem:s28+$0x850] =	vst v28  }
0x1e7: {  	v19 =	vmul.f32 v19, v32;
	v51 =	vld [tilespmem:s28+$0x0];
	v23 =	vadd.f32 v35, v23;
	v35 =	vmul.f32 v57, v33;
	[tilespmem:s28+$0x840] =	vst v27  }
0x1e8: {  	v18 =	vmul.f32 v18, v32;
	v34 =	vld [tilespmem:s28+$0xC060];
	v37 =	vmul.f32 v58, v33;
	v20 =	vadd.f32 v30, v20;
	[tilespmem:s28+$0x820] =	vst v25  }
0x1e9: {  	v17 =	vmul.f32 v17, v32;
	v36 =	vld [tilespmem:s28+$0xD440];
	v39 =	vmul.f32 v59, v33;
	[tilespmem:s28+$0x800] =	vst v23;
	v19 =	vadd.f32 v35, v19  }
0x1ea: {  	v15 =	vmul.f32 v15, v32;
	v38 =	vld [tilespmem:s28+$0xD450];
	v42 =	vmul.f32 v61, v33;
	v18 =	vadd.f32 v37, v18;
	[tilespmem:s28+$0x450] =	vst v20  }
0x1eb: {  	v14 =	vmul.f32 v14, v32;
	v40 =	vld [tilespmem:s28+$0xD460];
	v44 =	vmul.f32 v63, v33;
	v17 =	vadd.f32 v39, v17;
	[tilespmem:s28+$0x440] =	vst v19  }
0x1ec: {  	v49 =	vld [tilespmem:s28+$0x1470];
	v15 =	vadd.f32 v42, v15;
	v10 =	vmul.f32 v50, v33;
	v61 =	vmul.f32 v51, v32;
	[tilespmem:s28+$0x430] =	vst v18  }
0x1ed: {  	v13 =	vmul.f32 v13, v32;
	v14 =	vadd.f32 v44, v14;
	[tilespmem:s28+$0x420] =	vst v17;
	v47 =	vmul.f32 v34, v33  }
0x1ee: {  	v52 =	vmul.f32 v45, v32;
	[tilespmem:s28+$0x400] =	vst v15;
	v53 =	vmul.f32 v36, v33;
	v63 =	vadd.f32 v10, v61  }
0x1ef: {  	v54 =	vmul.f32 v46, v32;
	[tilespmem:s28+$0x70] =	vst v14;
	v55 =	vmul.f32 v38, v33;
	v13 =	vadd.f32 v47, v13  }
0x1f0: {  	v56 =	vmul.f32 v48, v32;
	v58 =	vmul.f32 v40, v33;
	v57 =	vadd.f32 v53, v52;
	[tilespmem:s28+$0x0] =	vst v63  }
0x1f1: {  	v60 =	vmul.f32 v43, v33;
	v59 =	vmul.f32 v49, v32;
	v3 =	vadd.f32 v55, v54;
	[tilespmem:s28+$0x60] =	vst v13  }
0x1f2: {  	v62 =	vadd.f32 v58, v56;
	[tilespmem:s28+$0x1440] =	vst v57  }
0x1f3: {  	s24 =	sadd.s32 $0x1, s24;
	[tilespmem:s28+$0x1450] =	vst v3;
	v3 =	vadd.f32 v60, v59  }
0x1f4: {  	p0 =	sne.s32 s24, s11;
	[tilespmem:s28+$0x1460] =	vst v62  }
.Ltmp1:
0x1f5: {  	[tilespmem:s28+$0x1470] =	vst v3;
	(pc) =	sbr.rel @p0 .LBB2_1-.Ltmp1, $4  }
0x1f6: {  	[hbm4b:s10+s2] =	stream.linear.scatter [tilespmem:s2], [sflag:$0x3], $0xC000, $0x38;
	[tilespmem:$0x1C100] =	vst v63  }
0x1f7: {  	_ =	swait.ge [sflag:s13], $0xC000  }
0x1f8: {  	[sflag:s13] =	ssyncset.done $0x0  }
0x1f9: {  	[sflag:s13] =	ssyncadd.s32 $0xFFFF4000  }
0x1fa: {  	_ =	sfence.sel $0x180000  }
0x1fb: {  	[bflag:$0x0] =	sbarrier.arrive $0xFFFF  }
0x1fc: {  	_ =	strace $0x9000004A  }
0x1fd: {  	s0 =	stileid.u32;
	[bflag:$0x2] =	sbarrier.arrive $0xFFFF  }
0x1fe: {  	p0 =	sne.s32 s0, $0x0;
	s0 =	rddreg [dreg:$0x2]  }
0x1ff: {  	s0 =	sadd.s32 @!p0 $0x100000, s0  }
0x200: {  	[sflag:s0] =	ssyncadd.tile.s32 @!p0 $0x1;
	_ =	shalt  }
.Lfunc_end2:
_tile_overlayer_lowered:
.L_overlay_start_2:
0x201: {  	(tag) =	ssettag $0x2  }
0x202: {  	s0 =	rddreg [dreg:$0x0];
	s2 =	stileid.u32  }
0x203: {  	s1 =	rddreg [dreg:$0x1];
	p0 =	sne.s32 s2, $0x0  }
0x204: {  	s3 =	rddreg [dreg:$0x2];
	[bflag:$0x3] =	sbarrier.arrive $0xFFFF;
	s2 =	simm.s32 @!p0 $0x1C03  }
0x205: {  	[timem:s3], [sflag:s2] =	dma.local @!p0 [hbm:s0], s1  }
0x206: {  	s0 =	simm.s32 @!p0 $0x3  }
0x207: {  	_ =	swait.ge @!p0 [sflag:s0], s1  }
0x208: {  	s1 =	ssub.s32 @!p0 $0x0, s1;
	[sflag:s0] =	ssyncset.done @!p0 $0x0  }
0x209: {  	[sflag:s0] =	ssyncadd.s32 @!p0 s1  }
0x20a: {  	[bflag:$0x3] =	sbarrier.arrive $0xFFFF  }
0x20b: {  	_ =	shalt  }

// kernel: kernel.8.cloned.1.call-start
scs
__scs_entry_jumppad:
0x0: {  	(pc) =	sbr.rel $0x88, $3  }
0x1: {  	(tag) =	ssettag $0x0;
	lr =	simm.s32 $0x1  }
0x2: {  	[smem:$0x3F9B] =	sst lr;
	_ =	strace $0xD0000000  }
0x3: {  	_ = 	snop  }
0x4: {  	_ = 	snop  }
0x5: {  	_ = 	snop  }
0x6: {  	_ = 	snop  }
0x7: {  	_ = 	snop  }
__scs_overlays_trampoline_lowered:
0x8: {  	[smem:$0x3FAA] =	sst s0  }
0x9: {  	[smem:$0x3FAB] =	sst s1  }
0xa: {  	[smem:$0x3FAC] =	sst s2  }
0xb: {  	[smem:$0x3FAD] =	sst s3  }
0xc: {  	[smem:$0x3FAE] =	sst s4  }
0xd: {  	[smem:$0x3FAF] =	sst s5  }
0xe: {  	[smem:$0x3FB0] =	sst s6  }
0xf: {  	[smem:$0x3FB1] =	sst s7  }
0x10: {  	[smem:$0x3FB2] =	sst s8  }
0x11: {  	[smem:$0x3FB3] =	sst s9;
	s0 =	simm.s32 @!p0 $0x0  }
0x12: {  	s1 =	sld [smem:$0x3F99];
	s0 =	simm.s32 @p0 $0x1  }
0x13: {  	[smem:$0x3FB4] =	sst s0;
	s0 =	simm.s32 @!p1 $0x0  }
0x14: {  	s2 =	sld [smem:$0x3F98];
	s0 =	simm.s32 @p1 $0x1  }
0x15: {  	[smem:$0x3FB5] =	sst s0;
	s0 =	simm.s32 @!p2 $0x0  }
0x16: {  	s3 =	sld [smem:$0x3FDB];
	s0 =	simm.s32 @p2 $0x1  }
0x17: {  	s4 =	simm.s32 $0x1BF5;
	[smem:$0x3FB7] =	sst s0  }
0x18: {  	s0 =	sld [smem:$0x3F9A];
	_ =	swait.ge [sflag:s4], $0x0  }
0x19: {  	s7 =	sld [smem:$0x3F9B]  }
0x1a: {  	s8 =	sadd.s32 $0xFFFFE003, lr  }
0x1b: {  	s9 =	sadd.s32 $0xFFFFFEF7, lr;
	s5 =	simm.s32 $0xFFFFFFFF;
	p2 =	slt.u32 s8, $0xFFFFF086  }
0x1c: {  	p1 =	slt.u32 s9, $0xF7A;
	s5 =	simm.s32 @!p2 $0x0  }
0x1d: {  	s5 =	simm.s32 @p1 $0x1;
	p0 =	seq.s32 s7, s2  }
0x1e: {  	s7 =	smul.u32 @!p0 $0xF7A, s2;
	p2 =	seq.s32 @!p0 s5, $0x0  }
0x1f: {  	s9 =	smul.u32 $0xF7A, s1;
	s8 =	simm.s32 @!p0 $0x1BF5;
	p2 =	por !p2, p0  }
0x20: {  	[sflag:s8] =	ssyncset.s32 @!p0 $0xFFFFF086;
	s6 =	sadd.s32 @!p0 s3, s7;
	s7 =	simm.s32 @!p0 $0x108  }
0x21: {  	s3 =	sadd.s32 s3, s9;
	s6 =	sadd.s32 @!p0 $0x88, s6;
	s7 =	simm.s32 @p2 $0x1082  }
0x22: {  	[simem:s7], [sflag:s8] =	dma.local @!p0 [hbm:s6], $0xF7A  }
0x23: {  	s9 =	sor.u32 $0xD0000000, s2;
	s6 =	simm.s32 $0x108;
	_ =	swait.ge @!p0 [sflag:s8], $0x0  }
0x24: {  	s3 =	sadd.s32 $0x88, s3;
	s6 =	simm.s32 @!p1 $0x1082;
	[sflag:s4] =	ssyncset.s32 $0xFFFFF086  }
0x25: {  	[simem:s6], [sflag:s4] =	dma.local [hbm:s3], $0xF7A  }
0x26: {  	[smem:$0x3F9B] =	sst s1;
	(tag) =	ssettag s2;
	_ =	strace s9  }
0x27: {  	s1 =	sld [smem:$0x3FAB]  }
0x28: {  	s2 =	sld [smem:$0x3FAC]  }
0x29: {  	s4 =	sld [smem:$0x3FAE]  }
0x2a: {  	p0 =	seq.s32 s5, $0x0;
	s5 =	sld [smem:$0x3FAF]  }
0x2b: {  	s6 =	sld [smem:$0x3FB0]  }
0x2c: {  	s7 =	sld [smem:$0x3FB1]  }
0x2d: {  	s3 =	simm.s32 $0x108;
	s8 =	sld [smem:$0x3FB2]  }
0x2e: {  	s3 =	simm.s32 @!p0 $0x1082;
	s9 =	sld [smem:$0x3FB3]  }
0x2f: {  	lr =	sadd.s32 s0, s3;
	s0 =	sld [smem:$0x3FAA]  }
0x30: {  	s3 =	sld [smem:$0x3FAD]  }
0x31: {  	[smem:$0x3FB6] =	sst s10  }
0x32: {  	s10 =	sld [smem:$0x3FB4];
	_ =	sdelay $0x3  }
0x33: {  	p0 =	seq.s32 s10, $0x1;
	s10 =	sld [smem:$0x3FB6];
	_ =	sdelay $0x3  }
0x34: {  	[smem:$0x3FB6] =	sst s10  }
0x35: {  	s10 =	sld [smem:$0x3FB5];
	_ =	sdelay $0x3  }
0x36: {  	p1 =	seq.s32 s10, $0x1;
	s10 =	sld [smem:$0x3FB6];
	_ =	sdelay $0x3  }
0x37: {  	[smem:$0x3FB6] =	sst s10  }
0x38: {  	s10 =	sld [smem:$0x3FB7]  }
0x39: {  	_ = 	snop;
	(pc) =	sbr.ind lr, $3  }
0x3a: {  	_ = 	snop  }
0x3b: {  	_ = 	snop  }
0x3c: {  	p2 =	seq.s32 s10, $0x1;
	s10 =	sld [smem:$0x3FB6]  }
0x3d: {  	_ =	shalt  }
0x3e: {  	_ =	shalt  }
0x3f: {  	_ =	shalt  }
0x40: {  	_ =	shalt  }
0x41: {  	_ =	shalt  }
0x42: {  	_ =	shalt  }
0x43: {  	_ =	shalt  }
0x44: {  	_ =	shalt  }
0x45: {  	_ =	shalt  }
0x46: {  	_ =	shalt  }
0x47: {  	_ =	shalt  }
0x48: {  	_ =	shalt  }
0x49: {  	_ =	shalt  }
0x4a: {  	_ =	shalt  }
0x4b: {  	_ =	shalt  }
0x4c: {  	_ =	shalt  }
0x4d: {  	_ =	shalt  }
0x4e: {  	_ =	shalt  }
0x4f: {  	_ =	shalt  }
0x50: {  	_ =	shalt  }
0x51: {  	_ =	shalt  }
0x52: {  	_ =	shalt  }
0x53: {  	_ =	shalt  }
0x54: {  	_ =	shalt  }
0x55: {  	_ =	shalt  }
0x56: {  	_ =	shalt  }
0x57: {  	_ =	shalt  }
0x58: {  	_ =	shalt  }
0x59: {  	_ =	shalt  }
0x5a: {  	_ =	shalt  }
0x5b: {  	_ =	shalt  }
0x5c: {  	_ =	shalt  }
0x5d: {  	_ =	shalt  }
0x5e: {  	_ =	shalt  }
0x5f: {  	_ =	shalt  }
0x60: {  	_ =	shalt  }
0x61: {  	_ =	shalt  }
0x62: {  	_ =	shalt  }
0x63: {  	_ =	shalt  }
0x64: {  	_ =	shalt  }
0x65: {  	_ =	shalt  }
0x66: {  	_ =	shalt  }
0x67: {  	_ =	shalt  }
0x68: {  	_ =	shalt  }
0x69: {  	_ =	shalt  }
0x6a: {  	_ =	shalt  }
0x6b: {  	_ =	shalt  }
0x6c: {  	_ =	shalt  }
0x6d: {  	_ =	shalt  }
0x6e: {  	_ =	shalt  }
0x6f: {  	_ =	shalt  }
0x70: {  	_ =	shalt  }
0x71: {  	_ =	shalt  }
0x72: {  	_ =	shalt  }
0x73: {  	_ =	shalt  }
0x74: {  	_ =	shalt  }
0x75: {  	_ =	shalt  }
0x76: {  	_ =	shalt  }
0x77: {  	_ =	shalt  }
0x78: {  	_ =	shalt  }
0x79: {  	_ =	shalt  }
0x7a: {  	_ =	shalt  }
0x7b: {  	_ =	shalt  }
0x7c: {  	_ =	shalt  }
0x7d: {  	_ =	shalt  }
0x7e: {  	_ =	shalt  }
0x7f: {  	_ =	shalt  }
0x80: {  	_ =	shalt  }
0x81: {  	_ =	shalt  }
0x82: {  	_ =	shalt  }
0x83: {  	_ =	shalt  }
0x84: {  	_ =	shalt  }
0x85: {  	_ =	shalt  }
0x86: {  	_ =	shalt  }
0x87: {  	_ =	shalt  }
.Lfunc_end0:
.L_simem_size_0:
called_computation_lowered:
.L_overlay_start_0:
0x88: {  	s2 =	sld [smem:$0x3FD9]  }
0x89: {  	s3 =	sld [smem:$0x3FFE];
	_ =	sdelay $0x1  }
0x8a: {  	s1 =	srdreg.scid  }
0x8b: {  	s0 =	sand.u32 $0x1, s1  }
0x8c: {  	s17 =	sshll.u32 s0, $0xA;
	s2 =	sadd.s32 s3, s2  }
0x8d: {  	s2 =	sadd.s32 s2, s17  }
0x8e: {  	[smem:$0x3FC2] =	sst s2  }
0x8f: {  	_ = 	snop  }
0x90: {  	s2 =	sld [smem:$0x3FC9];
	(tm) =	ssettm $0x1  }
0x91: {  	s18 =	sld [smem:$0x3FFB];
	_ =	sdelay $0x3  }
0x92: {  	_ =	strace s18  }
0x93: {  	s3 =	sld [smem:$0x3FFC];
	_ =	sdelay $0x3  }
0x94: {  	_ =	strace s3  }
0x95: {  	s3 =	sld [smem:$0x3FFD];
	_ =	sdelay $0x3  }
0x96: {  	_ =	strace s3  }
0x97: {  	_ =	strace $0x8FFFFFFF  }
0x98: {  	s19 =	sld [smem:$0x3FDB];
	_ =	sdelay $0x1  }
0x99: {  	s4 =	simm.s32 $_scs_section_size  }
0x9a: {  	s5 =	simm.s32 $_size__tile_overlayer_lowered;
	s6 =	simm.s32 $_tile_overlayer_lowered  }
0x9b: {  	s22 =	simm.s32 $0x1BFF;
	s21 =	sshll.u32 s6, $0x1;
	s3 =	sadd.s32 s4, s19  }
0x9c: {  	s7 =	simm.s32 $0x0;
	s20 =	sshll.u32 s5, $0x1;
	s5 =	sadd.s32 s21, s3  }
0x9d: {  	[timem:s7], [sflag:s22] =	dma.local [hbm:s5], s20  }
0x9e: {  	_ =	swait.ge [sflag:s22], s20  }
0x9f: {  	s4 =	ssub.s32 $0x0, s20;
	[sflag:s22] =	ssyncset.done $0x0  }
0xa0: {  	[sflag:s22] =	ssyncadd.s32 s4;
	_ =	sdelay $0x1  }
0xa1: {  	s23 =	simm.s32 $0x1B8B  }
0xa2: {  	_ =	swait.ge [sflag:s23], $0x1  }
0xa3: {  	[sflag:s23] =	ssyncset.done $0x0  }
0xa4: {  	s25 =	simm.s32 $0x1B8E;
	s24 =	sld [smem:$0x3FFE];
	[sflag:s23] =	ssyncadd.s32 $0xFFFFFFFF  }
0xa5: {  	s26 =	simm.s32 $execute0_lowered;
	[smem:$0x3FD2] =	sst s25  }
0xa6: {  	s5 =	sshll.u32 s26, $0x1;
	_ =	strace $0x80000046;
	[dreg:$0x1] =	wrdreg $0xFFFFFFFF  }
0xa7: {  	s28 =	simm.s32 $_size_execute0_lowered;
	s3 =	sadd.s32 s3, s5;
	[dreg:$0x0] =	wrdreg $0x0  }
0xa8: {  	s5 =	sshll.u32 s28, $0x1;
	[dreg:$0x2] =	wrdreg s3  }
0xa9: {  	[dreg:$0x3] =	wrdreg s5  }
0xaa: {  	[dreg:$0x4] =	wrdreg $0xC0  }
0xab: {  	_ =	task [dreg:s7], $0x5FFFF  }
0xac: {  	[dreg:$0x1] =	wrdreg $0xFFFFFFFF  }
0xad: {  	[dreg:$0x0] =	wrdreg $0x60  }
0xae: {  	[dreg:$0x2] =	wrdreg s2  }
0xaf: {  	[dreg:$0x3] =	wrdreg s24  }
0xb0: {  	[dreg:$0x4] =	wrdreg $0x9  }
0xb1: {  	_ =	task.clear_ibuf [dreg:s7], $0x5FFFF;
	_ =	strace $0x90000046  }
0xb2: {  	s29 =	simm.s32 $0x9;
	_ =	strace $0x80000048  }
0xb3: {  	_ =	swait.ge [sflag:s29], $0x1  }
0xb4: {  	[sflag:s29] =	ssyncadd.s32 $0xFFFFFFFF  }
0xb5: {  	_ =	strace $0x90000048  }
0xb6: {  	_ =	sfence  }
0xb7: {  	s30 =	sld [smem:$0x0];
	_ =	sdelay $0x2  }
0xb8: {  	s31 =	sshll.u32 s1, $0xD;
	s1 =	sshrl.u32 s1, $0x2  }
0xb9: {  	s3 =	sand.u32 $0x4000, s31;
	s1 =	sadd.s32 s1, s30  }
0xba: {  	s0 =	sor.u32 s3, s0;
	s1 =	sshll.u32 s1, $0x11  }
0xbb: {  	s0 =	sor.u32 s1, s0  }
0xbc: {  	s0 =	sadd.s32 $0x8F2B, s0  }
0xbd: {  	[sflag:s0] =	ssyncadd.remote.s32 $0x1  }
0xbe: {  	_ =	sfence.sel $0xFFFF  }
0xbf: {  	[dreg:$0x0] =	wrdreg $0xFFFFFFFF;
	(pc) =	sbr.abs _section_cstart, $3  }
0xc0: {  	[dreg:$0x1] =	wrdreg $0xFFFFFFFF  }
0xc1: {  	_ =	task.clear_ibuf [dreg:s7], $0x2FFFF;
	_ =	strace $0x9FFFFFFF  }
0xc2: {  	(tm) =	ssettm $0x7FFFFFFF  }
0xc3: {  	_ =	shalt  }
tec
execute0_lowered:
.L_overlay_start_1:
0x0: {  	(tag) =	ssettag $0x1  }
0x1: {  	s0 =	srdreg.scid  }
0x2: {  	s2 =	stileid.u32;
	s1 =	rddreg [dreg:$0x0]  }
0x3: {  	s5 =	rddreg [dreg:$0x1];
	s25 =	simm.s32 $0xC000;
	s26 =	simm.s32 $0xC080  }
0x4: {  	s7 =	simm.s32 $0x3;
	s10 =	simm.s32 $0x1800;
	s11 =	simm.s32 $0x2000  }
0x5: {  	s12 =	simm.s32 $0x2800;
	s13 =	simm.s32 $0x3000;
	s14 =	simm.s32 $0x3800  }
0x6: {  	s15 =	simm.s32 $0x4000;
	s16 =	simm.s32 $0x4800;
	s17 =	simm.s32 $0x5000  }
0x7: {  	s18 =	simm.s32 $0x5800;
	s19 =	simm.s32 $0x6000;
	s20 =	simm.s32 $0x6800  }
0x8: {  	s21 =	simm.s32 $0x7000;
	s28 =	simm.s32 $0xA000;
	s29 =	simm.s32 $0xA800  }
0x9: {  	s30 =	simm.s32 $0xB000;
	s31 =	simm.s32 $0xB800;
	s0 =	sand.u32 $0x1, s0  }
0xa: {  	s2 =	sshll.u32 s2, $0x4;
	s3 =	sshll.u32 s0, $0x3;
	s0 =	ssub.s32 $0x2, s0  }
0xb: {  	s3 =	sor.u32 s3, s2;
	s2 =	simm.s32 $0x0;
	s23 =	sshrl.u32 s0, $0x1  }
0xc: {  	s4 =	smul.u32 $0x300, s3;
	[smem:$0x7FF] =	sst s2;
	s3 =	sadd.s32 s3, s5  }
0xd: {  	s0 =	ssub.s32 s0, s23;
	s23 =	simm.s32 $0x8000;
	_ =	strace $0x80000047  }
0xe: {  	s22 =	sadd.s32 $0x2800, s3;
	s24 =	sadd.s32 $0x2A00, s3;
	[dreg:$0x6] =	wrdreg s25  }
0xf: {  	s3 =	sadd.s32 $0x12C00, s5;
	s6 =	smax.u32 s0, $0x1;
	[dreg:$0x7] =	wrdreg s26  }
0x10: {  	s25 =	simm.s32 $0x9000;
	s26 =	simm.s32 $0x9800;
	[dreg:$0x4] =	wrdreg s22  }
0x11: {  	v2 =	vlaneseq.u32;
	s0 =	simm.s32 $0x2;
	s1 =	sadd.s32 s1, s4;
	[dreg:$0x5] =	wrdreg s24  }
0x12: {  	vm0 =	vmmov $0xffff;
	v1 =	vshrl.u32 v2, $0x3;
	s4 =	sadd.s32 $0x12D00, s5;
	s5 =	sadd.s32 $0x12E00, s5;
	s22 =	simm.s32 $0x7800  }
0x13: {  	v0 =	vand.u32 $0x7, v2;
	v2 =	vor.u32 $0x8, v2;
	v1 =	vmul.u32 $0x8, v1;
	s24 =	simm.s32 $0x8800;
	[dreg:$0x3] =	wrdreg s1;
	s1 =	simm.s32 $0x1  }
.LBB2_1:
0x14: {  	s8 =	rddreg [dreg:$0x3]  }
0x15: {  	[tilespmem:s2], [sflag:$0x3] =	stream.linear.gather [hbm4b:s8+s2], $0xC000, $0x38;
	[tilespmem:$0xC100] =	vst v63  }
0x16: {  	_ =	swait.ge [sflag:s7], $0xC000  }
0x17: {  	s8 =	rddreg [dreg:$0x4];
	[sflag:s7] =	ssyncset.done $0x0  }
0x18: {  	s9 =	rddreg [dreg:$0x6];
	[sflag:s7] =	ssyncadd.s32 $0xFFFF4000  }
0x19: {  	[tilespmem:s9], [sflag:$0x3] =	stream.linear.gather [hbm4b:s8+s2], $0x40, $0x38;
	[tilespmem:$0xC100] =	vst v63  }
0x1a: {  	_ =	swait.ge [sflag:s7], $0x40  }
0x1b: {  	s8 =	rddreg [dreg:$0x5];
	[sflag:s7] =	ssyncset.done $0x0  }
0x1c: {  	s9 =	rddreg [dreg:$0x7];
	[sflag:s7] =	ssyncadd.s32 $0xFFFFFFC0  }
0x1d: {  	[tilespmem:s9], [sflag:$0x3] =	stream.linear.gather [hbm4b:s8+s2], $0x40, $0x38;
	[tilespmem:$0xC100] =	vst v63  }
0x1e: {  	_ =	swait.ge [sflag:s7], $0x40  }
0x1f: {  	[sflag:s7] =	ssyncset.done $0x0  }
0x20: {  	[sflag:s7] =	ssyncadd.s32 $0xFFFFFFC0  }
0x21: {  	v3 =	vld [tilespmem:$0xC000];
	_ =	sdelay $0x4  }
0x22: {  	v4 =	vshrl.u32 v3, $0x3  }
0x23: {  	v4 =	vmul.u32 $0x30, v4  }
0x24: {  	v3 =	vand.u32 $0x7, v3  }
0x25: {  	v3 =	vor.u32 v3, v4  }
0x26: {  	v4 =	vperm.xlane v3, v0;
	_ =	sdelay $0x1  }
0x27: {  	v4 =	vadd.s32 v1, v4;
	_ =	sdelay $0x3  }
0x28: {  	v3 =	vperm.xlane v3, v2  }
0x29: {  	[hbm4b:s3+s2] =	stream.indirect_vreg.scatter [tilespmem:s2], [sflag:$0x1], $0x80, v4, vm0, $0xb8;
	[tilespmem:$0xC100] =	vst v63  }
0x2a: {  	s8 =	simm.s32 $0x800;
	v3 =	vadd.s32 v1, v3  }
0x2b: {  	[hbm4b:s4+s2] =	stream.indirect_vreg.scatter [tilespmem:s8], [sflag:$0x1], $0x80, v4, vm0, $0xb8;
	[tilespmem:$0xC100] =	vst v63  }
0x2c: {  	s9 =	simm.s32 $0x1000  }
0x2d: {  	[hbm4b:s5+s2] =	stream.indirect_vreg.scatter [tilespmem:s9], [sflag:$0x1], $0x80, v4, vm0, $0xb8;
	[tilespmem:$0xC100] =	vst v63  }
0x2e: {  	_ = 	snop  }
0x2f: {  	[hbm4b:s3+s2] =	stream.indirect_vreg.scatter [tilespmem:s10], [sflag:$0x1], $0x80, v3, vm0, $0xb8;
	[tilespmem:$0xC100] =	vst v63  }
0x30: {  	_ = 	snop  }
0x31: {  	[hbm4b:s4+s2] =	stream.indirect_vreg.scatter [tilespmem:s11], [sflag:$0x1], $0x80, v3, vm0, $0xb8;
	[tilespmem:$0xC100] =	vst v63  }
0x32: {  	_ = 	snop  }
0x33: {  	[hbm4b:s5+s2] =	stream.indirect_vreg.scatter [tilespmem:s12], [sflag:$0x1], $0x80, v3, vm0, $0xb8;
	[tilespmem:$0xC100] =	vst v63  }
0x34: {  	v3 =	vld [tilespmem:$0xC010];
	_ =	sdelay $0x4  }
0x35: {  	v57 =	vshrl.u32 v3, $0x3  }
0x36: {  	v4 =	vmul.u32 $0x30, v57  }
0x37: {  	v3 =	vand.u32 $0x7, v3  }
0x38: {  	v3 =	vor.u32 v3, v4  }
0x39: {  	v4 =	vperm.xlane v3, v0;
	_ =	sdelay $0x1  }
0x3a: {  	v4 =	vadd.s32 v1, v4;
	_ =	sdelay $0x3  }
0x3b: {  	v3 =	vperm.xlane v3, v2  }
0x3c: {  	[hbm4b:s3+s2] =	stream.indirect_vreg.scatter [tilespmem:s13], [sflag:$0x1], $0x80, v4, vm0, $0xb8;
	[tilespmem:$0xC100] =	vst v63  }
0x3d: {  	v3 =	vadd.s32 v1, v3  }
0x3e: {  	[hbm4b:s4+s2] =	stream.indirect_vreg.scatter [tilespmem:s14], [sflag:$0x1], $0x80, v4, vm0, $0xb8;
	[tilespmem:$0xC100] =	vst v63  }
0x3f: {  	_ = 	snop  }
0x40: {  	[hbm4b:s5+s2] =	stream.indirect_vreg.scatter [tilespmem:s15], [sflag:$0x1], $0x80, v4, vm0, $0xb8;
	[tilespmem:$0xC100] =	vst v63  }
0x41: {  	_ = 	snop  }
0x42: {  	[hbm4b:s3+s2] =	stream.indirect_vreg.scatter [tilespmem:s16], [sflag:$0x1], $0x80, v3, vm0, $0xb8;
	[tilespmem:$0xC100] =	vst v63  }
0x43: {  	_ = 	snop  }
0x44: {  	[hbm4b:s4+s2] =	stream.indirect_vreg.scatter [tilespmem:s17], [sflag:$0x1], $0x80, v3, vm0, $0xb8;
	[tilespmem:$0xC100] =	vst v63  }
0x45: {  	_ = 	snop  }
0x46: {  	[hbm4b:s5+s2] =	stream.indirect_vreg.scatter [tilespmem:s18], [sflag:$0x1], $0x80, v3, vm0, $0xb8;
	[tilespmem:$0xC100] =	vst v63  }
0x47: {  	v3 =	vld [tilespmem:$0xC020];
	_ =	sdelay $0x4  }
0x48: {  	v58 =	vshrl.u32 v3, $0x3  }
0x49: {  	v4 =	vmul.u32 $0x30, v58  }
0x4a: {  	v3 =	vand.u32 $0x7, v3  }
0x4b: {  	v3 =	vor.u32 v3, v4  }
0x4c: {  	v4 =	vperm.xlane v3, v0;
	_ =	sdelay $0x1  }
0x4d: {  	v4 =	vadd.s32 v1, v4;
	_ =	sdelay $0x3  }
0x4e: {  	v3 =	vperm.xlane v3, v2  }
0x4f: {  	[hbm4b:s3+s2] =	stream.indirect_vreg.scatter [tilespmem:s19], [sflag:$0x1], $0x80, v4, vm0, $0xb8;
	[tilespmem:$0xC100] =	vst v63  }
0x50: {  	v3 =	vadd.s32 v1, v3  }
0x51: {  	[hbm4b:s4+s2] =	stream.indirect_vreg.scatter [tilespmem:s20], [sflag:$0x1], $0x80, v4, vm0, $0xb8;
	[tilespmem:$0xC100] =	vst v63  }
0x52: {  	_ = 	snop  }
0x53: {  	[hbm4b:s5+s2] =	stream.indirect_vreg.scatter [tilespmem:s21], [sflag:$0x1], $0x80, v4, vm0, $0xb8;
	[tilespmem:$0xC100] =	vst v63  }
0x54: {  	_ = 	snop  }
0x55: {  	[hbm4b:s3+s2] =	stream.indirect_vreg.scatter [tilespmem:s22], [sflag:$0x1], $0x80, v3, vm0, $0xb8;
	[tilespmem:$0xC100] =	vst v63  }
0x56: {  	_ = 	snop  }
0x57: {  	[hbm4b:s4+s2] =	stream.indirect_vreg.scatter [tilespmem:s23], [sflag:$0x1], $0x80, v3, vm0, $0xb8;
	[tilespmem:$0xC100] =	vst v63  }
0x58: {  	_ = 	snop  }
0x59: {  	[hbm4b:s5+s2] =	stream.indirect_vreg.scatter [tilespmem:s24], [sflag:$0x1], $0x80, v3, vm0, $0xb8;
	[tilespmem:$0xC100] =	vst v63  }
0x5a: {  	v3 =	vld [tilespmem:$0xC030];
	_ =	sdelay $0x4  }
0x5b: {  	v59 =	vshrl.u32 v3, $0x3  }
0x5c: {  	v4 =	vmul.u32 $0x30, v59  }
0x5d: {  	v3 =	vand.u32 $0x7, v3  }
0x5e: {  	v3 =	vor.u32 v3, v4  }
0x5f: {  	v4 =	vperm.xlane v3, v0;
	_ =	sdelay $0x1  }
0x60: {  	v4 =	vadd.s32 v1, v4;
	_ =	sdelay $0x3  }
0x61: {  	v3 =	vperm.xlane v3, v2  }
0x62: {  	[hbm4b:s3+s2] =	stream.indirect_vreg.scatter [tilespmem:s25], [sflag:$0x1], $0x80, v4, vm0, $0xb8;
	[tilespmem:$0xC100] =	vst v63  }
0x63: {  	v3 =	vadd.s32 v1, v3  }
0x64: {  	[hbm4b:s4+s2] =	stream.indirect_vreg.scatter [tilespmem:s26], [sflag:$0x1], $0x80, v4, vm0, $0xb8;
	[tilespmem:$0xC100] =	vst v63  }
0x65: {  	_ = 	snop  }
0x66: {  	[hbm4b:s5+s2] =	stream.indirect_vreg.scatter [tilespmem:s28], [sflag:$0x1], $0x80, v4, vm0, $0xb8;
	[tilespmem:$0xC100] =	vst v63  }
0x67: {  	_ = 	snop  }
0x68: {  	[hbm4b:s3+s2] =	stream.indirect_vreg.scatter [tilespmem:s29], [sflag:$0x1], $0x80, v3, vm0, $0xb8;
	[tilespmem:$0xC100] =	vst v63  }
0x69: {  	_ = 	snop  }
0x6a: {  	[hbm4b:s4+s2] =	stream.indirect_vreg.scatter [tilespmem:s30], [sflag:$0x1], $0x80, v3, vm0, $0xb8;
	[tilespmem:$0xC100] =	vst v63  }
0x6b: {  	_ = 	snop  }
0x6c: {  	[hbm4b:s5+s2] =	stream.indirect_vreg.scatter [tilespmem:s31], [sflag:$0x1], $0x80, v3, vm0, $0xb8;
	[tilespmem:$0xC100] =	vst v63  }
0x6d: {  	v3 =	vld [tilespmem:$0xC080];
	_ =	sdelay $0x4  }
0x6e: {  	v60 =	vshrl.u32 v3, $0x3  }
0x6f: {  	v4 =	vmul.u32 $0x30, v60  }
0x70: {  	v3 =	vand.u32 $0x7, v3  }
0x71: {  	v3 =	vor.u32 v3, v4  }
0x72: {  	v4 =	vperm.xlane v3, v0;
	_ =	sdelay $0x1  }
0x73: {  	v4 =	vadd.s32 v1, v4;
	_ =	sdelay $0x3  }
0x74: {  	v3 =	vperm.xlane v3, v2  }
0x75: {  	[hbm4b:s3+s2] =	stream.indirect_vreg.scatter [tilespmem:s2], [sflag:$0x2], $0x80, v4, vm0, $0xb8;
	[tilespmem:$0xC100] =	vst v63  }
0x76: {  	v3 =	vadd.s32 v1, v3  }
0x77: {  	[hbm4b:s4+s2] =	stream.indirect_vreg.scatter [tilespmem:s8], [sflag:$0x2], $0x80, v4, vm0, $0xb8;
	[tilespmem:$0xC100] =	vst v63  }
0x78: {  	_ = 	snop  }
0x79: {  	[hbm4b:s5+s2] =	stream.indirect_vreg.scatter [tilespmem:s9], [sflag:$0x2], $0x80, v4, vm0, $0xb8;
	[tilespmem:$0xC100] =	vst v63  }
0x7a: {  	_ = 	snop  }
0x7b: {  	[hbm4b:s3+s2] =	stream.indirect_vreg.scatter [tilespmem:s10], [sflag:$0x2], $0x80, v3, vm0, $0xb8;
	[tilespmem:$0xC100] =	vst v63  }
0x7c: {  	_ = 	snop  }
0x7d: {  	[hbm4b:s4+s2] =	stream.indirect_vreg.scatter [tilespmem:s11], [sflag:$0x2], $0x80, v3, vm0, $0xb8;
	[tilespmem:$0xC100] =	vst v63  }
0x7e: {  	_ = 	snop  }
0x7f: {  	[hbm4b:s5+s2] =	stream.indirect_vreg.scatter [tilespmem:s12], [sflag:$0x2], $0x80, v3, vm0, $0xb8;
	[tilespmem:$0xC100] =	vst v63  }
0x80: {  	v3 =	vld [tilespmem:$0xC090];
	_ =	sdelay $0x4  }
0x81: {  	v61 =	vshrl.u32 v3, $0x3  }
0x82: {  	v4 =	vmul.u32 $0x30, v61  }
0x83: {  	v3 =	vand.u32 $0x7, v3  }
0x84: {  	v3 =	vor.u32 v3, v4  }
0x85: {  	v4 =	vperm.xlane v3, v0;
	_ =	sdelay $0x1  }
0x86: {  	v4 =	vadd.s32 v1, v4;
	_ =	sdelay $0x3  }
0x87: {  	v3 =	vperm.xlane v3, v2  }
0x88: {  	[hbm4b:s3+s2] =	stream.indirect_vreg.scatter [tilespmem:s13], [sflag:$0x2], $0x80, v4, vm0, $0xb8;
	[tilespmem:$0xC100] =	vst v63  }
0x89: {  	v3 =	vadd.s32 v1, v3  }
0x8a: {  	[hbm4b:s4+s2] =	stream.indirect_vreg.scatter [tilespmem:s14], [sflag:$0x2], $0x80, v4, vm0, $0xb8;
	[tilespmem:$0xC100] =	vst v63  }
0x8b: {  	_ = 	snop  }
0x8c: {  	[hbm4b:s5+s2] =	stream.indirect_vreg.scatter [tilespmem:s15], [sflag:$0x2], $0x80, v4, vm0, $0xb8;
	[tilespmem:$0xC100] =	vst v63  }
0x8d: {  	_ = 	snop  }
0x8e: {  	[hbm4b:s3+s2] =	stream.indirect_vreg.scatter [tilespmem:s16], [sflag:$0x2], $0x80, v3, vm0, $0xb8;
	[tilespmem:$0xC100] =	vst v63  }
0x8f: {  	_ = 	snop  }
0x90: {  	[hbm4b:s4+s2] =	stream.indirect_vreg.scatter [tilespmem:s17], [sflag:$0x2], $0x80, v3, vm0, $0xb8;
	[tilespmem:$0xC100] =	vst v63  }
0x91: {  	_ = 	snop  }
0x92: {  	[hbm4b:s5+s2] =	stream.indirect_vreg.scatter [tilespmem:s18], [sflag:$0x2], $0x80, v3, vm0, $0xb8;
	[tilespmem:$0xC100] =	vst v63  }
0x93: {  	v3 =	vld [tilespmem:$0xC0A0];
	_ =	sdelay $0x4  }
0x94: {  	v62 =	vshrl.u32 v3, $0x3  }
0x95: {  	v4 =	vmul.u32 $0x30, v62  }
0x96: {  	v3 =	vand.u32 $0x7, v3  }
0x97: {  	v3 =	vor.u32 v3, v4  }
0x98: {  	v4 =	vperm.xlane v3, v0;
	_ =	sdelay $0x1  }
0x99: {  	v4 =	vadd.s32 v1, v4;
	_ =	sdelay $0x3  }
0x9a: {  	v3 =	vperm.xlane v3, v2  }
0x9b: {  	[hbm4b:s3+s2] =	stream.indirect_vreg.scatter [tilespmem:s19], [sflag:$0x2], $0x80, v4, vm0, $0xb8;
	[tilespmem:$0xC100] =	vst v63  }
0x9c: {  	v3 =	vadd.s32 v1, v3  }
0x9d: {  	[hbm4b:s4+s2] =	stream.indirect_vreg.scatter [tilespmem:s20], [sflag:$0x2], $0x80, v4, vm0, $0xb8;
	[tilespmem:$0xC100] =	vst v63  }
0x9e: {  	_ = 	snop  }
0x9f: {  	[hbm4b:s5+s2] =	stream.indirect_vreg.scatter [tilespmem:s21], [sflag:$0x2], $0x80, v4, vm0, $0xb8;
	[tilespmem:$0xC100] =	vst v63  }
0xa0: {  	_ = 	snop  }
0xa1: {  	[hbm4b:s3+s2] =	stream.indirect_vreg.scatter [tilespmem:s22], [sflag:$0x2], $0x80, v3, vm0, $0xb8;
	[tilespmem:$0xC100] =	vst v63  }
0xa2: {  	_ = 	snop  }
0xa3: {  	[hbm4b:s4+s2] =	stream.indirect_vreg.scatter [tilespmem:s23], [sflag:$0x2], $0x80, v3, vm0, $0xb8;
	[tilespmem:$0xC100] =	vst v63  }
0xa4: {  	_ = 	snop  }
0xa5: {  	[hbm4b:s5+s2] =	stream.indirect_vreg.scatter [tilespmem:s24], [sflag:$0x2], $0x80, v3, vm0, $0xb8;
	[tilespmem:$0xC100] =	vst v63  }
0xa6: {  	v3 =	vld [tilespmem:$0xC0B0];
	_ =	sdelay $0x4  }
0xa7: {  	v63 =	vshrl.u32 v3, $0x3  }
0xa8: {  	v4 =	vmul.u32 $0x30, v63  }
0xa9: {  	v3 =	vand.u32 $0x7, v3  }
0xaa: {  	v3 =	vor.u32 v3, v4  }
0xab: {  	v4 =	vperm.xlane v3, v0;
	_ =	sdelay $0x1  }
0xac: {  	v4 =	vadd.s32 v1, v4;
	_ =	sdelay $0x3  }
0xad: {  	v3 =	vperm.xlane v3, v2  }
0xae: {  	[hbm4b:s3+s2] =	stream.indirect_vreg.scatter [tilespmem:s25], [sflag:$0x2], $0x80, v4, vm0, $0xb8;
	[tilespmem:$0xC100] =	vst v63  }
0xaf: {  	v3 =	vadd.s32 v1, v3  }
0xb0: {  	[hbm4b:s4+s2] =	stream.indirect_vreg.scatter [tilespmem:s26], [sflag:$0x2], $0x80, v4, vm0, $0xb8;
	[tilespmem:$0xC100] =	vst v63  }
0xb1: {  	_ = 	snop  }
0xb2: {  	[hbm4b:s5+s2] =	stream.indirect_vreg.scatter [tilespmem:s28], [sflag:$0x2], $0x80, v4, vm0, $0xb8;
	[tilespmem:$0xC100] =	vst v63  }
0xb3: {  	_ = 	snop  }
0xb4: {  	[hbm4b:s3+s2] =	stream.indirect_vreg.scatter [tilespmem:s29], [sflag:$0x2], $0x80, v3, vm0, $0xb8;
	[tilespmem:$0xC100] =	vst v63  }
0xb5: {  	_ = 	snop  }
0xb6: {  	[hbm4b:s4+s2] =	stream.indirect_vreg.scatter [tilespmem:s30], [sflag:$0x2], $0x80, v3, vm0, $0xb8;
	[tilespmem:$0xC100] =	vst v63  }
0xb7: {  	_ = 	snop  }
0xb8: {  	[hbm4b:s5+s2] =	stream.indirect_vreg.scatter [tilespmem:s31], [sflag:$0x2], $0x80, v3, vm0, $0xb8;
	[tilespmem:$0xC100] =	vst v63  }
0xb9: {  	p0 =	sne.s32 s6, $0x1;
	_ =	swait.ge [sflag:s1], $0xC000  }
.Ltmp0:
0xba: {  	[sflag:s1] =	ssyncset.done $0x0;
	(pc) =	sbr.rel @p0 .LBB2_1-.Ltmp0, $4  }
0xbb: {  	[sflag:s1] =	ssyncadd.s32 $0xFFFF4000  }
0xbc: {  	_ =	swait.ge [sflag:s0], $0xC000  }
0xbd: {  	[sflag:s0] =	ssyncset.done $0x0  }
0xbe: {  	s6 =	sadd.s32 $0xFFFFFFFF, s6;
	[sflag:s0] =	ssyncadd.s32 $0xFFFF4000  }
0xbf: {  	_ =	sfence.sel $0x180000  }
0xc0: {  	[bflag:$0x0] =	sbarrier.arrive $0xFFFF  }
0xc1: {  	_ =	strace $0x90000047  }
0xc2: {  	s0 =	stileid.u32;
	[bflag:$0x2] =	sbarrier.arrive $0xFFFF  }
0xc3: {  	p0 =	sne.s32 s0, $0x0;
	s0 =	rddreg [dreg:$0x2]  }
0xc4: {  	s0 =	sadd.s32 @!p0 $0x100000, s0  }
0xc5: {  	[sflag:s0] =	ssyncadd.tile.s32 @!p0 $0x1;
	_ =	shalt  }
.Lfunc_end2:
_tile_overlayer_lowered:
.L_overlay_start_2:
0xc6: {  	(tag) =	ssettag $0x2  }
0xc7: {  	s0 =	rddreg [dreg:$0x0];
	s2 =	stileid.u32  }
0xc8: {  	s1 =	rddreg [dreg:$0x1];
	p0 =	sne.s32 s2, $0x0  }
0xc9: {  	s3 =	rddreg [dreg:$0x2];
	[bflag:$0x3] =	sbarrier.arrive $0xFFFF;
	s2 =	simm.s32 @!p0 $0x1C03  }
0xca: {  	[timem:s3], [sflag:s2] =	dma.local @!p0 [hbm:s0], s1  }
0xcb: {  	s0 =	simm.s32 @!p0 $0x3  }
0xcc: {  	_ =	swait.ge @!p0 [sflag:s0], s1  }
0xcd: {  	s1 =	ssub.s32 @!p0 $0x0, s1;
	[sflag:s0] =	ssyncset.done @!p0 $0x0  }
0xce: {  	[sflag:s0] =	ssyncadd.s32 @!p0 s1  }
0xcf: {  	[bflag:$0x3] =	sbarrier.arrive $0xFFFF  }
0xd0: {  	_ =	shalt  }

</sc_bundles>
